<compile_context>
chip_gen: v7x
topology: tpu7x:2x2x1
jax: 0.10.2.dev20260603
libtpu: 0.0.44.dev20260713+nightly
codegen_flags: <defaults>
</compile_context>

<pallas_src>
import functools

import jax
import jax.numpy as jnp
from jax import lax
from jax.experimental import pallas as pl
from jax.experimental.pallas import tpu as pltpu
from jax.experimental.pallas import tpu_sc as plsc

N_NODES = 10000
N_EDGES = 320000
NUM_CORES = 2
NUM_SUBCORES = 16
NUM_WORKERS = NUM_CORES * NUM_SUBCORES
EDGES_PER_WORKER = N_EDGES // NUM_WORKERS
CHUNK = 250
NCHUNK = EDGES_PER_WORKER // CHUNK
ROWS_PER_TILE = N_NODES // NUM_SUBCORES
DEG_W = 16
NBUF = 4

_MESH = plsc.VectorSubcoreMesh(core_axis_name="c", subcore_axis_name="s")
_SC_PARAMS = pltpu.CompilerParams(use_tc_tiling_on_sc=False)



def _sc_degree(e3, ones, zeros):

    @functools.partial(
        pl.kernel,
        out_type=jax.ShapeDtypeStruct((NUM_CORES, N_NODES, DEG_W), jnp.float32),
        mesh=_MESH,
        compiler_params=_SC_PARAMS,
        scratch_types=[
            pltpu.VMEM((NCHUNK, CHUNK), jnp.int32),
            pltpu.VMEM((CHUNK, DEG_W), jnp.float32),
            pltpu.VMEM_SHARED((N_NODES, DEG_W), jnp.float32),
            pltpu.SemaphoreType.DMA,
            [pltpu.SemaphoreType.DMA] * 3,
        ],
    )
    def k(e3_hbm, ones_hbm, zeros_hbm, out_hbm, dstv, onesv, acc, sem, isems):
        c = lax.axis_index("c")
        s = lax.axis_index("s")
        w = c * NUM_SUBCORES + s
        rows = pl.ds(s * ROWS_PER_TILE, ROWS_PER_TILE)
        cp0 = pltpu.async_copy(e3_hbm.at[1, pl.ds(w * NCHUNK, NCHUNK)], dstv,
                               isems[0])
        cp1 = pltpu.async_copy(ones_hbm, onesv, isems[1])
        cp2 = pltpu.async_copy(zeros_hbm, acc.at[rows], isems[2])
        cp0.wait()
        cp1.wait()
        cp2.wait()
        plsc.subcore_barrier()

        def fire(i, carry):
            pltpu.async_copy(onesv, acc.at[dstv.at[i]], sem, add=True)
            return carry

        lax.fori_loop(0, NCHUNK, fire, 0)

        def drain(i, carry):
            pltpu.make_async_copy(onesv, acc.at[dstv.at[i]], sem).wait()
            return carry

        lax.fori_loop(0, NCHUNK, drain, 0)
        plsc.subcore_barrier()
        pltpu.sync_copy(acc.at[rows], out_hbm.at[c, rows])

    return k(e3, ones, zeros)


def _sc_aggregate(hp, e3, zeros, feat):

    @functools.partial(
        pl.kernel,
        out_type=jax.ShapeDtypeStruct((NUM_CORES, N_NODES, feat), jnp.float32),
        mesh=_MESH,
        compiler_params=_SC_PARAMS,
        scratch_types=[
            pltpu.VMEM((NCHUNK, CHUNK), jnp.int32),
            pltpu.VMEM((NCHUNK, CHUNK), jnp.int32),
            [pltpu.VMEM((CHUNK, feat), jnp.float32)] * NBUF,
            pltpu.VMEM_SHARED((N_NODES, feat), jnp.float32),
            pltpu.VMEM_SHARED((N_NODES, feat), jnp.float32),
            [pltpu.SemaphoreType.DMA] * NBUF,
            [pltpu.SemaphoreType.DMA] * NBUF,
        ],
    )
    def k(hp_hbm, e3_hbm, zeros_hbm, out_hbm, srcv, dstv, bufs, acc, hps,
          gsems, ssems):
        c = lax.axis_index("c")
        s = lax.axis_index("s")
        w = c * NUM_SUBCORES + s
        rows = pl.ds(s * ROWS_PER_TILE, ROWS_PER_TILE)
        cp0 = pltpu.async_copy(e3_hbm.at[0, pl.ds(w * NCHUNK, NCHUNK)], srcv,
                               gsems[0])
        cp1 = pltpu.async_copy(e3_hbm.at[1, pl.ds(w * NCHUNK, NCHUNK)], dstv,
                               gsems[1])
        cp2 = pltpu.async_copy(zeros_hbm, acc.at[rows], gsems[2])
        cp3 = pltpu.async_copy(hp_hbm.at[rows], hps.at[rows], gsems[3])
        cp0.wait()
        cp1.wait()
        cp2.wait()
        cp3.wait()
        plsc.subcore_barrier()

        def gather(i, b):
            pltpu.async_copy(hps.at[srcv.at[i]], bufs[b], gsems[b])

        def gwait(i, b):
            pltpu.make_async_copy(hps.at[srcv.at[i]], bufs[b], gsems[b]).wait()

        def scat(i, b):
            pltpu.async_copy(bufs[b], acc.at[dstv.at[i]], ssems[b], add=True)

        def swait(i, b):
            pltpu.make_async_copy(bufs[b], acc.at[dstv.at[i]], ssems[b]).wait()

        gather(0, 0)
        gather(1, 1)
        for i in (0, 1):
            gwait(i, i)
            scat(i, i)
            gather(i + 2, i + 2)

        def body(kk, carry):
            for j in range(NBUF):
                i = NBUF * kk + j + 2
                b = (j + 2) % NBUF
                gwait(i, b)
                scat(i, b)
                swait(i - 2, j)
                gather(i + 2, j)
            return carry

        lax.fori_loop(0, (NCHUNK - 4) // NBUF, body, 0)
        for i in (NCHUNK - 2, NCHUNK - 1):
            b = i % NBUF
            gwait(i, b)
            scat(i, b)
            swait(i - 2, (i + 2) % NBUF)
        swait(NCHUNK - 2, (NCHUNK - 2) % NBUF)
        swait(NCHUNK - 1, (NCHUNK - 1) % NBUF)
        plsc.subcore_barrier()
        pltpu.sync_copy(acc.at[rows], out_hbm.at[c, rows])

    return k(hp, e3, zeros)



def _tc_stage1(x, w, degp):

    def body(x_ref, w_ref, degp_ref, hp_ref, self_ref, dis_ref):
        deg = degp_ref[0, :, 0:1] + degp_ref[1, :, 0:1] + 1.0
        dis = lax.rsqrt(deg)
        h = jnp.dot(x_ref[...], w_ref[...], preferred_element_type=jnp.float32)
        hp_ref[...] = h * dis
        self_ref[...] = h / deg
        dis_ref[...] = dis

    d = w.shape[1]
    return pl.pallas_call(
        body,
        out_shape=[
            jax.ShapeDtypeStruct((N_NODES, d), jnp.float32),
            jax.ShapeDtypeStruct((N_NODES, d), jnp.float32),
            jax.ShapeDtypeStruct((N_NODES, 1), jnp.float32),
        ],
    )(x, w, degp)


def _tc_mid(accp, selfp, dis, b, w):

    def body(accp_ref, self_ref, dis_ref, b_ref, w_ref, hp_ref, so_ref):
        dis_ = dis_ref[...]
        z = dis_ * (accp_ref[0] + accp_ref[1]) + self_ref[...] + b_ref[...]
        a = jnp.maximum(z, 0.0)
        h = jnp.dot(a, w_ref[...], preferred_element_type=jnp.float32)
        hp_ref[...] = h * dis_
        so_ref[...] = h * (dis_ * dis_)

    d2 = w.shape[1]
    return pl.pallas_call(
        body,
        out_shape=[
            jax.ShapeDtypeStruct((N_NODES, d2), jnp.float32),
            jax.ShapeDtypeStruct((N_NODES, d2), jnp.float32),
        ],
    )(accp, selfp, dis, b, w)


def _tc_final(accp, selfp, dis, b):
    def body(accp_ref, self_ref, dis_ref, b_ref, o_ref):
        z = (dis_ref[...] * (accp_ref[0] + accp_ref[1])
             + self_ref[...] + b_ref[...])
        m = jnp.max(z, axis=1, keepdims=True)
        e = jnp.exp(z - m)
        o_ref[...] = (z - m) - jnp.log(jnp.sum(e, axis=1, keepdims=True))

    d = selfp.shape[1]
    return pl.pallas_call(
        body,
        out_shape=jax.ShapeDtypeStruct((N_NODES, d), jnp.float32),
    )(accp, selfp, dis, b)



def kernel(x, edge_index, W1, b1, W2, b2, W3, b3):
    e3 = edge_index.reshape(2, NUM_WORKERS * NCHUNK, CHUNK)
    ones = jnp.ones((CHUNK, DEG_W), jnp.float32)

    degp = _sc_degree(e3, ones, jnp.zeros((ROWS_PER_TILE, DEG_W), jnp.float32))
    hp1, self1, dis = _tc_stage1(x, W1, degp)

    acc1 = _sc_aggregate(hp1, e3, jnp.zeros((ROWS_PER_TILE, 32), jnp.float32), 32)
    hp2, self2 = _tc_mid(acc1, self1, dis, b1.reshape(1, -1), W2)

    acc2 = _sc_aggregate(hp2, e3, jnp.zeros((ROWS_PER_TILE, 16), jnp.float32), 16)
    hp3, self3 = _tc_mid(acc2, self2, dis, b2.reshape(1, -1), W3)

    acc3 = _sc_aggregate(hp3, e3, jnp.zeros((ROWS_PER_TILE, 40), jnp.float32), 40)
    return _tc_final(acc3, self3, dis, b3.reshape(1, -1))

# --- scband reference (transcript-rebuilt; emitter-appended) ---
"""Pipeline reference for scband-gcn-69630009802900 (READ-ONLY COPY).

The authoritative reference and input builder live on the scoring server;
editing this copy changes nothing except your own understanding.
"""

import jax, jax.numpy as jnp
import numpy as np

N_NODES = 10000
N_EDGES = 320000
INPUT_DIM = 128
OUTPUT_DIM = 40


def glorot(key, shape):
    limit = float(np.sqrt(6.0 / (shape[0] + shape[1])))
    return jax.random.uniform(key, shape, jnp.float32, -limit, limit)


def setup_inputs(seed: int = 0) -> dict:
    key = jax.random.key(seed)
    ks = jax.random.split(key, 8)
    x = jax.random.normal(ks[0], (N_NODES, INPUT_DIM), dtype=jnp.float32)
    edge_index = jax.random.randint(ks[1], (2, N_EDGES), 0, N_NODES, dtype=jnp.int64 if jax.config.jax_enable_x64 else jnp.int32).astype(jnp.int32)
    W1 = glorot(ks[2], (INPUT_DIM, 32))
    b1 = jnp.zeros((32,), jnp.float32)
    W2 = glorot(ks[3], (32, 16))
    b2 = jnp.zeros((16,), jnp.float32)
    W3 = glorot(ks[4], (16, OUTPUT_DIM))
    b3 = jnp.zeros((OUTPUT_DIM,), jnp.float32)
    return {"x": x, "edge_index": edge_index, "W1": W1, "b1": b1, "W2": W2, "b2": b2, "W3": W3, "b3": b3}


def gcn_conv(x, edge_index, W, b, num_nodes):
    # Faithful PyG GCNConv: add self-loops, symmetric D^{-1/2} A D^{-1/2} normalization
    loop = jnp.arange(num_nodes, dtype=edge_index.dtype)
    src = jnp.concatenate([edge_index[0], loop])
    dst = jnp.concatenate([edge_index[1], loop])
    deg = jnp.zeros((num_nodes,), jnp.float32).at[dst].add(1.0)
    deg_inv_sqrt = jnp.where(deg > 0, deg ** -0.5, 0.0)
    norm = deg_inv_sqrt[src] * deg_inv_sqrt[dst]
    h = x @ W
    msg = h[src] * norm[:, None]
    out = jnp.zeros((num_nodes, h.shape[1]), jnp.float32).at[dst].add(msg)
    return out + b


def reference(x, edge_index, W1, b1, W2, b2, W3, b3):
    num_nodes = x.shape[0]
    h = gcn_conv(x, edge_index, W1, b1, num_nodes)
    h = jax.nn.relu(h)
    # dropout p=0.5 is identity in eval mode (training=False)
    h = gcn_conv(h, edge_index, W2, b2, num_nodes)
    h = jax.nn.relu(h)
    h = gcn_conv(h, edge_index, W3, b3, num_nodes)
    return jax.nn.log_softmax(h, axis=1)

if __name__ == "__main__":
    import jax
    _d = setup_inputs()
    print(jax.jit(kernel)(*tuple(_d.values())))

</pallas_src>

<mosaic_0001>
#map = affine_map<(d0, d1) -> (0, 0)>
#map1 = affine_map<(d0, d1) -> (0, 0, 0)>
module attributes {stable_mosaic.version = 14 : i64} {
  func.func @k(%arg0: i32, %arg1: i32, %arg2: memref<10000x16xf32, #tpu.memory_space<hbm>>, %arg3: memref<2x1280x250xi32, #tpu.memory_space<hbm>>, %arg4: memref<625x16xf32, #tpu.memory_space<hbm>>, %arg5: memref<2x10000x16xf32, #tpu.memory_space<hbm>>, %arg6: memref<40x250xi32, #tpu.memory_space<vmem>>, %arg7: memref<40x250xi32, #tpu.memory_space<vmem>>, %arg8: memref<250x16xf32, #tpu.memory_space<vmem>>, %arg9: memref<250x16xf32, #tpu.memory_space<vmem>>, %arg10: memref<250x16xf32, #tpu.memory_space<vmem>>, %arg11: memref<250x16xf32, #tpu.memory_space<vmem>>, %arg12: memref<10000x16xf32, #tpu.memory_space<vmem_shared>>, %arg13: memref<10000x16xf32, #tpu.memory_space<vmem_shared>>, %arg14: memref<!tpu.dma_semaphore, #tpu.memory_space<semaphore_mem>>, %arg15: memref<!tpu.dma_semaphore, #tpu.memory_space<semaphore_mem>>, %arg16: memref<!tpu.dma_semaphore, #tpu.memory_space<semaphore_mem>>, %arg17: memref<!tpu.dma_semaphore, #tpu.memory_space<semaphore_mem>>, %arg18: memref<!tpu.dma_semaphore, #tpu.memory_space<semaphore_mem>>, %arg19: memref<!tpu.dma_semaphore, #tpu.memory_space<semaphore_mem>>, %arg20: memref<!tpu.dma_semaphore, #tpu.memory_space<semaphore_mem>>, %arg21: memref<!tpu.dma_semaphore, #tpu.memory_space<semaphore_mem>>) attributes {dimension_semantics = [#tpu.dimension_semantics<core_parallel>, #tpu.dimension_semantics<subcore_parallel>], iteration_bounds = array<i64: 2, 16>, scalar_prefetch = 0 : i64, scratch_operands = 16 : i64, tpu.core_type = #tpu.core_type<sc_vector_subcore>, window_params = [{transform_indices = #map}, {transform_indices = #map1}, {transform_indices = #map}, {transform_indices = #map1}]} {
    %mul3A = arith.constant 16 : i32
    %mul3A_0 = arith.muli %arg0, %mul3A : i32
    %add3A = arith.addi %mul3A_0, %arg1 : i32
    %mul3A_1 = arith.constant 625 : i32
    %mul3A_2 = arith.muli %arg1, %mul3A_1 : i32
    %mul3A_3 = arith.constant 40 : i32
    %mul3A_4 = arith.muli %add3A, %mul3A_3 : i32
    %dma_start3A = arith.constant 0 : i32
    %dma_start3A_5 = arith.constant 0 : i32
    %dma_start3A_6 = tpu.memref_slice %arg3[%dma_start3A, %mul3A_4, %dma_start3A_5] : memref<2x1280x250xi32, #tpu.memory_space<hbm>> -> memref<1x40x250xi32, #tpu.memory_space<hbm>>
    %dma_start3A_7 = tpu.memref_squeeze %dma_start3A_6 : memref<1x40x250xi32, #tpu.memory_space<hbm>> -> memref<40x250xi32, #tpu.memory_space<hbm>>
    %dma_start3A_8 = arith.constant 0 : i32
    %dma_start3A_9 = tpu.memref_slice %arg3[%dma_start3A, %mul3A_4, %dma_start3A_8] : memref<2x1280x250xi32, #tpu.memory_space<hbm>> -> memref<1x40x250xi32, #tpu.memory_space<hbm>>
    %dma_start3A_10 = tpu.memref_squeeze %dma_start3A_9 : memref<1x40x250xi32, #tpu.memory_space<hbm>> -> memref<40x250xi32, #tpu.memory_space<hbm>>
    tpu.enqueue_dma source(%dma_start3A_10 : memref<40x250xi32, #tpu.memory_space<hbm>>) target(%arg6 : memref<40x250xi32, #tpu.memory_space<vmem>>) target_semaphore(%arg14 : memref<!tpu.dma_semaphore, #tpu.memory_space<semaphore_mem>>)
    %mul3A_11 = arith.constant 40 : i32
    %mul3A_12 = arith.muli %add3A, %mul3A_11 : i32
    %dma_start3A_13 = arith.constant 1 : i32
    %dma_start3A_14 = arith.constant 0 : i32
    %dma_start3A_15 = tpu.memref_slice %arg3[%dma_start3A_13, %mul3A_12, %dma_start3A_14] : memref<2x1280x250xi32, #tpu.memory_space<hbm>> -> memref<1x40x250xi32, #tpu.memory_space<hbm>>
    %dma_start3A_16 = tpu.memref_squeeze %dma_start3A_15 : memref<1x40x250xi32, #tpu.memory_space<hbm>> -> memref<40x250xi32, #tpu.memory_space<hbm>>
    %dma_start3A_17 = arith.constant 0 : i32
    %dma_start3A_18 = tpu.memref_slice %arg3[%dma_start3A_13, %mul3A_12, %dma_start3A_17] : memref<2x1280x250xi32, #tpu.memory_space<hbm>> -> memref<1x40x250xi32, #tpu.memory_space<hbm>>
    %dma_start3A_19 = tpu.memref_squeeze %dma_start3A_18 : memref<1x40x250xi32, #tpu.memory_space<hbm>> -> memref<40x250xi32, #tpu.memory_space<hbm>>
    tpu.enqueue_dma source(%dma_start3A_19 : memref<40x250xi32, #tpu.memory_space<hbm>>) target(%arg7 : memref<40x250xi32, #tpu.memory_space<vmem>>) target_semaphore(%arg15 : memref<!tpu.dma_semaphore, #tpu.memory_space<semaphore_mem>>)
    %dma_start3A_20 = arith.constant 0 : i32
    %dma_start3A_21 = tpu.memref_slice %arg12[%mul3A_2, %dma_start3A_20] : memref<10000x16xf32, #tpu.memory_space<vmem_shared>> -> memref<625x16xf32, #tpu.memory_space<vmem_shared>>
    tpu.enqueue_dma source(%arg4 : memref<625x16xf32, #tpu.memory_space<hbm>>) target(%dma_start3A_21 : memref<625x16xf32, #tpu.memory_space<vmem_shared>>) target_semaphore(%arg16 : memref<!tpu.dma_semaphore, #tpu.memory_space<semaphore_mem>>)
    %dma_start3A_22 = arith.constant 0 : i32
    %dma_start3A_23 = tpu.memref_slice %arg13[%mul3A_2, %dma_start3A_22] : memref<10000x16xf32, #tpu.memory_space<vmem_shared>> -> memref<625x16xf32, #tpu.memory_space<vmem_shared>>
    %dma_start3A_24 = arith.constant 0 : i32
    %dma_start3A_25 = tpu.memref_slice %arg2[%mul3A_2, %dma_start3A_24] : memref<10000x16xf32, #tpu.memory_space<hbm>> -> memref<625x16xf32, #tpu.memory_space<hbm>>
    tpu.enqueue_dma source(%dma_start3A_25 : memref<625x16xf32, #tpu.memory_space<hbm>>) target(%dma_start3A_23 : memref<625x16xf32, #tpu.memory_space<vmem_shared>>) target_semaphore(%arg17 : memref<!tpu.dma_semaphore, #tpu.memory_space<semaphore_mem>>)
    %dma_wait3A = arith.constant 0 : i32
    %dma_wait3A_26 = arith.constant 0 : i32
    %dma_wait3A_27 = tpu.memref_slice %arg3[%dma_wait3A, %mul3A_4, %dma_wait3A_26] : memref<2x1280x250xi32, #tpu.memory_space<hbm>> -> memref<1x40x250xi32, #tpu.memory_space<hbm>>
    %dma_wait3A_28 = tpu.memref_squeeze %dma_wait3A_27 : memref<1x40x250xi32, #tpu.memory_space<hbm>> -> memref<40x250xi32, #tpu.memory_space<hbm>>
    %dma_wait3A_29 = arith.constant 0 : i32
    %dma_wait3A_30 = tpu.memref_slice %arg3[%dma_wait3A, %mul3A_4, %dma_wait3A_29] : memref<2x1280x250xi32, #tpu.memory_space<hbm>> -> memref<1x40x250xi32, #tpu.memory_space<hbm>>
    %dma_wait3A_31 = tpu.memref_squeeze %dma_wait3A_30 : memref<1x40x250xi32, #tpu.memory_space<hbm>> -> memref<40x250xi32, #tpu.memory_space<hbm>>
    tpu.wait_dma2 semaphore(%arg14 : memref<!tpu.dma_semaphore, #tpu.memory_space<semaphore_mem>>) src(%dma_wait3A_31 : memref<40x250xi32, #tpu.memory_space<hbm>>) dst(%arg6 : memref<40x250xi32, #tpu.memory_space<vmem>>)
    %dma_wait3A_32 = arith.constant 1 : i32
    %dma_wait3A_33 = arith.constant 0 : i32
    %dma_wait3A_34 = tpu.memref_slice %arg3[%dma_wait3A_32, %mul3A_12, %dma_wait3A_33] : memref<2x1280x250xi32, #tpu.memory_space<hbm>> -> memref<1x40x250xi32, #tpu.memory_space<hbm>>
    %dma_wait3A_35 = tpu.memref_squeeze %dma_wait3A_34 : memref<1x40x250xi32, #tpu.memory_space<hbm>> -> memref<40x250xi32, #tpu.memory_space<hbm>>
    %dma_wait3A_36 = arith.constant 0 : i32
    %dma_wait3A_37 = tpu.memref_slice %arg3[%dma_wait3A_32, %mul3A_12, %dma_wait3A_36] : memref<2x1280x250xi32, #tpu.memory_space<hbm>> -> memref<1x40x250xi32, #tpu.memory_space<hbm>>
    %dma_wait3A_38 = tpu.memref_squeeze %dma_wait3A_37 : memref<1x40x250xi32, #tpu.memory_space<hbm>> -> memref<40x250xi32, #tpu.memory_space<hbm>>
    tpu.wait_dma2 semaphore(%arg15 : memref<!tpu.dma_semaphore, #tpu.memory_space<semaphore_mem>>) src(%dma_wait3A_38 : memref<40x250xi32, #tpu.memory_space<hbm>>) dst(%arg7 : memref<40x250xi32, #tpu.memory_space<vmem>>)
    %dma_wait3A_39 = arith.constant 0 : i32
    %dma_wait3A_40 = tpu.memref_slice %arg12[%mul3A_2, %dma_wait3A_39] : memref<10000x16xf32, #tpu.memory_space<vmem_shared>> -> memref<625x16xf32, #tpu.memory_space<vmem_shared>>
    tpu.wait_dma2 semaphore(%arg16 : memref<!tpu.dma_semaphore, #tpu.memory_space<semaphore_mem>>) src(%arg4 : memref<625x16xf32, #tpu.memory_space<hbm>>) dst(%dma_wait3A_40 : memref<625x16xf32, #tpu.memory_space<vmem_shared>>)
    %dma_wait3A_41 = arith.constant 0 : i32
    %dma_wait3A_42 = tpu.memref_slice %arg13[%mul3A_2, %dma_wait3A_41] : memref<10000x16xf32, #tpu.memory_space<vmem_shared>> -> memref<625x16xf32, #tpu.memory_space<vmem_shared>>
    %dma_wait3A_43 = arith.constant 0 : i32
    %dma_wait3A_44 = tpu.memref_slice %arg2[%mul3A_2, %dma_wait3A_43] : memref<10000x16xf32, #tpu.memory_space<hbm>> -> memref<625x16xf32, #tpu.memory_space<hbm>>
    tpu.wait_dma2 semaphore(%arg17 : memref<!tpu.dma_semaphore, #tpu.memory_space<semaphore_mem>>) src(%dma_wait3A_44 : memref<625x16xf32, #tpu.memory_space<hbm>>) dst(%dma_wait3A_42 : memref<625x16xf32, #tpu.memory_space<vmem_shared>>)
    %barrier3A = arith.constant 0 : index
    tpu.barrier barrier_id(%barrier3A)
    %dma_start3A_45 = arith.constant 0 : i32
    %dma_start3A_46 = arith.constant 0 : i32
    %dma_start3A_47 = tpu.memref_slice %arg6[%dma_start3A_45, %dma_start3A_46] : memref<40x250xi32, #tpu.memory_space<vmem>> -> memref<1x250xi32, #tpu.memory_space<vmem>>
    %dma_start3A_48 = tpu.memref_squeeze %dma_start3A_47 : memref<1x250xi32, #tpu.memory_space<vmem>> -> memref<250xi32, #tpu.memory_space<vmem>>
    %dma_start3A_49 = arith.constant 0 : i32
    %dma_start3A_50 = arith.constant 0 : i32
    %dma_start3A_51 = tpu.memref_slice %arg13[%dma_start3A_49, %dma_start3A_50] : memref<10000x16xf32, #tpu.memory_space<vmem_shared>> -> memref<10000x16xf32, #tpu.memory_space<vmem_shared>>
    tpu.enqueue_indirect_dma source(%dma_start3A_51 : memref<10000x16xf32, #tpu.memory_space<vmem_shared>>) target(%arg8 : memref<250x16xf32, #tpu.memory_space<vmem>>) offsets(%dma_start3A_48 : memref<250xi32, #tpu.memory_space<vmem>>) semaphore(%arg14 : memref<!tpu.dma_semaphore, #tpu.memory_space<semaphore_mem>>)
    %dma_start3A_52 = arith.constant 1 : i32
    %dma_start3A_53 = arith.constant 0 : i32
    %dma_start3A_54 = tpu.memref_slice %arg6[%dma_start3A_52, %dma_start3A_53] : memref<40x250xi32, #tpu.memory_space<vmem>> -> memref<1x250xi32, #tpu.memory_space<vmem>>
    %dma_start3A_55 = tpu.memref_squeeze %dma_start3A_54 : memref<1x250xi32, #tpu.memory_space<vmem>> -> memref<250xi32, #tpu.memory_space<vmem>>
    %dma_start3A_56 = arith.constant 0 : i32
    %dma_start3A_57 = arith.constant 0 : i32
    %dma_start3A_58 = tpu.memref_slice %arg13[%dma_start3A_56, %dma_start3A_57] : memref<10000x16xf32, #tpu.memory_space<vmem_shared>> -> memref<10000x16xf32, #tpu.memory_space<vmem_shared>>
    tpu.enqueue_indirect_dma source(%dma_start3A_58 : memref<10000x16xf32, #tpu.memory_space<vmem_shared>>) target(%arg9 : memref<250x16xf32, #tpu.memory_space<vmem>>) offsets(%dma_start3A_55 : memref<250xi32, #tpu.memory_space<vmem>>) semaphore(%arg15 : memref<!tpu.dma_semaphore, #tpu.memory_space<semaphore_mem>>)
    %dma_wait3A_59 = arith.constant 0 : i32
    %dma_wait3A_60 = arith.constant 0 : i32
    %dma_wait3A_61 = tpu.memref_slice %arg6[%dma_wait3A_59, %dma_wait3A_60] : memref<40x250xi32, #tpu.memory_space<vmem>> -> memref<1x250xi32, #tpu.memory_space<vmem>>
    %dma_wait3A_62 = tpu.memref_squeeze %dma_wait3A_61 : memref<1x250xi32, #tpu.memory_space<vmem>> -> memref<250xi32, #tpu.memory_space<vmem>>
    %dma_wait3A_63 = arith.constant 0 : i32
    %dma_wait3A_64 = arith.constant 0 : i32
    %dma_wait3A_65 = tpu.memref_slice %arg13[%dma_wait3A_63, %dma_wait3A_64] : memref<10000x16xf32, #tpu.memory_space<vmem_shared>> -> memref<10000x16xf32, #tpu.memory_space<vmem_shared>>
    tpu.wait_indirect_dma semaphore(%arg14 : memref<!tpu.dma_semaphore, #tpu.memory_space<semaphore_mem>>) src(%dma_wait3A_65 : memref<10000x16xf32, #tpu.memory_space<vmem_shared>>) dst(%arg8 : memref<250x16xf32, #tpu.memory_space<vmem>>)
    %dma_start3A_66 = arith.constant 0 : i32
    %dma_start3A_67 = arith.constant 0 : i32
    %dma_start3A_68 = tpu.memref_slice %arg7[%dma_start3A_66, %dma_start3A_67] : memref<40x250xi32, #tpu.memory_space<vmem>> -> memref<1x250xi32, #tpu.memory_space<vmem>>
    %dma_start3A_69 = tpu.memref_squeeze %dma_start3A_68 : memref<1x250xi32, #tpu.memory_space<vmem>> -> memref<250xi32, #tpu.memory_space<vmem>>
    %dma_start3A_70 = arith.constant 0 : i32
    %dma_start3A_71 = arith.constant 0 : i32
    %dma_start3A_72 = tpu.memref_slice %arg12[%dma_start3A_70, %dma_start3A_71] : memref<10000x16xf32, #tpu.memory_space<vmem_shared>> -> memref<10000x16xf32, #tpu.memory_space<vmem_shared>>
    tpu.enqueue_indirect_dma source(%arg8 : memref<250x16xf32, #tpu.memory_space<vmem>>) target(%dma_start3A_72 : memref<10000x16xf32, #tpu.memory_space<vmem_shared>>) offsets(%dma_start3A_69 : memref<250xi32, #tpu.memory_space<vmem>>) semaphore(%arg18 : memref<!tpu.dma_semaphore, #tpu.memory_space<semaphore_mem>>) {add = true}
    %dma_start3A_73 = arith.constant 2 : i32
    %dma_start3A_74 = arith.constant 0 : i32
    %dma_start3A_75 = tpu.memref_slice %arg6[%dma_start3A_73, %dma_start3A_74] : memref<40x250xi32, #tpu.memory_space<vmem>> -> memref<1x250xi32, #tpu.memory_space<vmem>>
    %dma_start3A_76 = tpu.memref_squeeze %dma_start3A_75 : memref<1x250xi32, #tpu.memory_space<vmem>> -> memref<250xi32, #tpu.memory_space<vmem>>
    %dma_start3A_77 = arith.constant 0 : i32
    %dma_start3A_78 = arith.constant 0 : i32
    %dma_start3A_79 = tpu.memref_slice %arg13[%dma_start3A_77, %dma_start3A_78] : memref<10000x16xf32, #tpu.memory_space<vmem_shared>> -> memref<10000x16xf32, #tpu.memory_space<vmem_shared>>
    tpu.enqueue_indirect_dma source(%dma_start3A_79 : memref<10000x16xf32, #tpu.memory_space<vmem_shared>>) target(%arg10 : memref<250x16xf32, #tpu.memory_space<vmem>>) offsets(%dma_start3A_76 : memref<250xi32, #tpu.memory_space<vmem>>) semaphore(%arg16 : memref<!tpu.dma_semaphore, #tpu.memory_space<semaphore_mem>>)
    %dma_wait3A_80 = arith.constant 1 : i32
    %dma_wait3A_81 = arith.constant 0 : i32
    %dma_wait3A_82 = tpu.memref_slice %arg6[%dma_wait3A_80, %dma_wait3A_81] : memref<40x250xi32, #tpu.memory_space<vmem>> -> memref<1x250xi32, #tpu.memory_space<vmem>>
    %dma_wait3A_83 = tpu.memref_squeeze %dma_wait3A_82 : memref<1x250xi32, #tpu.memory_space<vmem>> -> memref<250xi32, #tpu.memory_space<vmem>>
    %dma_wait3A_84 = arith.constant 0 : i32
    %dma_wait3A_85 = arith.constant 0 : i32
    %dma_wait3A_86 = tpu.memref_slice %arg13[%dma_wait3A_84, %dma_wait3A_85] : memref<10000x16xf32, #tpu.memory_space<vmem_shared>> -> memref<10000x16xf32, #tpu.memory_space<vmem_shared>>
    tpu.wait_indirect_dma semaphore(%arg15 : memref<!tpu.dma_semaphore, #tpu.memory_space<semaphore_mem>>) src(%dma_wait3A_86 : memref<10000x16xf32, #tpu.memory_space<vmem_shared>>) dst(%arg9 : memref<250x16xf32, #tpu.memory_space<vmem>>)
    %dma_start3A_87 = arith.constant 1 : i32
    %dma_start3A_88 = arith.constant 0 : i32
    %dma_start3A_89 = tpu.memref_slice %arg7[%dma_start3A_87, %dma_start3A_88] : memref<40x250xi32, #tpu.memory_space<vmem>> -> memref<1x250xi32, #tpu.memory_space<vmem>>
    %dma_start3A_90 = tpu.memref_squeeze %dma_start3A_89 : memref<1x250xi32, #tpu.memory_space<vmem>> -> memref<250xi32, #tpu.memory_space<vmem>>
    %dma_start3A_91 = arith.constant 0 : i32
    %dma_start3A_92 = arith.constant 0 : i32
    %dma_start3A_93 = tpu.memref_slice %arg12[%dma_start3A_91, %dma_start3A_92] : memref<10000x16xf32, #tpu.memory_space<vmem_shared>> -> memref<10000x16xf32, #tpu.memory_space<vmem_shared>>
    tpu.enqueue_indirect_dma source(%arg9 : memref<250x16xf32, #tpu.memory_space<vmem>>) target(%dma_start3A_93 : memref<10000x16xf32, #tpu.memory_space<vmem_shared>>) offsets(%dma_start3A_90 : memref<250xi32, #tpu.memory_space<vmem>>) semaphore(%arg19 : memref<!tpu.dma_semaphore, #tpu.memory_space<semaphore_mem>>) {add = true}
    %dma_start3A_94 = arith.constant 3 : i32
    %dma_start3A_95 = arith.constant 0 : i32
    %dma_start3A_96 = tpu.memref_slice %arg6[%dma_start3A_94, %dma_start3A_95] : memref<40x250xi32, #tpu.memory_space<vmem>> -> memref<1x250xi32, #tpu.memory_space<vmem>>
    %dma_start3A_97 = tpu.memref_squeeze %dma_start3A_96 : memref<1x250xi32, #tpu.memory_space<vmem>> -> memref<250xi32, #tpu.memory_space<vmem>>
    %dma_start3A_98 = arith.constant 0 : i32
    %dma_start3A_99 = arith.constant 0 : i32
    %dma_start3A_100 = tpu.memref_slice %arg13[%dma_start3A_98, %dma_start3A_99] : memref<10000x16xf32, #tpu.memory_space<vmem_shared>> -> memref<10000x16xf32, #tpu.memory_space<vmem_shared>>
    tpu.enqueue_indirect_dma source(%dma_start3A_100 : memref<10000x16xf32, #tpu.memory_space<vmem_shared>>) target(%arg11 : memref<250x16xf32, #tpu.memory_space<vmem>>) offsets(%dma_start3A_97 : memref<250xi32, #tpu.memory_space<vmem>>) semaphore(%arg17 : memref<!tpu.dma_semaphore, #tpu.memory_space<semaphore_mem>>)
    %scan3A = arith.constant 0 : i32
    %scan3A_101 = arith.constant 0 : i32
    %scan3A_102 = arith.constant 9 : i32
    %scan3A_103 = arith.addi %scan3A_101, %scan3A_102 : i32
    %scan3A_104 = arith.constant 1 : i32
    scf.for %scan3A_163 = %scan3A_101 to %scan3A_103 step %scan3A_104  : i32 {
      %mul3A_164 = arith.constant 4 : i32
      %mul3A_165 = arith.muli %mul3A_164, %scan3A_163 : i32
      %add3A_166 = arith.constant 0 : i32
      %add3A_167 = arith.addi %mul3A_165, %add3A_166 : i32
      %add3A_168 = arith.constant 2 : i32
      %add3A_169 = arith.addi %add3A_167, %add3A_168 : i32
      %dma_wait3A_170 = arith.constant 0 : i32
      %dma_wait3A_171 = tpu.memref_slice %arg6[%add3A_169, %dma_wait3A_170] : memref<40x250xi32, #tpu.memory_space<vmem>> -> memref<1x250xi32, #tpu.memory_space<vmem>>
      %dma_wait3A_172 = tpu.memref_squeeze %dma_wait3A_171 : memref<1x250xi32, #tpu.memory_space<vmem>> -> memref<250xi32, #tpu.memory_space<vmem>>
      %dma_wait3A_173 = arith.constant 0 : i32
      %dma_wait3A_174 = arith.constant 0 : i32
      %dma_wait3A_175 = tpu.memref_slice %arg13[%dma_wait3A_173, %dma_wait3A_174] : memref<10000x16xf32, #tpu.memory_space<vmem_shared>> -> memref<10000x16xf32, #tpu.memory_space<vmem_shared>>
      tpu.wait_indirect_dma semaphore(%arg16 : memref<!tpu.dma_semaphore, #tpu.memory_space<semaphore_mem>>) src(%dma_wait3A_175 : memref<10000x16xf32, #tpu.memory_space<vmem_shared>>) dst(%arg10 : memref<250x16xf32, #tpu.memory_space<vmem>>)
      %dma_start3A_176 = arith.constant 0 : i32
      %dma_start3A_177 = tpu.memref_slice %arg7[%add3A_169, %dma_start3A_176] : memref<40x250xi32, #tpu.memory_space<vmem>> -> memref<1x250xi32, #tpu.memory_space<vmem>>
      %dma_start3A_178 = tpu.memref_squeeze %dma_start3A_177 : memref<1x250xi32, #tpu.memory_space<vmem>> -> memref<250xi32, #tpu.memory_space<vmem>>
      %dma_start3A_179 = arith.constant 0 : i32
      %dma_start3A_180 = arith.constant 0 : i32
      %dma_start3A_181 = tpu.memref_slice %arg12[%dma_start3A_179, %dma_start3A_180] : memref<10000x16xf32, #tpu.memory_space<vmem_shared>> -> memref<10000x16xf32, #tpu.memory_space<vmem_shared>>
      tpu.enqueue_indirect_dma source(%arg10 : memref<250x16xf32, #tpu.memory_space<vmem>>) target(%dma_start3A_181 : memref<10000x16xf32, #tpu.memory_space<vmem_shared>>) offsets(%dma_start3A_178 : memref<250xi32, #tpu.memory_space<vmem>>) semaphore(%arg20 : memref<!tpu.dma_semaphore, #tpu.memory_space<semaphore_mem>>) {add = true}
      %sub3A = arith.constant 2 : i32
      %sub3A_182 = arith.subi %add3A_169, %sub3A : i32
      %dma_wait3A_183 = arith.constant 0 : i32
      %dma_wait3A_184 = tpu.memref_slice %arg7[%sub3A_182, %dma_wait3A_183] : memref<40x250xi32, #tpu.memory_space<vmem>> -> memref<1x250xi32, #tpu.memory_space<vmem>>
      %dma_wait3A_185 = tpu.memref_squeeze %dma_wait3A_184 : memref<1x250xi32, #tpu.memory_space<vmem>> -> memref<250xi32, #tpu.memory_space<vmem>>
      %dma_wait3A_186 = arith.constant 0 : i32
      %dma_wait3A_187 = arith.constant 0 : i32
      %dma_wait3A_188 = tpu.memref_slice %arg12[%dma_wait3A_186, %dma_wait3A_187] : memref<10000x16xf32, #tpu.memory_space<vmem_shared>> -> memref<10000x16xf32, #tpu.memory_space<vmem_shared>>
      tpu.wait_indirect_dma semaphore(%arg18 : memref<!tpu.dma_semaphore, #tpu.memory_space<semaphore_mem>>) src(%arg8 : memref<250x16xf32, #tpu.memory_space<vmem>>) dst(%dma_wait3A_188 : memref<10000x16xf32, #tpu.memory_space<vmem_shared>>)
      %add3A_189 = arith.constant 2 : i32
      %add3A_190 = arith.addi %add3A_169, %add3A_189 : i32
      %dma_start3A_191 = arith.constant 0 : i32
      %dma_start3A_192 = tpu.memref_slice %arg6[%add3A_190, %dma_start3A_191] : memref<40x250xi32, #tpu.memory_space<vmem>> -> memref<1x250xi32, #tpu.memory_space<vmem>>
      %dma_start3A_193 = tpu.memref_squeeze %dma_start3A_192 : memref<1x250xi32, #tpu.memory_space<vmem>> -> memref<250xi32, #tpu.memory_space<vmem>>
      %dma_start3A_194 = arith.constant 0 : i32
      %dma_start3A_195 = arith.constant 0 : i32
      %dma_start3A_196 = tpu.memref_slice %arg13[%dma_start3A_194, %dma_start3A_195] : memref<10000x16xf32, #tpu.memory_space<vmem_shared>> -> memref<10000x16xf32, #tpu.memory_space<vmem_shared>>
      tpu.enqueue_indirect_dma source(%dma_start3A_196 : memref<10000x16xf32, #tpu.memory_space<vmem_shared>>) target(%arg8 : memref<250x16xf32, #tpu.memory_space<vmem>>) offsets(%dma_start3A_193 : memref<250xi32, #tpu.memory_space<vmem>>) semaphore(%arg14 : memref<!tpu.dma_semaphore, #tpu.memory_space<semaphore_mem>>)
      %mul3A_197 = arith.constant 4 : i32
      %mul3A_198 = arith.muli %mul3A_197, %scan3A_163 : i32
      %add3A_199 = arith.constant 1 : i32
      %add3A_200 = arith.addi %mul3A_198, %add3A_199 : i32
      %add3A_201 = arith.constant 2 : i32
      %add3A_202 = arith.addi %add3A_200, %add3A_201 : i32
      %dma_wait3A_203 = arith.constant 0 : i32
      %dma_wait3A_204 = tpu.memref_slice %arg6[%add3A_202, %dma_wait3A_203] : memref<40x250xi32, #tpu.memory_space<vmem>> -> memref<1x250xi32, #tpu.memory_space<vmem>>
      %dma_wait3A_205 = tpu.memref_squeeze %dma_wait3A_204 : memref<1x250xi32, #tpu.memory_space<vmem>> -> memref<250xi32, #tpu.memory_space<vmem>>
      %dma_wait3A_206 = arith.constant 0 : i32
      %dma_wait3A_207 = arith.constant 0 : i32
      %dma_wait3A_208 = tpu.memref_slice %arg13[%dma_wait3A_206, %dma_wait3A_207] : memref<10000x16xf32, #tpu.memory_space<vmem_shared>> -> memref<10000x16xf32, #tpu.memory_space<vmem_shared>>
      tpu.wait_indirect_dma semaphore(%arg17 : memref<!tpu.dma_semaphore, #tpu.memory_space<semaphore_mem>>) src(%dma_wait3A_208 : memref<10000x16xf32, #tpu.memory_space<vmem_shared>>) dst(%arg11 : memref<250x16xf32, #tpu.memory_space<vmem>>)
      %dma_start3A_209 = arith.constant 0 : i32
      %dma_start3A_210 = tpu.memref_slice %arg7[%add3A_202, %dma_start3A_209] : memref<40x250xi32, #tpu.memory_space<vmem>> -> memref<1x250xi32, #tpu.memory_space<vmem>>
      %dma_start3A_211 = tpu.memref_squeeze %dma_start3A_210 : memref<1x250xi32, #tpu.memory_space<vmem>> -> memref<250xi32, #tpu.memory_space<vmem>>
      %dma_start3A_212 = arith.constant 0 : i32
      %dma_start3A_213 = arith.constant 0 : i32
      %dma_start3A_214 = tpu.memref_slice %arg12[%dma_start3A_212, %dma_start3A_213] : memref<10000x16xf32, #tpu.memory_space<vmem_shared>> -> memref<10000x16xf32, #tpu.memory_space<vmem_shared>>
      tpu.enqueue_indirect_dma source(%arg11 : memref<250x16xf32, #tpu.memory_space<vmem>>) target(%dma_start3A_214 : memref<10000x16xf32, #tpu.memory_space<vmem_shared>>) offsets(%dma_start3A_211 : memref<250xi32, #tpu.memory_space<vmem>>) semaphore(%arg21 : memref<!tpu.dma_semaphore, #tpu.memory_space<semaphore_mem>>) {add = true}
      %sub3A_215 = arith.constant 2 : i32
      %sub3A_216 = arith.subi %add3A_202, %sub3A_215 : i32
      %dma_wait3A_217 = arith.constant 0 : i32
      %dma_wait3A_218 = tpu.memref_slice %arg7[%sub3A_216, %dma_wait3A_217] : memref<40x250xi32, #tpu.memory_space<vmem>> -> memref<1x250xi32, #tpu.memory_space<vmem>>
      %dma_wait3A_219 = tpu.memref_squeeze %dma_wait3A_218 : memref<1x250xi32, #tpu.memory_space<vmem>> -> memref<250xi32, #tpu.memory_space<vmem>>
      %dma_wait3A_220 = arith.constant 0 : i32
      %dma_wait3A_221 = arith.constant 0 : i32
      %dma_wait3A_222 = tpu.memref_slice %arg12[%dma_wait3A_220, %dma_wait3A_221] : memref<10000x16xf32, #tpu.memory_space<vmem_shared>> -> memref<10000x16xf32, #tpu.memory_space<vmem_shared>>
      tpu.wait_indirect_dma semaphore(%arg19 : memref<!tpu.dma_semaphore, #tpu.memory_space<semaphore_mem>>) src(%arg9 : memref<250x16xf32, #tpu.memory_space<vmem>>) dst(%dma_wait3A_222 : memref<10000x16xf32, #tpu.memory_space<vmem_shared>>)
      %add3A_223 = arith.constant 2 : i32
      %add3A_224 = arith.addi %add3A_202, %add3A_223 : i32
      %dma_start3A_225 = arith.constant 0 : i32
      %dma_start3A_226 = tpu.memref_slice %arg6[%add3A_224, %dma_start3A_225] : memref<40x250xi32, #tpu.memory_space<vmem>> -> memref<1x250xi32, #tpu.memory_space<vmem>>
      %dma_start3A_227 = tpu.memref_squeeze %dma_start3A_226 : memref<1x250xi32, #tpu.memory_space<vmem>> -> memref<250xi32, #tpu.memory_space<vmem>>
      %dma_start3A_228 = arith.constant 0 : i32
      %dma_start3A_229 = arith.constant 0 : i32
      %dma_start3A_230 = tpu.memref_slice %arg13[%dma_start3A_228, %dma_start3A_229] : memref<10000x16xf32, #tpu.memory_space<vmem_shared>> -> memref<10000x16xf32, #tpu.memory_space<vmem_shared>>
      tpu.enqueue_indirect_dma source(%dma_start3A_230 : memref<10000x16xf32, #tpu.memory_space<vmem_shared>>) target(%arg9 : memref<250x16xf32, #tpu.memory_space<vmem>>) offsets(%dma_start3A_227 : memref<250xi32, #tpu.memory_space<vmem>>) semaphore(%arg15 : memref<!tpu.dma_semaphore, #tpu.memory_space<semaphore_mem>>)
      %mul3A_231 = arith.constant 4 : i32
      %mul3A_232 = arith.muli %mul3A_231, %scan3A_163 : i32
      %add3A_233 = arith.constant 2 : i32
      %add3A_234 = arith.addi %mul3A_232, %add3A_233 : i32
      %add3A_235 = arith.constant 2 : i32
      %add3A_236 = arith.addi %add3A_234, %add3A_235 : i32
      %dma_wait3A_237 = arith.constant 0 : i32
      %dma_wait3A_238 = tpu.memref_slice %arg6[%add3A_236, %dma_wait3A_237] : memref<40x250xi32, #tpu.memory_space<vmem>> -> memref<1x250xi32, #tpu.memory_space<vmem>>
      %dma_wait3A_239 = tpu.memref_squeeze %dma_wait3A_238 : memref<1x250xi32, #tpu.memory_space<vmem>> -> memref<250xi32, #tpu.memory_space<vmem>>
      %dma_wait3A_240 = arith.constant 0 : i32
      %dma_wait3A_241 = arith.constant 0 : i32
      %dma_wait3A_242 = tpu.memref_slice %arg13[%dma_wait3A_240, %dma_wait3A_241] : memref<10000x16xf32, #tpu.memory_space<vmem_shared>> -> memref<10000x16xf32, #tpu.memory_space<vmem_shared>>
      tpu.wait_indirect_dma semaphore(%arg14 : memref<!tpu.dma_semaphore, #tpu.memory_space<semaphore_mem>>) src(%dma_wait3A_242 : memref<10000x16xf32, #tpu.memory_space<vmem_shared>>) dst(%arg8 : memref<250x16xf32, #tpu.memory_space<vmem>>)
      %dma_start3A_243 = arith.constant 0 : i32
      %dma_start3A_244 = tpu.memref_slice %arg7[%add3A_236, %dma_start3A_243] : memref<40x250xi32, #tpu.memory_space<vmem>> -> memref<1x250xi32, #tpu.memory_space<vmem>>
      %dma_start3A_245 = tpu.memref_squeeze %dma_start3A_244 : memref<1x250xi32, #tpu.memory_space<vmem>> -> memref<250xi32, #tpu.memory_space<vmem>>
      %dma_start3A_246 = arith.constant 0 : i32
      %dma_start3A_247 = arith.constant 0 : i32
      %dma_start3A_248 = tpu.memref_slice %arg12[%dma_start3A_246, %dma_start3A_247] : memref<10000x16xf32, #tpu.memory_space<vmem_shared>> -> memref<10000x16xf32, #tpu.memory_space<vmem_shared>>
      tpu.enqueue_indirect_dma source(%arg8 : memref<250x16xf32, #tpu.memory_space<vmem>>) target(%dma_start3A_248 : memref<10000x16xf32, #tpu.memory_space<vmem_shared>>) offsets(%dma_start3A_245 : memref<250xi32, #tpu.memory_space<vmem>>) semaphore(%arg18 : memref<!tpu.dma_semaphore, #tpu.memory_space<semaphore_mem>>) {add = true}
      %sub3A_249 = arith.constant 2 : i32
      %sub3A_250 = arith.subi %add3A_236, %sub3A_249 : i32
      %dma_wait3A_251 = arith.constant 0 : i32
      %dma_wait3A_252 = tpu.memref_slice %arg7[%sub3A_250, %dma_wait3A_251] : memref<40x250xi32, #tpu.memory_space<vmem>> -> memref<1x250xi32, #tpu.memory_space<vmem>>
      %dma_wait3A_253 = tpu.memref_squeeze %dma_wait3A_252 : memref<1x250xi32, #tpu.memory_space<vmem>> -> memref<250xi32, #tpu.memory_space<vmem>>
      %dma_wait3A_254 = arith.constant 0 : i32
      %dma_wait3A_255 = arith.constant 0 : i32
      %dma_wait3A_256 = tpu.memref_slice %arg12[%dma_wait3A_254, %dma_wait3A_255] : memref<10000x16xf32, #tpu.memory_space<vmem_shared>> -> memref<10000x16xf32, #tpu.memory_space<vmem_shared>>
      tpu.wait_indirect_dma semaphore(%arg20 : memref<!tpu.dma_semaphore, #tpu.memory_space<semaphore_mem>>) src(%arg10 : memref<250x16xf32, #tpu.memory_space<vmem>>) dst(%dma_wait3A_256 : memref<10000x16xf32, #tpu.memory_space<vmem_shared>>)
      %add3A_257 = arith.constant 2 : i32
      %add3A_258 = arith.addi %add3A_236, %add3A_257 : i32
      %dma_start3A_259 = arith.constant 0 : i32
      %dma_start3A_260 = tpu.memref_slice %arg6[%add3A_258, %dma_start3A_259] : memref<40x250xi32, #tpu.memory_space<vmem>> -> memref<1x250xi32, #tpu.memory_space<vmem>>
      %dma_start3A_261 = tpu.memref_squeeze %dma_start3A_260 : memref<1x250xi32, #tpu.memory_space<vmem>> -> memref<250xi32, #tpu.memory_space<vmem>>
      %dma_start3A_262 = arith.constant 0 : i32
      %dma_start3A_263 = arith.constant 0 : i32
      %dma_start3A_264 = tpu.memref_slice %arg13[%dma_start3A_262, %dma_start3A_263] : memref<10000x16xf32, #tpu.memory_space<vmem_shared>> -> memref<10000x16xf32, #tpu.memory_space<vmem_shared>>
      tpu.enqueue_indirect_dma source(%dma_start3A_264 : memref<10000x16xf32, #tpu.memory_space<vmem_shared>>) target(%arg10 : memref<250x16xf32, #tpu.memory_space<vmem>>) offsets(%dma_start3A_261 : memref<250xi32, #tpu.memory_space<vmem>>) semaphore(%arg16 : memref<!tpu.dma_semaphore, #tpu.memory_space<semaphore_mem>>)
      %mul3A_265 = arith.constant 4 : i32
      %mul3A_266 = arith.muli %mul3A_265, %scan3A_163 : i32
      %add3A_267 = arith.constant 3 : i32
      %add3A_268 = arith.addi %mul3A_266, %add3A_267 : i32
      %add3A_269 = arith.constant 2 : i32
      %add3A_270 = arith.addi %add3A_268, %add3A_269 : i32
      %dma_wait3A_271 = arith.constant 0 : i32
      %dma_wait3A_272 = tpu.memref_slice %arg6[%add3A_270, %dma_wait3A_271] : memref<40x250xi32, #tpu.memory_space<vmem>> -> memref<1x250xi32, #tpu.memory_space<vmem>>
      %dma_wait3A_273 = tpu.memref_squeeze %dma_wait3A_272 : memref<1x250xi32, #tpu.memory_space<vmem>> -> memref<250xi32, #tpu.memory_space<vmem>>
      %dma_wait3A_274 = arith.constant 0 : i32
      %dma_wait3A_275 = arith.constant 0 : i32
      %dma_wait3A_276 = tpu.memref_slice %arg13[%dma_wait3A_274, %dma_wait3A_275] : memref<10000x16xf32, #tpu.memory_space<vmem_shared>> -> memref<10000x16xf32, #tpu.memory_space<vmem_shared>>
      tpu.wait_indirect_dma semaphore(%arg15 : memref<!tpu.dma_semaphore, #tpu.memory_space<semaphore_mem>>) src(%dma_wait3A_276 : memref<10000x16xf32, #tpu.memory_space<vmem_shared>>) dst(%arg9 : memref<250x16xf32, #tpu.memory_space<vmem>>)
      %dma_start3A_277 = arith.constant 0 : i32
      %dma_start3A_278 = tpu.memref_slice %arg7[%add3A_270, %dma_start3A_277] : memref<40x250xi32, #tpu.memory_space<vmem>> -> memref<1x250xi32, #tpu.memory_space<vmem>>
      %dma_start3A_279 = tpu.memref_squeeze %dma_start3A_278 : memref<1x250xi32, #tpu.memory_space<vmem>> -> memref<250xi32, #tpu.memory_space<vmem>>
      %dma_start3A_280 = arith.constant 0 : i32
      %dma_start3A_281 = arith.constant 0 : i32
      %dma_start3A_282 = tpu.memref_slice %arg12[%dma_start3A_280, %dma_start3A_281] : memref<10000x16xf32, #tpu.memory_space<vmem_shared>> -> memref<10000x16xf32, #tpu.memory_space<vmem_shared>>
      tpu.enqueue_indirect_dma source(%arg9 : memref<250x16xf32, #tpu.memory_space<vmem>>) target(%dma_start3A_282 : memref<10000x16xf32, #tpu.memory_space<vmem_shared>>) offsets(%dma_start3A_279 : memref<250xi32, #tpu.memory_space<vmem>>) semaphore(%arg19 : memref<!tpu.dma_semaphore, #tpu.memory_space<semaphore_mem>>) {add = true}
      %sub3A_283 = arith.constant 2 : i32
      %sub3A_284 = arith.subi %add3A_270, %sub3A_283 : i32
      %dma_wait3A_285 = arith.constant 0 : i32
      %dma_wait3A_286 = tpu.memref_slice %arg7[%sub3A_284, %dma_wait3A_285] : memref<40x250xi32, #tpu.memory_space<vmem>> -> memref<1x250xi32, #tpu.memory_space<vmem>>
      %dma_wait3A_287 = tpu.memref_squeeze %dma_wait3A_286 : memref<1x250xi32, #tpu.memory_space<vmem>> -> memref<250xi32, #tpu.memory_space<vmem>>
      %dma_wait3A_288 = arith.constant 0 : i32
      %dma_wait3A_289 = arith.constant 0 : i32
      %dma_wait3A_290 = tpu.memref_slice %arg12[%dma_wait3A_288, %dma_wait3A_289] : memref<10000x16xf32, #tpu.memory_space<vmem_shared>> -> memref<10000x16xf32, #tpu.memory_space<vmem_shared>>
      tpu.wait_indirect_dma semaphore(%arg21 : memref<!tpu.dma_semaphore, #tpu.memory_space<semaphore_mem>>) src(%arg11 : memref<250x16xf32, #tpu.memory_space<vmem>>) dst(%dma_wait3A_290 : memref<10000x16xf32, #tpu.memory_space<vmem_shared>>)
      %add3A_291 = arith.constant 2 : i32
      %add3A_292 = arith.addi %add3A_270, %add3A_291 : i32
      %dma_start3A_293 = arith.constant 0 : i32
      %dma_start3A_294 = tpu.memref_slice %arg6[%add3A_292, %dma_start3A_293] : memref<40x250xi32, #tpu.memory_space<vmem>> -> memref<1x250xi32, #tpu.memory_space<vmem>>
      %dma_start3A_295 = tpu.memref_squeeze %dma_start3A_294 : memref<1x250xi32, #tpu.memory_space<vmem>> -> memref<250xi32, #tpu.memory_space<vmem>>
      %dma_start3A_296 = arith.constant 0 : i32
      %dma_start3A_297 = arith.constant 0 : i32
      %dma_start3A_298 = tpu.memref_slice %arg13[%dma_start3A_296, %dma_start3A_297] : memref<10000x16xf32, #tpu.memory_space<vmem_shared>> -> memref<10000x16xf32, #tpu.memory_space<vmem_shared>>
      tpu.enqueue_indirect_dma source(%dma_start3A_298 : memref<10000x16xf32, #tpu.memory_space<vmem_shared>>) target(%arg11 : memref<250x16xf32, #tpu.memory_space<vmem>>) offsets(%dma_start3A_295 : memref<250xi32, #tpu.memory_space<vmem>>) semaphore(%arg17 : memref<!tpu.dma_semaphore, #tpu.memory_space<semaphore_mem>>)
    }
    %scan3A_105 = arith.constant 9 : i32
    %dma_wait3A_106 = arith.constant 38 : i32
    %dma_wait3A_107 = arith.constant 0 : i32
    %dma_wait3A_108 = tpu.memref_slice %arg6[%dma_wait3A_106, %dma_wait3A_107] : memref<40x250xi32, #tpu.memory_space<vmem>> -> memref<1x250xi32, #tpu.memory_space<vmem>>
    %dma_wait3A_109 = tpu.memref_squeeze %dma_wait3A_108 : memref<1x250xi32, #tpu.memory_space<vmem>> -> memref<250xi32, #tpu.memory_space<vmem>>
    %dma_wait3A_110 = arith.constant 0 : i32
    %dma_wait3A_111 = arith.constant 0 : i32
    %dma_wait3A_112 = tpu.memref_slice %arg13[%dma_wait3A_110, %dma_wait3A_111] : memref<10000x16xf32, #tpu.memory_space<vmem_shared>> -> memref<10000x16xf32, #tpu.memory_space<vmem_shared>>
    tpu.wait_indirect_dma semaphore(%arg16 : memref<!tpu.dma_semaphore, #tpu.memory_space<semaphore_mem>>) src(%dma_wait3A_112 : memref<10000x16xf32, #tpu.memory_space<vmem_shared>>) dst(%arg10 : memref<250x16xf32, #tpu.memory_space<vmem>>)
    %dma_start3A_113 = arith.constant 38 : i32
    %dma_start3A_114 = arith.constant 0 : i32
    %dma_start3A_115 = tpu.memref_slice %arg7[%dma_start3A_113, %dma_start3A_114] : memref<40x250xi32, #tpu.memory_space<vmem>> -> memref<1x250xi32, #tpu.memory_space<vmem>>
    %dma_start3A_116 = tpu.memref_squeeze %dma_start3A_115 : memref<1x250xi32, #tpu.memory_space<vmem>> -> memref<250xi32, #tpu.memory_space<vmem>>
    %dma_start3A_117 = arith.constant 0 : i32
    %dma_start3A_118 = arith.constant 0 : i32
    %dma_start3A_119 = tpu.memref_slice %arg12[%dma_start3A_117, %dma_start3A_118] : memref<10000x16xf32, #tpu.memory_space<vmem_shared>> -> memref<10000x16xf32, #tpu.memory_space<vmem_shared>>
    tpu.enqueue_indirect_dma source(%arg10 : memref<250x16xf32, #tpu.memory_space<vmem>>) target(%dma_start3A_119 : memref<10000x16xf32, #tpu.memory_space<vmem_shared>>) offsets(%dma_start3A_116 : memref<250xi32, #tpu.memory_space<vmem>>) semaphore(%arg20 : memref<!tpu.dma_semaphore, #tpu.memory_space<semaphore_mem>>) {add = true}
    %dma_wait3A_120 = arith.constant 36 : i32
    %dma_wait3A_121 = arith.constant 0 : i32
    %dma_wait3A_122 = tpu.memref_slice %arg7[%dma_wait3A_120, %dma_wait3A_121] : memref<40x250xi32, #tpu.memory_space<vmem>> -> memref<1x250xi32, #tpu.memory_space<vmem>>
    %dma_wait3A_123 = tpu.memref_squeeze %dma_wait3A_122 : memref<1x250xi32, #tpu.memory_space<vmem>> -> memref<250xi32, #tpu.memory_space<vmem>>
    %dma_wait3A_124 = arith.constant 0 : i32
    %dma_wait3A_125 = arith.constant 0 : i32
    %dma_wait3A_126 = tpu.memref_slice %arg12[%dma_wait3A_124, %dma_wait3A_125] : memref<10000x16xf32, #tpu.memory_space<vmem_shared>> -> memref<10000x16xf32, #tpu.memory_space<vmem_shared>>
    tpu.wait_indirect_dma semaphore(%arg18 : memref<!tpu.dma_semaphore, #tpu.memory_space<semaphore_mem>>) src(%arg8 : memref<250x16xf32, #tpu.memory_space<vmem>>) dst(%dma_wait3A_126 : memref<10000x16xf32, #tpu.memory_space<vmem_shared>>)
    %dma_wait3A_127 = arith.constant 39 : i32
    %dma_wait3A_128 = arith.constant 0 : i32
    %dma_wait3A_129 = tpu.memref_slice %arg6[%dma_wait3A_127, %dma_wait3A_128] : memref<40x250xi32, #tpu.memory_space<vmem>> -> memref<1x250xi32, #tpu.memory_space<vmem>>
    %dma_wait3A_130 = tpu.memref_squeeze %dma_wait3A_129 : memref<1x250xi32, #tpu.memory_space<vmem>> -> memref<250xi32, #tpu.memory_space<vmem>>
    %dma_wait3A_131 = arith.constant 0 : i32
    %dma_wait3A_132 = arith.constant 0 : i32
    %dma_wait3A_133 = tpu.memref_slice %arg13[%dma_wait3A_131, %dma_wait3A_132] : memref<10000x16xf32, #tpu.memory_space<vmem_shared>> -> memref<10000x16xf32, #tpu.memory_space<vmem_shared>>
    tpu.wait_indirect_dma semaphore(%arg17 : memref<!tpu.dma_semaphore, #tpu.memory_space<semaphore_mem>>) src(%dma_wait3A_133 : memref<10000x16xf32, #tpu.memory_space<vmem_shared>>) dst(%arg11 : memref<250x16xf32, #tpu.memory_space<vmem>>)
    %dma_start3A_134 = arith.constant 39 : i32
    %dma_start3A_135 = arith.constant 0 : i32
    %dma_start3A_136 = tpu.memref_slice %arg7[%dma_start3A_134, %dma_start3A_135] : memref<40x250xi32, #tpu.memory_space<vmem>> -> memref<1x250xi32, #tpu.memory_space<vmem>>
    %dma_start3A_137 = tpu.memref_squeeze %dma_start3A_136 : memref<1x250xi32, #tpu.memory_space<vmem>> -> memref<250xi32, #tpu.memory_space<vmem>>
    %dma_start3A_138 = arith.constant 0 : i32
    %dma_start3A_139 = arith.constant 0 : i32
    %dma_start3A_140 = tpu.memref_slice %arg12[%dma_start3A_138, %dma_start3A_139] : memref<10000x16xf32, #tpu.memory_space<vmem_shared>> -> memref<10000x16xf32, #tpu.memory_space<vmem_shared>>
    tpu.enqueue_indirect_dma source(%arg11 : memref<250x16xf32, #tpu.memory_space<vmem>>) target(%dma_start3A_140 : memref<10000x16xf32, #tpu.memory_space<vmem_shared>>) offsets(%dma_start3A_137 : memref<250xi32, #tpu.memory_space<vmem>>) semaphore(%arg21 : memref<!tpu.dma_semaphore, #tpu.memory_space<semaphore_mem>>) {add = true}
    %dma_wait3A_141 = arith.constant 37 : i32
    %dma_wait3A_142 = arith.constant 0 : i32
    %dma_wait3A_143 = tpu.memref_slice %arg7[%dma_wait3A_141, %dma_wait3A_142] : memref<40x250xi32, #tpu.memory_space<vmem>> -> memref<1x250xi32, #tpu.memory_space<vmem>>
    %dma_wait3A_144 = tpu.memref_squeeze %dma_wait3A_143 : memref<1x250xi32, #tpu.memory_space<vmem>> -> memref<250xi32, #tpu.memory_space<vmem>>
    %dma_wait3A_145 = arith.constant 0 : i32
    %dma_wait3A_146 = arith.constant 0 : i32
    %dma_wait3A_147 = tpu.memref_slice %arg12[%dma_wait3A_145, %dma_wait3A_146] : memref<10000x16xf32, #tpu.memory_space<vmem_shared>> -> memref<10000x16xf32, #tpu.memory_space<vmem_shared>>
    tpu.wait_indirect_dma semaphore(%arg19 : memref<!tpu.dma_semaphore, #tpu.memory_space<semaphore_mem>>) src(%arg9 : memref<250x16xf32, #tpu.memory_space<vmem>>) dst(%dma_wait3A_147 : memref<10000x16xf32, #tpu.memory_space<vmem_shared>>)
    %dma_wait3A_148 = arith.constant 38 : i32
    %dma_wait3A_149 = arith.constant 0 : i32
    %dma_wait3A_150 = tpu.memref_slice %arg7[%dma_wait3A_148, %dma_wait3A_149] : memref<40x250xi32, #tpu.memory_space<vmem>> -> memref<1x250xi32, #tpu.memory_space<vmem>>
    %dma_wait3A_151 = tpu.memref_squeeze %dma_wait3A_150 : memref<1x250xi32, #tpu.memory_space<vmem>> -> memref<250xi32, #tpu.memory_space<vmem>>
    %dma_wait3A_152 = arith.constant 0 : i32
    %dma_wait3A_153 = arith.constant 0 : i32
    %dma_wait3A_154 = tpu.memref_slice %arg12[%dma_wait3A_152, %dma_wait3A_153] : memref<10000x16xf32, #tpu.memory_space<vmem_shared>> -> memref<10000x16xf32, #tpu.memory_space<vmem_shared>>
    tpu.wait_indirect_dma semaphore(%arg20 : memref<!tpu.dma_semaphore, #tpu.memory_space<semaphore_mem>>) src(%arg10 : memref<250x16xf32, #tpu.memory_space<vmem>>) dst(%dma_wait3A_154 : memref<10000x16xf32, #tpu.memory_space<vmem_shared>>)
    %dma_wait3A_155 = arith.constant 39 : i32
    %dma_wait3A_156 = arith.constant 0 : i32
    %dma_wait3A_157 = tpu.memref_slice %arg7[%dma_wait3A_155, %dma_wait3A_156] : memref<40x250xi32, #tpu.memory_space<vmem>> -> memref<1x250xi32, #tpu.memory_space<vmem>>
    %dma_wait3A_158 = tpu.memref_squeeze %dma_wait3A_157 : memref<1x250xi32, #tpu.memory_space<vmem>> -> memref<250xi32, #tpu.memory_space<vmem>>
    %dma_wait3A_159 = arith.constant 0 : i32
    %dma_wait3A_160 = arith.constant 0 : i32
    %dma_wait3A_161 = tpu.memref_slice %arg12[%dma_wait3A_159, %dma_wait3A_160] : memref<10000x16xf32, #tpu.memory_space<vmem_shared>> -> memref<10000x16xf32, #tpu.memory_space<vmem_shared>>
    tpu.wait_indirect_dma semaphore(%arg21 : memref<!tpu.dma_semaphore, #tpu.memory_space<semaphore_mem>>) src(%arg11 : memref<250x16xf32, #tpu.memory_space<vmem>>) dst(%dma_wait3A_161 : memref<10000x16xf32, #tpu.memory_space<vmem_shared>>)
    %barrier3A_162 = arith.constant 0 : index
    tpu.barrier barrier_id(%barrier3A_162)
    "tpu.region"() ({
      %run_scoped3A = tpu.sem_alloc : memref<!tpu.dma_semaphore, #tpu.memory_space<semaphore_mem>>
      %dma_start3A_163 = arith.constant 0 : i32
      %dma_start3A_164 = tpu.memref_slice %arg5[%arg0, %mul3A_2, %dma_start3A_163] : memref<2x10000x16xf32, #tpu.memory_space<hbm>> -> memref<1x625x16xf32, #tpu.memory_space<hbm>>
      %dma_start3A_165 = tpu.memref_squeeze %dma_start3A_164 : memref<1x625x16xf32, #tpu.memory_space<hbm>> -> memref<625x16xf32, #tpu.memory_space<hbm>>
      %dma_start3A_166 = arith.constant 0 : i32
      %dma_start3A_167 = tpu.memref_slice %arg12[%mul3A_2, %dma_start3A_166] : memref<10000x16xf32, #tpu.memory_space<vmem_shared>> -> memref<625x16xf32, #tpu.memory_space<vmem_shared>>
      tpu.enqueue_dma source(%dma_start3A_167 : memref<625x16xf32, #tpu.memory_space<vmem_shared>>) target(%dma_start3A_165 : memref<625x16xf32, #tpu.memory_space<hbm>>) target_semaphore(%run_scoped3A : memref<!tpu.dma_semaphore, #tpu.memory_space<semaphore_mem>>)
      %dma_wait3A_168 = arith.constant 0 : i32
      %dma_wait3A_169 = tpu.memref_slice %arg5[%arg0, %mul3A_2, %dma_wait3A_168] : memref<2x10000x16xf32, #tpu.memory_space<hbm>> -> memref<1x625x16xf32, #tpu.memory_space<hbm>>
      %dma_wait3A_170 = tpu.memref_squeeze %dma_wait3A_169 : memref<1x625x16xf32, #tpu.memory_space<hbm>> -> memref<625x16xf32, #tpu.memory_space<hbm>>
      %dma_wait3A_171 = arith.constant 0 : i32
      %dma_wait3A_172 = tpu.memref_slice %arg12[%mul3A_2, %dma_wait3A_171] : memref<10000x16xf32, #tpu.memory_space<vmem_shared>> -> memref<625x16xf32, #tpu.memory_space<vmem_shared>>
      tpu.wait_dma2 semaphore(%run_scoped3A : memref<!tpu.dma_semaphore, #tpu.memory_space<semaphore_mem>>) src(%dma_wait3A_172 : memref<625x16xf32, #tpu.memory_space<vmem_shared>>) dst(%dma_wait3A_170 : memref<625x16xf32, #tpu.memory_space<hbm>>)
      tpu.yield
    }) : () -> ()
    return
  }
}

#map = affine_map<(d0, d1) -> (0, 0)>
#map1 = affine_map<(d0, d1) -> (0, 0, 0)>
module attributes {stable_mosaic.version = 14 : i64} {
  func.func @k(%arg0: i32, %arg1: i32, %arg2: memref<10000x32xf32, #tpu.memory_space<hbm>>, %arg3: memref<2x1280x250xi32, #tpu.memory_space<hbm>>, %arg4: memref<625x32xf32, #tpu.memory_space<hbm>>, %arg5: memref<2x10000x32xf32, #tpu.memory_space<hbm>>, %arg6: memref<40x250xi32, #tpu.memory_space<vmem>>, %arg7: memref<40x250xi32, #tpu.memory_space<vmem>>, %arg8: memref<250x32xf32, #tpu.memory_space<vmem>>, %arg9: memref<250x32xf32, #tpu.memory_space<vmem>>, %arg10: memref<250x32xf32, #tpu.memory_space<vmem>>, %arg11: memref<250x32xf32, #tpu.memory_space<vmem>>, %arg12: memref<10000x32xf32, #tpu.memory_space<vmem_shared>>, %arg13: memref<10000x32xf32, #tpu.memory_space<vmem_shared>>, %arg14: memref<!tpu.dma_semaphore, #tpu.memory_space<semaphore_mem>>, %arg15: memref<!tpu.dma_semaphore, #tpu.memory_space<semaphore_mem>>, %arg16: memref<!tpu.dma_semaphore, #tpu.memory_space<semaphore_mem>>, %arg17: memref<!tpu.dma_semaphore, #tpu.memory_space<semaphore_mem>>, %arg18: memref<!tpu.dma_semaphore, #tpu.memory_space<semaphore_mem>>, %arg19: memref<!tpu.dma_semaphore, #tpu.memory_space<semaphore_mem>>, %arg20: memref<!tpu.dma_semaphore, #tpu.memory_space<semaphore_mem>>, %arg21: memref<!tpu.dma_semaphore, #tpu.memory_space<semaphore_mem>>) attributes {dimension_semantics = [#tpu.dimension_semantics<core_parallel>, #tpu.dimension_semantics<subcore_parallel>], iteration_bounds = array<i64: 2, 16>, scalar_prefetch = 0 : i64, scratch_operands = 16 : i64, tpu.core_type = #tpu.core_type<sc_vector_subcore>, window_params = [{transform_indices = #map}, {transform_indices = #map1}, {transform_indices = #map}, {transform_indices = #map1}]} {
    %mul3A = arith.constant 16 : i32
    %mul3A_0 = arith.muli %arg0, %mul3A : i32
    %add3A = arith.addi %mul3A_0, %arg1 : i32
    %mul3A_1 = arith.constant 625 : i32
    %mul3A_2 = arith.muli %arg1, %mul3A_1 : i32
    %mul3A_3 = arith.constant 40 : i32
    %mul3A_4 = arith.muli %add3A, %mul3A_3 : i32
    %dma_start3A = arith.constant 0 : i32
    %dma_start3A_5 = arith.constant 0 : i32
    %dma_start3A_6 = tpu.memref_slice %arg3[%dma_start3A, %mul3A_4, %dma_start3A_5] : memref<2x1280x250xi32, #tpu.memory_space<hbm>> -> memref<1x40x250xi32, #tpu.memory_space<hbm>>
    %dma_start3A_7 = tpu.memref_squeeze %dma_start3A_6 : memref<1x40x250xi32, #tpu.memory_space<hbm>> -> memref<40x250xi32, #tpu.memory_space<hbm>>
    %dma_start3A_8 = arith.constant 0 : i32
    %dma_start3A_9 = tpu.memref_slice %arg3[%dma_start3A, %mul3A_4, %dma_start3A_8] : memref<2x1280x250xi32, #tpu.memory_space<hbm>> -> memref<1x40x250xi32, #tpu.memory_space<hbm>>
    %dma_start3A_10 = tpu.memref_squeeze %dma_start3A_9 : memref<1x40x250xi32, #tpu.memory_space<hbm>> -> memref<40x250xi32, #tpu.memory_space<hbm>>
    tpu.enqueue_dma source(%dma_start3A_10 : memref<40x250xi32, #tpu.memory_space<hbm>>) target(%arg6 : memref<40x250xi32, #tpu.memory_space<vmem>>) target_semaphore(%arg14 : memref<!tpu.dma_semaphore, #tpu.memory_space<semaphore_mem>>)
    %mul3A_11 = arith.constant 40 : i32
    %mul3A_12 = arith.muli %add3A, %mul3A_11 : i32
    %dma_start3A_13 = arith.constant 1 : i32
    %dma_start3A_14 = arith.constant 0 : i32
    %dma_start3A_15 = tpu.memref_slice %arg3[%dma_start3A_13, %mul3A_12, %dma_start3A_14] : memref<2x1280x250xi32, #tpu.memory_space<hbm>> -> memref<1x40x250xi32, #tpu.memory_space<hbm>>
    %dma_start3A_16 = tpu.memref_squeeze %dma_start3A_15 : memref<1x40x250xi32, #tpu.memory_space<hbm>> -> memref<40x250xi32, #tpu.memory_space<hbm>>
    %dma_start3A_17 = arith.constant 0 : i32
    %dma_start3A_18 = tpu.memref_slice %arg3[%dma_start3A_13, %mul3A_12, %dma_start3A_17] : memref<2x1280x250xi32, #tpu.memory_space<hbm>> -> memref<1x40x250xi32, #tpu.memory_space<hbm>>
    %dma_start3A_19 = tpu.memref_squeeze %dma_start3A_18 : memref<1x40x250xi32, #tpu.memory_space<hbm>> -> memref<40x250xi32, #tpu.memory_space<hbm>>
    tpu.enqueue_dma source(%dma_start3A_19 : memref<40x250xi32, #tpu.memory_space<hbm>>) target(%arg7 : memref<40x250xi32, #tpu.memory_space<vmem>>) target_semaphore(%arg15 : memref<!tpu.dma_semaphore, #tpu.memory_space<semaphore_mem>>)
    %dma_start3A_20 = arith.constant 0 : i32
    %dma_start3A_21 = tpu.memref_slice %arg12[%mul3A_2, %dma_start3A_20] : memref<10000x32xf32, #tpu.memory_space<vmem_shared>> -> memref<625x32xf32, #tpu.memory_space<vmem_shared>>
    tpu.enqueue_dma source(%arg4 : memref<625x32xf32, #tpu.memory_space<hbm>>) target(%dma_start3A_21 : memref<625x32xf32, #tpu.memory_space<vmem_shared>>) target_semaphore(%arg16 : memref<!tpu.dma_semaphore, #tpu.memory_space<semaphore_mem>>)
    %dma_start3A_22 = arith.constant 0 : i32
    %dma_start3A_23 = tpu.memref_slice %arg13[%mul3A_2, %dma_start3A_22] : memref<10000x32xf32, #tpu.memory_space<vmem_shared>> -> memref<625x32xf32, #tpu.memory_space<vmem_shared>>
    %dma_start3A_24 = arith.constant 0 : i32
    %dma_start3A_25 = tpu.memref_slice %arg2[%mul3A_2, %dma_start3A_24] : memref<10000x32xf32, #tpu.memory_space<hbm>> -> memref<625x32xf32, #tpu.memory_space<hbm>>
    tpu.enqueue_dma source(%dma_start3A_25 : memref<625x32xf32, #tpu.memory_space<hbm>>) target(%dma_start3A_23 : memref<625x32xf32, #tpu.memory_space<vmem_shared>>) target_semaphore(%arg17 : memref<!tpu.dma_semaphore, #tpu.memory_space<semaphore_mem>>)
    %dma_wait3A = arith.constant 0 : i32
    %dma_wait3A_26 = arith.constant 0 : i32
    %dma_wait3A_27 = tpu.memref_slice %arg3[%dma_wait3A, %mul3A_4, %dma_wait3A_26] : memref<2x1280x250xi32, #tpu.memory_space<hbm>> -> memref<1x40x250xi32, #tpu.memory_space<hbm>>
    %dma_wait3A_28 = tpu.memref_squeeze %dma_wait3A_27 : memref<1x40x250xi32, #tpu.memory_space<hbm>> -> memref<40x250xi32, #tpu.memory_space<hbm>>
    %dma_wait3A_29 = arith.constant 0 : i32
    %dma_wait3A_30 = tpu.memref_slice %arg3[%dma_wait3A, %mul3A_4, %dma_wait3A_29] : memref<2x1280x250xi32, #tpu.memory_space<hbm>> -> memref<1x40x250xi32, #tpu.memory_space<hbm>>
    %dma_wait3A_31 = tpu.memref_squeeze %dma_wait3A_30 : memref<1x40x250xi32, #tpu.memory_space<hbm>> -> memref<40x250xi32, #tpu.memory_space<hbm>>
    tpu.wait_dma2 semaphore(%arg14 : memref<!tpu.dma_semaphore, #tpu.memory_space<semaphore_mem>>) src(%dma_wait3A_31 : memref<40x250xi32, #tpu.memory_space<hbm>>) dst(%arg6 : memref<40x250xi32, #tpu.memory_space<vmem>>)
    %dma_wait3A_32 = arith.constant 1 : i32
    %dma_wait3A_33 = arith.constant 0 : i32
    %dma_wait3A_34 = tpu.memref_slice %arg3[%dma_wait3A_32, %mul3A_12, %dma_wait3A_33] : memref<2x1280x250xi32, #tpu.memory_space<hbm>> -> memref<1x40x250xi32, #tpu.memory_space<hbm>>
    %dma_wait3A_35 = tpu.memref_squeeze %dma_wait3A_34 : memref<1x40x250xi32, #tpu.memory_space<hbm>> -> memref<40x250xi32, #tpu.memory_space<hbm>>
    %dma_wait3A_36 = arith.constant 0 : i32
    %dma_wait3A_37 = tpu.memref_slice %arg3[%dma_wait3A_32, %mul3A_12, %dma_wait3A_36] : memref<2x1280x250xi32, #tpu.memory_space<hbm>> -> memref<1x40x250xi32, #tpu.memory_space<hbm>>
    %dma_wait3A_38 = tpu.memref_squeeze %dma_wait3A_37 : memref<1x40x250xi32, #tpu.memory_space<hbm>> -> memref<40x250xi32, #tpu.memory_space<hbm>>
    tpu.wait_dma2 semaphore(%arg15 : memref<!tpu.dma_semaphore, #tpu.memory_space<semaphore_mem>>) src(%dma_wait3A_38 : memref<40x250xi32, #tpu.memory_space<hbm>>) dst(%arg7 : memref<40x250xi32, #tpu.memory_space<vmem>>)
    %dma_wait3A_39 = arith.constant 0 : i32
    %dma_wait3A_40 = tpu.memref_slice %arg12[%mul3A_2, %dma_wait3A_39] : memref<10000x32xf32, #tpu.memory_space<vmem_shared>> -> memref<625x32xf32, #tpu.memory_space<vmem_shared>>
    tpu.wait_dma2 semaphore(%arg16 : memref<!tpu.dma_semaphore, #tpu.memory_space<semaphore_mem>>) src(%arg4 : memref<625x32xf32, #tpu.memory_space<hbm>>) dst(%dma_wait3A_40 : memref<625x32xf32, #tpu.memory_space<vmem_shared>>)
    %dma_wait3A_41 = arith.constant 0 : i32
    %dma_wait3A_42 = tpu.memref_slice %arg13[%mul3A_2, %dma_wait3A_41] : memref<10000x32xf32, #tpu.memory_space<vmem_shared>> -> memref<625x32xf32, #tpu.memory_space<vmem_shared>>
    %dma_wait3A_43 = arith.constant 0 : i32
    %dma_wait3A_44 = tpu.memref_slice %arg2[%mul3A_2, %dma_wait3A_43] : memref<10000x32xf32, #tpu.memory_space<hbm>> -> memref<625x32xf32, #tpu.memory_space<hbm>>
    tpu.wait_dma2 semaphore(%arg17 : memref<!tpu.dma_semaphore, #tpu.memory_space<semaphore_mem>>) src(%dma_wait3A_44 : memref<625x32xf32, #tpu.memory_space<hbm>>) dst(%dma_wait3A_42 : memref<625x32xf32, #tpu.memory_space<vmem_shared>>)
    %barrier3A = arith.constant 0 : index
    tpu.barrier barrier_id(%barrier3A)
    %dma_start3A_45 = arith.constant 0 : i32
    %dma_start3A_46 = arith.constant 0 : i32
    %dma_start3A_47 = tpu.memref_slice %arg6[%dma_start3A_45, %dma_start3A_46] : memref<40x250xi32, #tpu.memory_space<vmem>> -> memref<1x250xi32, #tpu.memory_space<vmem>>
    %dma_start3A_48 = tpu.memref_squeeze %dma_start3A_47 : memref<1x250xi32, #tpu.memory_space<vmem>> -> memref<250xi32, #tpu.memory_space<vmem>>
    %dma_start3A_49 = arith.constant 0 : i32
    %dma_start3A_50 = arith.constant 0 : i32
    %dma_start3A_51 = tpu.memref_slice %arg13[%dma_start3A_49, %dma_start3A_50] : memref<10000x32xf32, #tpu.memory_space<vmem_shared>> -> memref<10000x32xf32, #tpu.memory_space<vmem_shared>>
    tpu.enqueue_indirect_dma source(%dma_start3A_51 : memref<10000x32xf32, #tpu.memory_space<vmem_shared>>) target(%arg8 : memref<250x32xf32, #tpu.memory_space<vmem>>) offsets(%dma_start3A_48 : memref<250xi32, #tpu.memory_space<vmem>>) semaphore(%arg14 : memref<!tpu.dma_semaphore, #tpu.memory_space<semaphore_mem>>)
    %dma_start3A_52 = arith.constant 1 : i32
    %dma_start3A_53 = arith.constant 0 : i32
    %dma_start3A_54 = tpu.memref_slice %arg6[%dma_start3A_52, %dma_start3A_53] : memref<40x250xi32, #tpu.memory_space<vmem>> -> memref<1x250xi32, #tpu.memory_space<vmem>>
    %dma_start3A_55 = tpu.memref_squeeze %dma_start3A_54 : memref<1x250xi32, #tpu.memory_space<vmem>> -> memref<250xi32, #tpu.memory_space<vmem>>
    %dma_start3A_56 = arith.constant 0 : i32
    %dma_start3A_57 = arith.constant 0 : i32
    %dma_start3A_58 = tpu.memref_slice %arg13[%dma_start3A_56, %dma_start3A_57] : memref<10000x32xf32, #tpu.memory_space<vmem_shared>> -> memref<10000x32xf32, #tpu.memory_space<vmem_shared>>
    tpu.enqueue_indirect_dma source(%dma_start3A_58 : memref<10000x32xf32, #tpu.memory_space<vmem_shared>>) target(%arg9 : memref<250x32xf32, #tpu.memory_space<vmem>>) offsets(%dma_start3A_55 : memref<250xi32, #tpu.memory_space<vmem>>) semaphore(%arg15 : memref<!tpu.dma_semaphore, #tpu.memory_space<semaphore_mem>>)
    %dma_wait3A_59 = arith.constant 0 : i32
    %dma_wait3A_60 = arith.constant 0 : i32
    %dma_wait3A_61 = tpu.memref_slice %arg6[%dma_wait3A_59, %dma_wait3A_60] : memref<40x250xi32, #tpu.memory_space<vmem>> -> memref<1x250xi32, #tpu.memory_space<vmem>>
    %dma_wait3A_62 = tpu.memref_squeeze %dma_wait3A_61 : memref<1x250xi32, #tpu.memory_space<vmem>> -> memref<250xi32, #tpu.memory_space<vmem>>
    %dma_wait3A_63 = arith.constant 0 : i32
    %dma_wait3A_64 = arith.constant 0 : i32
    %dma_wait3A_65 = tpu.memref_slice %arg13[%dma_wait3A_63, %dma_wait3A_64] : memref<10000x32xf32, #tpu.memory_space<vmem_shared>> -> memref<10000x32xf32, #tpu.memory_space<vmem_shared>>
    tpu.wait_indirect_dma semaphore(%arg14 : memref<!tpu.dma_semaphore, #tpu.memory_space<semaphore_mem>>) src(%dma_wait3A_65 : memref<10000x32xf32, #tpu.memory_space<vmem_shared>>) dst(%arg8 : memref<250x32xf32, #tpu.memory_space<vmem>>)
    %dma_start3A_66 = arith.constant 0 : i32
    %dma_start3A_67 = arith.constant 0 : i32
    %dma_start3A_68 = tpu.memref_slice %arg7[%dma_start3A_66, %dma_start3A_67] : memref<40x250xi32, #tpu.memory_space<vmem>> -> memref<1x250xi32, #tpu.memory_space<vmem>>
    %dma_start3A_69 = tpu.memref_squeeze %dma_start3A_68 : memref<1x250xi32, #tpu.memory_space<vmem>> -> memref<250xi32, #tpu.memory_space<vmem>>
    %dma_start3A_70 = arith.constant 0 : i32
    %dma_start3A_71 = arith.constant 0 : i32
    %dma_start3A_72 = tpu.memref_slice %arg12[%dma_start3A_70, %dma_start3A_71] : memref<10000x32xf32, #tpu.memory_space<vmem_shared>> -> memref<10000x32xf32, #tpu.memory_space<vmem_shared>>
    tpu.enqueue_indirect_dma source(%arg8 : memref<250x32xf32, #tpu.memory_space<vmem>>) target(%dma_start3A_72 : memref<10000x32xf32, #tpu.memory_space<vmem_shared>>) offsets(%dma_start3A_69 : memref<250xi32, #tpu.memory_space<vmem>>) semaphore(%arg18 : memref<!tpu.dma_semaphore, #tpu.memory_space<semaphore_mem>>) {add = true}
    %dma_start3A_73 = arith.constant 2 : i32
    %dma_start3A_74 = arith.constant 0 : i32
    %dma_start3A_75 = tpu.memref_slice %arg6[%dma_start3A_73, %dma_start3A_74] : memref<40x250xi32, #tpu.memory_space<vmem>> -> memref<1x250xi32, #tpu.memory_space<vmem>>
    %dma_start3A_76 = tpu.memref_squeeze %dma_start3A_75 : memref<1x250xi32, #tpu.memory_space<vmem>> -> memref<250xi32, #tpu.memory_space<vmem>>
    %dma_start3A_77 = arith.constant 0 : i32
    %dma_start3A_78 = arith.constant 0 : i32
    %dma_start3A_79 = tpu.memref_slice %arg13[%dma_start3A_77, %dma_start3A_78] : memref<10000x32xf32, #tpu.memory_space<vmem_shared>> -> memref<10000x32xf32, #tpu.memory_space<vmem_shared>>
    tpu.enqueue_indirect_dma source(%dma_start3A_79 : memref<10000x32xf32, #tpu.memory_space<vmem_shared>>) target(%arg10 : memref<250x32xf32, #tpu.memory_space<vmem>>) offsets(%dma_start3A_76 : memref<250xi32, #tpu.memory_space<vmem>>) semaphore(%arg16 : memref<!tpu.dma_semaphore, #tpu.memory_space<semaphore_mem>>)
    %dma_wait3A_80 = arith.constant 1 : i32
    %dma_wait3A_81 = arith.constant 0 : i32
    %dma_wait3A_82 = tpu.memref_slice %arg6[%dma_wait3A_80, %dma_wait3A_81] : memref<40x250xi32, #tpu.memory_space<vmem>> -> memref<1x250xi32, #tpu.memory_space<vmem>>
    %dma_wait3A_83 = tpu.memref_squeeze %dma_wait3A_82 : memref<1x250xi32, #tpu.memory_space<vmem>> -> memref<250xi32, #tpu.memory_space<vmem>>
    %dma_wait3A_84 = arith.constant 0 : i32
    %dma_wait3A_85 = arith.constant 0 : i32
    %dma_wait3A_86 = tpu.memref_slice %arg13[%dma_wait3A_84, %dma_wait3A_85] : memref<10000x32xf32, #tpu.memory_space<vmem_shared>> -> memref<10000x32xf32, #tpu.memory_space<vmem_shared>>
    tpu.wait_indirect_dma semaphore(%arg15 : memref<!tpu.dma_semaphore, #tpu.memory_space<semaphore_mem>>) src(%dma_wait3A_86 : memref<10000x32xf32, #tpu.memory_space<vmem_shared>>) dst(%arg9 : memref<250x32xf32, #tpu.memory_space<vmem>>)
    %dma_start3A_87 = arith.constant 1 : i32
    %dma_start3A_88 = arith.constant 0 : i32
    %dma_start3A_89 = tpu.memref_slice %arg7[%dma_start3A_87, %dma_start3A_88] : memref<40x250xi32, #tpu.memory_space<vmem>> -> memref<1x250xi32, #tpu.memory_space<vmem>>
    %dma_start3A_90 = tpu.memref_squeeze %dma_start3A_89 : memref<1x250xi32, #tpu.memory_space<vmem>> -> memref<250xi32, #tpu.memory_space<vmem>>
    %dma_start3A_91 = arith.constant 0 : i32
    %dma_start3A_92 = arith.constant 0 : i32
    %dma_start3A_93 = tpu.memref_slice %arg12[%dma_start3A_91, %dma_start3A_92] : memref<10000x32xf32, #tpu.memory_space<vmem_shared>> -> memref<10000x32xf32, #tpu.memory_space<vmem_shared>>
    tpu.enqueue_indirect_dma source(%arg9 : memref<250x32xf32, #tpu.memory_space<vmem>>) target(%dma_start3A_93 : memref<10000x32xf32, #tpu.memory_space<vmem_shared>>) offsets(%dma_start3A_90 : memref<250xi32, #tpu.memory_space<vmem>>) semaphore(%arg19 : memref<!tpu.dma_semaphore, #tpu.memory_space<semaphore_mem>>) {add = true}
    %dma_start3A_94 = arith.constant 3 : i32
    %dma_start3A_95 = arith.constant 0 : i32
    %dma_start3A_96 = tpu.memref_slice %arg6[%dma_start3A_94, %dma_start3A_95] : memref<40x250xi32, #tpu.memory_space<vmem>> -> memref<1x250xi32, #tpu.memory_space<vmem>>
    %dma_start3A_97 = tpu.memref_squeeze %dma_start3A_96 : memref<1x250xi32, #tpu.memory_space<vmem>> -> memref<250xi32, #tpu.memory_space<vmem>>
    %dma_start3A_98 = arith.constant 0 : i32
    %dma_start3A_99 = arith.constant 0 : i32
    %dma_start3A_100 = tpu.memref_slice %arg13[%dma_start3A_98, %dma_start3A_99] : memref<10000x32xf32, #tpu.memory_space<vmem_shared>> -> memref<10000x32xf32, #tpu.memory_space<vmem_shared>>
    tpu.enqueue_indirect_dma source(%dma_start3A_100 : memref<10000x32xf32, #tpu.memory_space<vmem_shared>>) target(%arg11 : memref<250x32xf32, #tpu.memory_space<vmem>>) offsets(%dma_start3A_97 : memref<250xi32, #tpu.memory_space<vmem>>) semaphore(%arg17 : memref<!tpu.dma_semaphore, #tpu.memory_space<semaphore_mem>>)
    %scan3A = arith.constant 0 : i32
    %scan3A_101 = arith.constant 0 : i32
    %scan3A_102 = arith.constant 9 : i32
    %scan3A_103 = arith.addi %scan3A_101, %scan3A_102 : i32
    %scan3A_104 = arith.constant 1 : i32
    scf.for %scan3A_163 = %scan3A_101 to %scan3A_103 step %scan3A_104  : i32 {
      %mul3A_164 = arith.constant 4 : i32
      %mul3A_165 = arith.muli %mul3A_164, %scan3A_163 : i32
      %add3A_166 = arith.constant 0 : i32
      %add3A_167 = arith.addi %mul3A_165, %add3A_166 : i32
      %add3A_168 = arith.constant 2 : i32
      %add3A_169 = arith.addi %add3A_167, %add3A_168 : i32
      %dma_wait3A_170 = arith.constant 0 : i32
      %dma_wait3A_171 = tpu.memref_slice %arg6[%add3A_169, %dma_wait3A_170] : memref<40x250xi32, #tpu.memory_space<vmem>> -> memref<1x250xi32, #tpu.memory_space<vmem>>
      %dma_wait3A_172 = tpu.memref_squeeze %dma_wait3A_171 : memref<1x250xi32, #tpu.memory_space<vmem>> -> memref<250xi32, #tpu.memory_space<vmem>>
      %dma_wait3A_173 = arith.constant 0 : i32
      %dma_wait3A_174 = arith.constant 0 : i32
      %dma_wait3A_175 = tpu.memref_slice %arg13[%dma_wait3A_173, %dma_wait3A_174] : memref<10000x32xf32, #tpu.memory_space<vmem_shared>> -> memref<10000x32xf32, #tpu.memory_space<vmem_shared>>
      tpu.wait_indirect_dma semaphore(%arg16 : memref<!tpu.dma_semaphore, #tpu.memory_space<semaphore_mem>>) src(%dma_wait3A_175 : memref<10000x32xf32, #tpu.memory_space<vmem_shared>>) dst(%arg10 : memref<250x32xf32, #tpu.memory_space<vmem>>)
      %dma_start3A_176 = arith.constant 0 : i32
      %dma_start3A_177 = tpu.memref_slice %arg7[%add3A_169, %dma_start3A_176] : memref<40x250xi32, #tpu.memory_space<vmem>> -> memref<1x250xi32, #tpu.memory_space<vmem>>
      %dma_start3A_178 = tpu.memref_squeeze %dma_start3A_177 : memref<1x250xi32, #tpu.memory_space<vmem>> -> memref<250xi32, #tpu.memory_space<vmem>>
      %dma_start3A_179 = arith.constant 0 : i32
      %dma_start3A_180 = arith.constant 0 : i32
      %dma_start3A_181 = tpu.memref_slice %arg12[%dma_start3A_179, %dma_start3A_180] : memref<10000x32xf32, #tpu.memory_space<vmem_shared>> -> memref<10000x32xf32, #tpu.memory_space<vmem_shared>>
      tpu.enqueue_indirect_dma source(%arg10 : memref<250x32xf32, #tpu.memory_space<vmem>>) target(%dma_start3A_181 : memref<10000x32xf32, #tpu.memory_space<vmem_shared>>) offsets(%dma_start3A_178 : memref<250xi32, #tpu.memory_space<vmem>>) semaphore(%arg20 : memref<!tpu.dma_semaphore, #tpu.memory_space<semaphore_mem>>) {add = true}
      %sub3A = arith.constant 2 : i32
      %sub3A_182 = arith.subi %add3A_169, %sub3A : i32
      %dma_wait3A_183 = arith.constant 0 : i32
      %dma_wait3A_184 = tpu.memref_slice %arg7[%sub3A_182, %dma_wait3A_183] : memref<40x250xi32, #tpu.memory_space<vmem>> -> memref<1x250xi32, #tpu.memory_space<vmem>>
      %dma_wait3A_185 = tpu.memref_squeeze %dma_wait3A_184 : memref<1x250xi32, #tpu.memory_space<vmem>> -> memref<250xi32, #tpu.memory_space<vmem>>
      %dma_wait3A_186 = arith.constant 0 : i32
      %dma_wait3A_187 = arith.constant 0 : i32
      %dma_wait3A_188 = tpu.memref_slice %arg12[%dma_wait3A_186, %dma_wait3A_187] : memref<10000x32xf32, #tpu.memory_space<vmem_shared>> -> memref<10000x32xf32, #tpu.memory_space<vmem_shared>>
      tpu.wait_indirect_dma semaphore(%arg18 : memref<!tpu.dma_semaphore, #tpu.memory_space<semaphore_mem>>) src(%arg8 : memref<250x32xf32, #tpu.memory_space<vmem>>) dst(%dma_wait3A_188 : memref<10000x32xf32, #tpu.memory_space<vmem_shared>>)
      %add3A_189 = arith.constant 2 : i32
      %add3A_190 = arith.addi %add3A_169, %add3A_189 : i32
      %dma_start3A_191 = arith.constant 0 : i32
      %dma_start3A_192 = tpu.memref_slice %arg6[%add3A_190, %dma_start3A_191] : memref<40x250xi32, #tpu.memory_space<vmem>> -> memref<1x250xi32, #tpu.memory_space<vmem>>
      %dma_start3A_193 = tpu.memref_squeeze %dma_start3A_192 : memref<1x250xi32, #tpu.memory_space<vmem>> -> memref<250xi32, #tpu.memory_space<vmem>>
      %dma_start3A_194 = arith.constant 0 : i32
      %dma_start3A_195 = arith.constant 0 : i32
      %dma_start3A_196 = tpu.memref_slice %arg13[%dma_start3A_194, %dma_start3A_195] : memref<10000x32xf32, #tpu.memory_space<vmem_shared>> -> memref<10000x32xf32, #tpu.memory_space<vmem_shared>>
      tpu.enqueue_indirect_dma source(%dma_start3A_196 : memref<10000x32xf32, #tpu.memory_space<vmem_shared>>) target(%arg8 : memref<250x32xf32, #tpu.memory_space<vmem>>) offsets(%dma_start3A_193 : memref<250xi32, #tpu.memory_space<vmem>>) semaphore(%arg14 : memref<!tpu.dma_semaphore, #tpu.memory_space<semaphore_mem>>)
      %mul3A_197 = arith.constant 4 : i32
      %mul3A_198 = arith.muli %mul3A_197, %scan3A_163 : i32
      %add3A_199 = arith.constant 1 : i32
      %add3A_200 = arith.addi %mul3A_198, %add3A_199 : i32
      %add3A_201 = arith.constant 2 : i32
      %add3A_202 = arith.addi %add3A_200, %add3A_201 : i32
      %dma_wait3A_203 = arith.constant 0 : i32
      %dma_wait3A_204 = tpu.memref_slice %arg6[%add3A_202, %dma_wait3A_203] : memref<40x250xi32, #tpu.memory_space<vmem>> -> memref<1x250xi32, #tpu.memory_space<vmem>>
      %dma_wait3A_205 = tpu.memref_squeeze %dma_wait3A_204 : memref<1x250xi32, #tpu.memory_space<vmem>> -> memref<250xi32, #tpu.memory_space<vmem>>
      %dma_wait3A_206 = arith.constant 0 : i32
      %dma_wait3A_207 = arith.constant 0 : i32
      %dma_wait3A_208 = tpu.memref_slice %arg13[%dma_wait3A_206, %dma_wait3A_207] : memref<10000x32xf32, #tpu.memory_space<vmem_shared>> -> memref<10000x32xf32, #tpu.memory_space<vmem_shared>>
      tpu.wait_indirect_dma semaphore(%arg17 : memref<!tpu.dma_semaphore, #tpu.memory_space<semaphore_mem>>) src(%dma_wait3A_208 : memref<10000x32xf32, #tpu.memory_space<vmem_shared>>) dst(%arg11 : memref<250x32xf32, #tpu.memory_space<vmem>>)
      %dma_start3A_209 = arith.constant 0 : i32
      %dma_start3A_210 = tpu.memref_slice %arg7[%add3A_202, %dma_start3A_209] : memref<40x250xi32, #tpu.memory_space<vmem>> -> memref<1x250xi32, #tpu.memory_space<vmem>>
      %dma_start3A_211 = tpu.memref_squeeze %dma_start3A_210 : memref<1x250xi32, #tpu.memory_space<vmem>> -> memref<250xi32, #tpu.memory_space<vmem>>
      %dma_start3A_212 = arith.constant 0 : i32
      %dma_start3A_213 = arith.constant 0 : i32
      %dma_start3A_214 = tpu.memref_slice %arg12[%dma_start3A_212, %dma_start3A_213] : memref<10000x32xf32, #tpu.memory_space<vmem_shared>> -> memref<10000x32xf32, #tpu.memory_space<vmem_shared>>
      tpu.enqueue_indirect_dma source(%arg11 : memref<250x32xf32, #tpu.memory_space<vmem>>) target(%dma_start3A_214 : memref<10000x32xf32, #tpu.memory_space<vmem_shared>>) offsets(%dma_start3A_211 : memref<250xi32, #tpu.memory_space<vmem>>) semaphore(%arg21 : memref<!tpu.dma_semaphore, #tpu.memory_space<semaphore_mem>>) {add = true}
      %sub3A_215 = arith.constant 2 : i32
      %sub3A_216 = arith.subi %add3A_202, %sub3A_215 : i32
      %dma_wait3A_217 = arith.constant 0 : i32
      %dma_wait3A_218 = tpu.memref_slice %arg7[%sub3A_216, %dma_wait3A_217] : memref<40x250xi32, #tpu.memory_space<vmem>> -> memref<1x250xi32, #tpu.memory_space<vmem>>
      %dma_wait3A_219 = tpu.memref_squeeze %dma_wait3A_218 : memref<1x250xi32, #tpu.memory_space<vmem>> -> memref<250xi32, #tpu.memory_space<vmem>>
      %dma_wait3A_220 = arith.constant 0 : i32
      %dma_wait3A_221 = arith.constant 0 : i32
      %dma_wait3A_222 = tpu.memref_slice %arg12[%dma_wait3A_220, %dma_wait3A_221] : memref<10000x32xf32, #tpu.memory_space<vmem_shared>> -> memref<10000x32xf32, #tpu.memory_space<vmem_shared>>
      tpu.wait_indirect_dma semaphore(%arg19 : memref<!tpu.dma_semaphore, #tpu.memory_space<semaphore_mem>>) src(%arg9 : memref<250x32xf32, #tpu.memory_space<vmem>>) dst(%dma_wait3A_222 : memref<10000x32xf32, #tpu.memory_space<vmem_shared>>)
      %add3A_223 = arith.constant 2 : i32
      %add3A_224 = arith.addi %add3A_202, %add3A_223 : i32
      %dma_start3A_225 = arith.constant 0 : i32
      %dma_start3A_226 = tpu.memref_slice %arg6[%add3A_224, %dma_start3A_225] : memref<40x250xi32, #tpu.memory_space<vmem>> -> memref<1x250xi32, #tpu.memory_space<vmem>>
      %dma_start3A_227 = tpu.memref_squeeze %dma_start3A_226 : memref<1x250xi32, #tpu.memory_space<vmem>> -> memref<250xi32, #tpu.memory_space<vmem>>
      %dma_start3A_228 = arith.constant 0 : i32
      %dma_start3A_229 = arith.constant 0 : i32
      %dma_start3A_230 = tpu.memref_slice %arg13[%dma_start3A_228, %dma_start3A_229] : memref<10000x32xf32, #tpu.memory_space<vmem_shared>> -> memref<10000x32xf32, #tpu.memory_space<vmem_shared>>
      tpu.enqueue_indirect_dma source(%dma_start3A_230 : memref<10000x32xf32, #tpu.memory_space<vmem_shared>>) target(%arg9 : memref<250x32xf32, #tpu.memory_space<vmem>>) offsets(%dma_start3A_227 : memref<250xi32, #tpu.memory_space<vmem>>) semaphore(%arg15 : memref<!tpu.dma_semaphore, #tpu.memory_space<semaphore_mem>>)
      %mul3A_231 = arith.constant 4 : i32
      %mul3A_232 = arith.muli %mul3A_231, %scan3A_163 : i32
      %add3A_233 = arith.constant 2 : i32
      %add3A_234 = arith.addi %mul3A_232, %add3A_233 : i32
      %add3A_235 = arith.constant 2 : i32
      %add3A_236 = arith.addi %add3A_234, %add3A_235 : i32
      %dma_wait3A_237 = arith.constant 0 : i32
      %dma_wait3A_238 = tpu.memref_slice %arg6[%add3A_236, %dma_wait3A_237] : memref<40x250xi32, #tpu.memory_space<vmem>> -> memref<1x250xi32, #tpu.memory_space<vmem>>
      %dma_wait3A_239 = tpu.memref_squeeze %dma_wait3A_238 : memref<1x250xi32, #tpu.memory_space<vmem>> -> memref<250xi32, #tpu.memory_space<vmem>>
      %dma_wait3A_240 = arith.constant 0 : i32
      %dma_wait3A_241 = arith.constant 0 : i32
      %dma_wait3A_242 = tpu.memref_slice %arg13[%dma_wait3A_240, %dma_wait3A_241] : memref<10000x32xf32, #tpu.memory_space<vmem_shared>> -> memref<10000x32xf32, #tpu.memory_space<vmem_shared>>
      tpu.wait_indirect_dma semaphore(%arg14 : memref<!tpu.dma_semaphore, #tpu.memory_space<semaphore_mem>>) src(%dma_wait3A_242 : memref<10000x32xf32, #tpu.memory_space<vmem_shared>>) dst(%arg8 : memref<250x32xf32, #tpu.memory_space<vmem>>)
      %dma_start3A_243 = arith.constant 0 : i32
      %dma_start3A_244 = tpu.memref_slice %arg7[%add3A_236, %dma_start3A_243] : memref<40x250xi32, #tpu.memory_space<vmem>> -> memref<1x250xi32, #tpu.memory_space<vmem>>
      %dma_start3A_245 = tpu.memref_squeeze %dma_start3A_244 : memref<1x250xi32, #tpu.memory_space<vmem>> -> memref<250xi32, #tpu.memory_space<vmem>>
      %dma_start3A_246 = arith.constant 0 : i32
      %dma_start3A_247 = arith.constant 0 : i32
      %dma_start3A_248 = tpu.memref_slice %arg12[%dma_start3A_246, %dma_start3A_247] : memref<10000x32xf32, #tpu.memory_space<vmem_shared>> -> memref<10000x32xf32, #tpu.memory_space<vmem_shared>>
      tpu.enqueue_indirect_dma source(%arg8 : memref<250x32xf32, #tpu.memory_space<vmem>>) target(%dma_start3A_248 : memref<10000x32xf32, #tpu.memory_space<vmem_shared>>) offsets(%dma_start3A_245 : memref<250xi32, #tpu.memory_space<vmem>>) semaphore(%arg18 : memref<!tpu.dma_semaphore, #tpu.memory_space<semaphore_mem>>) {add = true}
      %sub3A_249 = arith.constant 2 : i32
      %sub3A_250 = arith.subi %add3A_236, %sub3A_249 : i32
      %dma_wait3A_251 = arith.constant 0 : i32
      %dma_wait3A_252 = tpu.memref_slice %arg7[%sub3A_250, %dma_wait3A_251] : memref<40x250xi32, #tpu.memory_space<vmem>> -> memref<1x250xi32, #tpu.memory_space<vmem>>
      %dma_wait3A_253 = tpu.memref_squeeze %dma_wait3A_252 : memref<1x250xi32, #tpu.memory_space<vmem>> -> memref<250xi32, #tpu.memory_space<vmem>>
      %dma_wait3A_254 = arith.constant 0 : i32
      %dma_wait3A_255 = arith.constant 0 : i32
      %dma_wait3A_256 = tpu.memref_slice %arg12[%dma_wait3A_254, %dma_wait3A_255] : memref<10000x32xf32, #tpu.memory_space<vmem_shared>> -> memref<10000x32xf32, #tpu.memory_space<vmem_shared>>
      tpu.wait_indirect_dma semaphore(%arg20 : memref<!tpu.dma_semaphore, #tpu.memory_space<semaphore_mem>>) src(%arg10 : memref<250x32xf32, #tpu.memory_space<vmem>>) dst(%dma_wait3A_256 : memref<10000x32xf32, #tpu.memory_space<vmem_shared>>)
      %add3A_257 = arith.constant 2 : i32
      %add3A_258 = arith.addi %add3A_236, %add3A_257 : i32
      %dma_start3A_259 = arith.constant 0 : i32
      %dma_start3A_260 = tpu.memref_slice %arg6[%add3A_258, %dma_start3A_259] : memref<40x250xi32, #tpu.memory_space<vmem>> -> memref<1x250xi32, #tpu.memory_space<vmem>>
      %dma_start3A_261 = tpu.memref_squeeze %dma_start3A_260 : memref<1x250xi32, #tpu.memory_space<vmem>> -> memref<250xi32, #tpu.memory_space<vmem>>
      %dma_start3A_262 = arith.constant 0 : i32
      %dma_start3A_263 = arith.constant 0 : i32
      %dma_start3A_264 = tpu.memref_slice %arg13[%dma_start3A_262, %dma_start3A_263] : memref<10000x32xf32, #tpu.memory_space<vmem_shared>> -> memref<10000x32xf32, #tpu.memory_space<vmem_shared>>
      tpu.enqueue_indirect_dma source(%dma_start3A_264 : memref<10000x32xf32, #tpu.memory_space<vmem_shared>>) target(%arg10 : memref<250x32xf32, #tpu.memory_space<vmem>>) offsets(%dma_start3A_261 : memref<250xi32, #tpu.memory_space<vmem>>) semaphore(%arg16 : memref<!tpu.dma_semaphore, #tpu.memory_space<semaphore_mem>>)
      %mul3A_265 = arith.constant 4 : i32
      %mul3A_266 = arith.muli %mul3A_265, %scan3A_163 : i32
      %add3A_267 = arith.constant 3 : i32
      %add3A_268 = arith.addi %mul3A_266, %add3A_267 : i32
      %add3A_269 = arith.constant 2 : i32
      %add3A_270 = arith.addi %add3A_268, %add3A_269 : i32
      %dma_wait3A_271 = arith.constant 0 : i32
      %dma_wait3A_272 = tpu.memref_slice %arg6[%add3A_270, %dma_wait3A_271] : memref<40x250xi32, #tpu.memory_space<vmem>> -> memref<1x250xi32, #tpu.memory_space<vmem>>
      %dma_wait3A_273 = tpu.memref_squeeze %dma_wait3A_272 : memref<1x250xi32, #tpu.memory_space<vmem>> -> memref<250xi32, #tpu.memory_space<vmem>>
      %dma_wait3A_274 = arith.constant 0 : i32
      %dma_wait3A_275 = arith.constant 0 : i32
      %dma_wait3A_276 = tpu.memref_slice %arg13[%dma_wait3A_274, %dma_wait3A_275] : memref<10000x32xf32, #tpu.memory_space<vmem_shared>> -> memref<10000x32xf32, #tpu.memory_space<vmem_shared>>
      tpu.wait_indirect_dma semaphore(%arg15 : memref<!tpu.dma_semaphore, #tpu.memory_space<semaphore_mem>>) src(%dma_wait3A_276 : memref<10000x32xf32, #tpu.memory_space<vmem_shared>>) dst(%arg9 : memref<250x32xf32, #tpu.memory_space<vmem>>)
      %dma_start3A_277 = arith.constant 0 : i32
      %dma_start3A_278 = tpu.memref_slice %arg7[%add3A_270, %dma_start3A_277] : memref<40x250xi32, #tpu.memory_space<vmem>> -> memref<1x250xi32, #tpu.memory_space<vmem>>
      %dma_start3A_279 = tpu.memref_squeeze %dma_start3A_278 : memref<1x250xi32, #tpu.memory_space<vmem>> -> memref<250xi32, #tpu.memory_space<vmem>>
      %dma_start3A_280 = arith.constant 0 : i32
      %dma_start3A_281 = arith.constant 0 : i32
      %dma_start3A_282 = tpu.memref_slice %arg12[%dma_start3A_280, %dma_start3A_281] : memref<10000x32xf32, #tpu.memory_space<vmem_shared>> -> memref<10000x32xf32, #tpu.memory_space<vmem_shared>>
      tpu.enqueue_indirect_dma source(%arg9 : memref<250x32xf32, #tpu.memory_space<vmem>>) target(%dma_start3A_282 : memref<10000x32xf32, #tpu.memory_space<vmem_shared>>) offsets(%dma_start3A_279 : memref<250xi32, #tpu.memory_space<vmem>>) semaphore(%arg19 : memref<!tpu.dma_semaphore, #tpu.memory_space<semaphore_mem>>) {add = true}
      %sub3A_283 = arith.constant 2 : i32
      %sub3A_284 = arith.subi %add3A_270, %sub3A_283 : i32
      %dma_wait3A_285 = arith.constant 0 : i32
      %dma_wait3A_286 = tpu.memref_slice %arg7[%sub3A_284, %dma_wait3A_285] : memref<40x250xi32, #tpu.memory_space<vmem>> -> memref<1x250xi32, #tpu.memory_space<vmem>>
      %dma_wait3A_287 = tpu.memref_squeeze %dma_wait3A_286 : memref<1x250xi32, #tpu.memory_space<vmem>> -> memref<250xi32, #tpu.memory_space<vmem>>
      %dma_wait3A_288 = arith.constant 0 : i32
      %dma_wait3A_289 = arith.constant 0 : i32
      %dma_wait3A_290 = tpu.memref_slice %arg12[%dma_wait3A_288, %dma_wait3A_289] : memref<10000x32xf32, #tpu.memory_space<vmem_shared>> -> memref<10000x32xf32, #tpu.memory_space<vmem_shared>>
      tpu.wait_indirect_dma semaphore(%arg21 : memref<!tpu.dma_semaphore, #tpu.memory_space<semaphore_mem>>) src(%arg11 : memref<250x32xf32, #tpu.memory_space<vmem>>) dst(%dma_wait3A_290 : memref<10000x32xf32, #tpu.memory_space<vmem_shared>>)
      %add3A_291 = arith.constant 2 : i32
      %add3A_292 = arith.addi %add3A_270, %add3A_291 : i32
      %dma_start3A_293 = arith.constant 0 : i32
      %dma_start3A_294 = tpu.memref_slice %arg6[%add3A_292, %dma_start3A_293] : memref<40x250xi32, #tpu.memory_space<vmem>> -> memref<1x250xi32, #tpu.memory_space<vmem>>
      %dma_start3A_295 = tpu.memref_squeeze %dma_start3A_294 : memref<1x250xi32, #tpu.memory_space<vmem>> -> memref<250xi32, #tpu.memory_space<vmem>>
      %dma_start3A_296 = arith.constant 0 : i32
      %dma_start3A_297 = arith.constant 0 : i32
      %dma_start3A_298 = tpu.memref_slice %arg13[%dma_start3A_296, %dma_start3A_297] : memref<10000x32xf32, #tpu.memory_space<vmem_shared>> -> memref<10000x32xf32, #tpu.memory_space<vmem_shared>>
      tpu.enqueue_indirect_dma source(%dma_start3A_298 : memref<10000x32xf32, #tpu.memory_space<vmem_shared>>) target(%arg11 : memref<250x32xf32, #tpu.memory_space<vmem>>) offsets(%dma_start3A_295 : memref<250xi32, #tpu.memory_space<vmem>>) semaphore(%arg17 : memref<!tpu.dma_semaphore, #tpu.memory_space<semaphore_mem>>)
    }
    %scan3A_105 = arith.constant 9 : i32
    %dma_wait3A_106 = arith.constant 38 : i32
    %dma_wait3A_107 = arith.constant 0 : i32
    %dma_wait3A_108 = tpu.memref_slice %arg6[%dma_wait3A_106, %dma_wait3A_107] : memref<40x250xi32, #tpu.memory_space<vmem>> -> memref<1x250xi32, #tpu.memory_space<vmem>>
    %dma_wait3A_109 = tpu.memref_squeeze %dma_wait3A_108 : memref<1x250xi32, #tpu.memory_space<vmem>> -> memref<250xi32, #tpu.memory_space<vmem>>
    %dma_wait3A_110 = arith.constant 0 : i32
    %dma_wait3A_111 = arith.constant 0 : i32
    %dma_wait3A_112 = tpu.memref_slice %arg13[%dma_wait3A_110, %dma_wait3A_111] : memref<10000x32xf32, #tpu.memory_space<vmem_shared>> -> memref<10000x32xf32, #tpu.memory_space<vmem_shared>>
    tpu.wait_indirect_dma semaphore(%arg16 : memref<!tpu.dma_semaphore, #tpu.memory_space<semaphore_mem>>) src(%dma_wait3A_112 : memref<10000x32xf32, #tpu.memory_space<vmem_shared>>) dst(%arg10 : memref<250x32xf32, #tpu.memory_space<vmem>>)
    %dma_start3A_113 = arith.constant 38 : i32
    %dma_start3A_114 = arith.constant 0 : i32
    %dma_start3A_115 = tpu.memref_slice %arg7[%dma_start3A_113, %dma_start3A_114] : memref<40x250xi32, #tpu.memory_space<vmem>> -> memref<1x250xi32, #tpu.memory_space<vmem>>
    %dma_start3A_116 = tpu.memref_squeeze %dma_start3A_115 : memref<1x250xi32, #tpu.memory_space<vmem>> -> memref<250xi32, #tpu.memory_space<vmem>>
    %dma_start3A_117 = arith.constant 0 : i32
    %dma_start3A_118 = arith.constant 0 : i32
    %dma_start3A_119 = tpu.memref_slice %arg12[%dma_start3A_117, %dma_start3A_118] : memref<10000x32xf32, #tpu.memory_space<vmem_shared>> -> memref<10000x32xf32, #tpu.memory_space<vmem_shared>>
    tpu.enqueue_indirect_dma source(%arg10 : memref<250x32xf32, #tpu.memory_space<vmem>>) target(%dma_start3A_119 : memref<10000x32xf32, #tpu.memory_space<vmem_shared>>) offsets(%dma_start3A_116 : memref<250xi32, #tpu.memory_space<vmem>>) semaphore(%arg20 : memref<!tpu.dma_semaphore, #tpu.memory_space<semaphore_mem>>) {add = true}
    %dma_wait3A_120 = arith.constant 36 : i32
    %dma_wait3A_121 = arith.constant 0 : i32
    %dma_wait3A_122 = tpu.memref_slice %arg7[%dma_wait3A_120, %dma_wait3A_121] : memref<40x250xi32, #tpu.memory_space<vmem>> -> memref<1x250xi32, #tpu.memory_space<vmem>>
    %dma_wait3A_123 = tpu.memref_squeeze %dma_wait3A_122 : memref<1x250xi32, #tpu.memory_space<vmem>> -> memref<250xi32, #tpu.memory_space<vmem>>
    %dma_wait3A_124 = arith.constant 0 : i32
    %dma_wait3A_125 = arith.constant 0 : i32
    %dma_wait3A_126 = tpu.memref_slice %arg12[%dma_wait3A_124, %dma_wait3A_125] : memref<10000x32xf32, #tpu.memory_space<vmem_shared>> -> memref<10000x32xf32, #tpu.memory_space<vmem_shared>>
    tpu.wait_indirect_dma semaphore(%arg18 : memref<!tpu.dma_semaphore, #tpu.memory_space<semaphore_mem>>) src(%arg8 : memref<250x32xf32, #tpu.memory_space<vmem>>) dst(%dma_wait3A_126 : memref<10000x32xf32, #tpu.memory_space<vmem_shared>>)
    %dma_wait3A_127 = arith.constant 39 : i32
    %dma_wait3A_128 = arith.constant 0 : i32
    %dma_wait3A_129 = tpu.memref_slice %arg6[%dma_wait3A_127, %dma_wait3A_128] : memref<40x250xi32, #tpu.memory_space<vmem>> -> memref<1x250xi32, #tpu.memory_space<vmem>>
    %dma_wait3A_130 = tpu.memref_squeeze %dma_wait3A_129 : memref<1x250xi32, #tpu.memory_space<vmem>> -> memref<250xi32, #tpu.memory_space<vmem>>
    %dma_wait3A_131 = arith.constant 0 : i32
    %dma_wait3A_132 = arith.constant 0 : i32
    %dma_wait3A_133 = tpu.memref_slice %arg13[%dma_wait3A_131, %dma_wait3A_132] : memref<10000x32xf32, #tpu.memory_space<vmem_shared>> -> memref<10000x32xf32, #tpu.memory_space<vmem_shared>>
    tpu.wait_indirect_dma semaphore(%arg17 : memref<!tpu.dma_semaphore, #tpu.memory_space<semaphore_mem>>) src(%dma_wait3A_133 : memref<10000x32xf32, #tpu.memory_space<vmem_shared>>) dst(%arg11 : memref<250x32xf32, #tpu.memory_space<vmem>>)
    %dma_start3A_134 = arith.constant 39 : i32
    %dma_start3A_135 = arith.constant 0 : i32
    %dma_start3A_136 = tpu.memref_slice %arg7[%dma_start3A_134, %dma_start3A_135] : memref<40x250xi32, #tpu.memory_space<vmem>> -> memref<1x250xi32, #tpu.memory_space<vmem>>
    %dma_start3A_137 = tpu.memref_squeeze %dma_start3A_136 : memref<1x250xi32, #tpu.memory_space<vmem>> -> memref<250xi32, #tpu.memory_space<vmem>>
    %dma_start3A_138 = arith.constant 0 : i32
    %dma_start3A_139 = arith.constant 0 : i32
    %dma_start3A_140 = tpu.memref_slice %arg12[%dma_start3A_138, %dma_start3A_139] : memref<10000x32xf32, #tpu.memory_space<vmem_shared>> -> memref<10000x32xf32, #tpu.memory_space<vmem_shared>>
    tpu.enqueue_indirect_dma source(%arg11 : memref<250x32xf32, #tpu.memory_space<vmem>>) target(%dma_start3A_140 : memref<10000x32xf32, #tpu.memory_space<vmem_shared>>) offsets(%dma_start3A_137 : memref<250xi32, #tpu.memory_space<vmem>>) semaphore(%arg21 : memref<!tpu.dma_semaphore, #tpu.memory_space<semaphore_mem>>) {add = true}
    %dma_wait3A_141 = arith.constant 37 : i32
    %dma_wait3A_142 = arith.constant 0 : i32
    %dma_wait3A_143 = tpu.memref_slice %arg7[%dma_wait3A_141, %dma_wait3A_142] : memref<40x250xi32, #tpu.memory_space<vmem>> -> memref<1x250xi32, #tpu.memory_space<vmem>>
    %dma_wait3A_144 = tpu.memref_squeeze %dma_wait3A_143 : memref<1x250xi32, #tpu.memory_space<vmem>> -> memref<250xi32, #tpu.memory_space<vmem>>
    %dma_wait3A_145 = arith.constant 0 : i32
    %dma_wait3A_146 = arith.constant 0 : i32
    %dma_wait3A_147 = tpu.memref_slice %arg12[%dma_wait3A_145, %dma_wait3A_146] : memref<10000x32xf32, #tpu.memory_space<vmem_shared>> -> memref<10000x32xf32, #tpu.memory_space<vmem_shared>>
    tpu.wait_indirect_dma semaphore(%arg19 : memref<!tpu.dma_semaphore, #tpu.memory_space<semaphore_mem>>) src(%arg9 : memref<250x32xf32, #tpu.memory_space<vmem>>) dst(%dma_wait3A_147 : memref<10000x32xf32, #tpu.memory_space<vmem_shared>>)
    %dma_wait3A_148 = arith.constant 38 : i32
    %dma_wait3A_149 = arith.constant 0 : i32
    %dma_wait3A_150 = tpu.memref_slice %arg7[%dma_wait3A_148, %dma_wait3A_149] : memref<40x250xi32, #tpu.memory_space<vmem>> -> memref<1x250xi32, #tpu.memory_space<vmem>>
    %dma_wait3A_151 = tpu.memref_squeeze %dma_wait3A_150 : memref<1x250xi32, #tpu.memory_space<vmem>> -> memref<250xi32, #tpu.memory_space<vmem>>
    %dma_wait3A_152 = arith.constant 0 : i32
    %dma_wait3A_153 = arith.constant 0 : i32
    %dma_wait3A_154 = tpu.memref_slice %arg12[%dma_wait3A_152, %dma_wait3A_153] : memref<10000x32xf32, #tpu.memory_space<vmem_shared>> -> memref<10000x32xf32, #tpu.memory_space<vmem_shared>>
    tpu.wait_indirect_dma semaphore(%arg20 : memref<!tpu.dma_semaphore, #tpu.memory_space<semaphore_mem>>) src(%arg10 : memref<250x32xf32, #tpu.memory_space<vmem>>) dst(%dma_wait3A_154 : memref<10000x32xf32, #tpu.memory_space<vmem_shared>>)
    %dma_wait3A_155 = arith.constant 39 : i32
    %dma_wait3A_156 = arith.constant 0 : i32
    %dma_wait3A_157 = tpu.memref_slice %arg7[%dma_wait3A_155, %dma_wait3A_156] : memref<40x250xi32, #tpu.memory_space<vmem>> -> memref<1x250xi32, #tpu.memory_space<vmem>>
    %dma_wait3A_158 = tpu.memref_squeeze %dma_wait3A_157 : memref<1x250xi32, #tpu.memory_space<vmem>> -> memref<250xi32, #tpu.memory_space<vmem>>
    %dma_wait3A_159 = arith.constant 0 : i32
    %dma_wait3A_160 = arith.constant 0 : i32
    %dma_wait3A_161 = tpu.memref_slice %arg12[%dma_wait3A_159, %dma_wait3A_160] : memref<10000x32xf32, #tpu.memory_space<vmem_shared>> -> memref<10000x32xf32, #tpu.memory_space<vmem_shared>>
    tpu.wait_indirect_dma semaphore(%arg21 : memref<!tpu.dma_semaphore, #tpu.memory_space<semaphore_mem>>) src(%arg11 : memref<250x32xf32, #tpu.memory_space<vmem>>) dst(%dma_wait3A_161 : memref<10000x32xf32, #tpu.memory_space<vmem_shared>>)
    %barrier3A_162 = arith.constant 0 : index
    tpu.barrier barrier_id(%barrier3A_162)
    "tpu.region"() ({
      %run_scoped3A = tpu.sem_alloc : memref<!tpu.dma_semaphore, #tpu.memory_space<semaphore_mem>>
      %dma_start3A_163 = arith.constant 0 : i32
      %dma_start3A_164 = tpu.memref_slice %arg5[%arg0, %mul3A_2, %dma_start3A_163] : memref<2x10000x32xf32, #tpu.memory_space<hbm>> -> memref<1x625x32xf32, #tpu.memory_space<hbm>>
      %dma_start3A_165 = tpu.memref_squeeze %dma_start3A_164 : memref<1x625x32xf32, #tpu.memory_space<hbm>> -> memref<625x32xf32, #tpu.memory_space<hbm>>
      %dma_start3A_166 = arith.constant 0 : i32
      %dma_start3A_167 = tpu.memref_slice %arg12[%mul3A_2, %dma_start3A_166] : memref<10000x32xf32, #tpu.memory_space<vmem_shared>> -> memref<625x32xf32, #tpu.memory_space<vmem_shared>>
      tpu.enqueue_dma source(%dma_start3A_167 : memref<625x32xf32, #tpu.memory_space<vmem_shared>>) target(%dma_start3A_165 : memref<625x32xf32, #tpu.memory_space<hbm>>) target_semaphore(%run_scoped3A : memref<!tpu.dma_semaphore, #tpu.memory_space<semaphore_mem>>)
      %dma_wait3A_168 = arith.constant 0 : i32
      %dma_wait3A_169 = tpu.memref_slice %arg5[%arg0, %mul3A_2, %dma_wait3A_168] : memref<2x10000x32xf32, #tpu.memory_space<hbm>> -> memref<1x625x32xf32, #tpu.memory_space<hbm>>
      %dma_wait3A_170 = tpu.memref_squeeze %dma_wait3A_169 : memref<1x625x32xf32, #tpu.memory_space<hbm>> -> memref<625x32xf32, #tpu.memory_space<hbm>>
      %dma_wait3A_171 = arith.constant 0 : i32
      %dma_wait3A_172 = tpu.memref_slice %arg12[%mul3A_2, %dma_wait3A_171] : memref<10000x32xf32, #tpu.memory_space<vmem_shared>> -> memref<625x32xf32, #tpu.memory_space<vmem_shared>>
      tpu.wait_dma2 semaphore(%run_scoped3A : memref<!tpu.dma_semaphore, #tpu.memory_space<semaphore_mem>>) src(%dma_wait3A_172 : memref<625x32xf32, #tpu.memory_space<vmem_shared>>) dst(%dma_wait3A_170 : memref<625x32xf32, #tpu.memory_space<hbm>>)
      tpu.yield
    }) : () -> ()
    return
  }
}

#map = affine_map<(d0, d1) -> (0, 0, 0)>
#map1 = affine_map<(d0, d1) -> (0, 0)>
module attributes {stable_mosaic.version = 14 : i64} {
  func.func @k(%arg0: i32, %arg1: i32, %arg2: memref<2x1280x250xi32, #tpu.memory_space<hbm>>, %arg3: memref<250x16xf32, #tpu.memory_space<hbm>>, %arg4: memref<625x16xf32, #tpu.memory_space<hbm>>, %arg5: memref<2x10000x16xf32, #tpu.memory_space<hbm>>, %arg6: memref<40x250xi32, #tpu.memory_space<vmem>>, %arg7: memref<250x16xf32, #tpu.memory_space<vmem>>, %arg8: memref<10000x16xf32, #tpu.memory_space<vmem_shared>>, %arg9: memref<!tpu.dma_semaphore, #tpu.memory_space<semaphore_mem>>, %arg10: memref<!tpu.dma_semaphore, #tpu.memory_space<semaphore_mem>>, %arg11: memref<!tpu.dma_semaphore, #tpu.memory_space<semaphore_mem>>, %arg12: memref<!tpu.dma_semaphore, #tpu.memory_space<semaphore_mem>>) attributes {dimension_semantics = [#tpu.dimension_semantics<core_parallel>, #tpu.dimension_semantics<subcore_parallel>], iteration_bounds = array<i64: 2, 16>, scalar_prefetch = 0 : i64, scratch_operands = 7 : i64, tpu.core_type = #tpu.core_type<sc_vector_subcore>, window_params = [{transform_indices = #map}, {transform_indices = #map1}, {transform_indices = #map1}, {transform_indices = #map}]} {
    %mul3A = arith.constant 16 : i32
    %mul3A_0 = arith.muli %arg0, %mul3A : i32
    %add3A = arith.addi %mul3A_0, %arg1 : i32
    %mul3A_1 = arith.constant 625 : i32
    %mul3A_2 = arith.muli %arg1, %mul3A_1 : i32
    %mul3A_3 = arith.constant 40 : i32
    %mul3A_4 = arith.muli %add3A, %mul3A_3 : i32
    %dma_start3A = arith.constant 1 : i32
    %dma_start3A_5 = arith.constant 0 : i32
    %dma_start3A_6 = tpu.memref_slice %arg2[%dma_start3A, %mul3A_4, %dma_start3A_5] : memref<2x1280x250xi32, #tpu.memory_space<hbm>> -> memref<1x40x250xi32, #tpu.memory_space<hbm>>
    %dma_start3A_7 = tpu.memref_squeeze %dma_start3A_6 : memref<1x40x250xi32, #tpu.memory_space<hbm>> -> memref<40x250xi32, #tpu.memory_space<hbm>>
    %dma_start3A_8 = arith.constant 0 : i32
    %dma_start3A_9 = tpu.memref_slice %arg2[%dma_start3A, %mul3A_4, %dma_start3A_8] : memref<2x1280x250xi32, #tpu.memory_space<hbm>> -> memref<1x40x250xi32, #tpu.memory_space<hbm>>
    %dma_start3A_10 = tpu.memref_squeeze %dma_start3A_9 : memref<1x40x250xi32, #tpu.memory_space<hbm>> -> memref<40x250xi32, #tpu.memory_space<hbm>>
    tpu.enqueue_dma source(%dma_start3A_10 : memref<40x250xi32, #tpu.memory_space<hbm>>) target(%arg6 : memref<40x250xi32, #tpu.memory_space<vmem>>) target_semaphore(%arg10 : memref<!tpu.dma_semaphore, #tpu.memory_space<semaphore_mem>>)
    tpu.enqueue_dma source(%arg3 : memref<250x16xf32, #tpu.memory_space<hbm>>) target(%arg7 : memref<250x16xf32, #tpu.memory_space<vmem>>) target_semaphore(%arg11 : memref<!tpu.dma_semaphore, #tpu.memory_space<semaphore_mem>>)
    %dma_start3A_11 = arith.constant 0 : i32
    %dma_start3A_12 = tpu.memref_slice %arg8[%mul3A_2, %dma_start3A_11] : memref<10000x16xf32, #tpu.memory_space<vmem_shared>> -> memref<625x16xf32, #tpu.memory_space<vmem_shared>>
    tpu.enqueue_dma source(%arg4 : memref<625x16xf32, #tpu.memory_space<hbm>>) target(%dma_start3A_12 : memref<625x16xf32, #tpu.memory_space<vmem_shared>>) target_semaphore(%arg12 : memref<!tpu.dma_semaphore, #tpu.memory_space<semaphore_mem>>)
    %dma_wait3A = arith.constant 1 : i32
    %dma_wait3A_13 = arith.constant 0 : i32
    %dma_wait3A_14 = tpu.memref_slice %arg2[%dma_wait3A, %mul3A_4, %dma_wait3A_13] : memref<2x1280x250xi32, #tpu.memory_space<hbm>> -> memref<1x40x250xi32, #tpu.memory_space<hbm>>
    %dma_wait3A_15 = tpu.memref_squeeze %dma_wait3A_14 : memref<1x40x250xi32, #tpu.memory_space<hbm>> -> memref<40x250xi32, #tpu.memory_space<hbm>>
    %dma_wait3A_16 = arith.constant 0 : i32
    %dma_wait3A_17 = tpu.memref_slice %arg2[%dma_wait3A, %mul3A_4, %dma_wait3A_16] : memref<2x1280x250xi32, #tpu.memory_space<hbm>> -> memref<1x40x250xi32, #tpu.memory_space<hbm>>
    %dma_wait3A_18 = tpu.memref_squeeze %dma_wait3A_17 : memref<1x40x250xi32, #tpu.memory_space<hbm>> -> memref<40x250xi32, #tpu.memory_space<hbm>>
    tpu.wait_dma2 semaphore(%arg10 : memref<!tpu.dma_semaphore, #tpu.memory_space<semaphore_mem>>) src(%dma_wait3A_18 : memref<40x250xi32, #tpu.memory_space<hbm>>) dst(%arg6 : memref<40x250xi32, #tpu.memory_space<vmem>>)
    tpu.wait_dma2 semaphore(%arg11 : memref<!tpu.dma_semaphore, #tpu.memory_space<semaphore_mem>>) src(%arg3 : memref<250x16xf32, #tpu.memory_space<hbm>>) dst(%arg7 : memref<250x16xf32, #tpu.memory_space<vmem>>)
    %dma_wait3A_19 = arith.constant 0 : i32
    %dma_wait3A_20 = tpu.memref_slice %arg8[%mul3A_2, %dma_wait3A_19] : memref<10000x16xf32, #tpu.memory_space<vmem_shared>> -> memref<625x16xf32, #tpu.memory_space<vmem_shared>>
    tpu.wait_dma2 semaphore(%arg12 : memref<!tpu.dma_semaphore, #tpu.memory_space<semaphore_mem>>) src(%arg4 : memref<625x16xf32, #tpu.memory_space<hbm>>) dst(%dma_wait3A_20 : memref<625x16xf32, #tpu.memory_space<vmem_shared>>)
    %barrier3A = arith.constant 0 : index
    tpu.barrier barrier_id(%barrier3A)
    %scan3A = arith.constant 0 : i32
    %scan3A_21 = arith.constant 0 : i32
    %scan3A_22 = arith.constant 40 : i32
    %scan3A_23 = arith.addi %scan3A_21, %scan3A_22 : i32
    %scan3A_24 = arith.constant 1 : i32
    scf.for %scan3A_33 = %scan3A_21 to %scan3A_23 step %scan3A_24  : i32 {
      %dma_start3A_34 = arith.constant 0 : i32
      %dma_start3A_35 = tpu.memref_slice %arg6[%scan3A_33, %dma_start3A_34] : memref<40x250xi32, #tpu.memory_space<vmem>> -> memref<1x250xi32, #tpu.memory_space<vmem>>
      %dma_start3A_36 = tpu.memref_squeeze %dma_start3A_35 : memref<1x250xi32, #tpu.memory_space<vmem>> -> memref<250xi32, #tpu.memory_space<vmem>>
      %dma_start3A_37 = arith.constant 0 : i32
      %dma_start3A_38 = arith.constant 0 : i32
      %dma_start3A_39 = tpu.memref_slice %arg8[%dma_start3A_37, %dma_start3A_38] : memref<10000x16xf32, #tpu.memory_space<vmem_shared>> -> memref<10000x16xf32, #tpu.memory_space<vmem_shared>>
      tpu.enqueue_indirect_dma source(%arg7 : memref<250x16xf32, #tpu.memory_space<vmem>>) target(%dma_start3A_39 : memref<10000x16xf32, #tpu.memory_space<vmem_shared>>) offsets(%dma_start3A_36 : memref<250xi32, #tpu.memory_space<vmem>>) semaphore(%arg9 : memref<!tpu.dma_semaphore, #tpu.memory_space<semaphore_mem>>) {add = true}
    }
    %scan3A_25 = arith.constant 40 : i32
    %scan3A_26 = arith.constant 0 : i32
    %scan3A_27 = arith.constant 0 : i32
    %scan3A_28 = arith.constant 40 : i32
    %scan3A_29 = arith.addi %scan3A_27, %scan3A_28 : i32
    %scan3A_30 = arith.constant 1 : i32
    scf.for %scan3A_33 = %scan3A_27 to %scan3A_29 step %scan3A_30  : i32 {
      %dma_wait3A_34 = arith.constant 0 : i32
      %dma_wait3A_35 = tpu.memref_slice %arg6[%scan3A_33, %dma_wait3A_34] : memref<40x250xi32, #tpu.memory_space<vmem>> -> memref<1x250xi32, #tpu.memory_space<vmem>>
      %dma_wait3A_36 = tpu.memref_squeeze %dma_wait3A_35 : memref<1x250xi32, #tpu.memory_space<vmem>> -> memref<250xi32, #tpu.memory_space<vmem>>
      %dma_wait3A_37 = arith.constant 0 : i32
      %dma_wait3A_38 = arith.constant 0 : i32
      %dma_wait3A_39 = tpu.memref_slice %arg8[%dma_wait3A_37, %dma_wait3A_38] : memref<10000x16xf32, #tpu.memory_space<vmem_shared>> -> memref<10000x16xf32, #tpu.memory_space<vmem_shared>>
      tpu.wait_indirect_dma semaphore(%arg9 : memref<!tpu.dma_semaphore, #tpu.memory_space<semaphore_mem>>) src(%arg7 : memref<250x16xf32, #tpu.memory_space<vmem>>) dst(%dma_wait3A_39 : memref<10000x16xf32, #tpu.memory_space<vmem_shared>>)
    }
    %scan3A_31 = arith.constant 40 : i32
    %barrier3A_32 = arith.constant 0 : index
    tpu.barrier barrier_id(%barrier3A_32)
    "tpu.region"() ({
      %run_scoped3A = tpu.sem_alloc : memref<!tpu.dma_semaphore, #tpu.memory_space<semaphore_mem>>
      %dma_start3A_33 = arith.constant 0 : i32
      %dma_start3A_34 = tpu.memref_slice %arg5[%arg0, %mul3A_2, %dma_start3A_33] : memref<2x10000x16xf32, #tpu.memory_space<hbm>> -> memref<1x625x16xf32, #tpu.memory_space<hbm>>
      %dma_start3A_35 = tpu.memref_squeeze %dma_start3A_34 : memref<1x625x16xf32, #tpu.memory_space<hbm>> -> memref<625x16xf32, #tpu.memory_space<hbm>>
      %dma_start3A_36 = arith.constant 0 : i32
      %dma_start3A_37 = tpu.memref_slice %arg8[%mul3A_2, %dma_start3A_36] : memref<10000x16xf32, #tpu.memory_space<vmem_shared>> -> memref<625x16xf32, #tpu.memory_space<vmem_shared>>
      tpu.enqueue_dma source(%dma_start3A_37 : memref<625x16xf32, #tpu.memory_space<vmem_shared>>) target(%dma_start3A_35 : memref<625x16xf32, #tpu.memory_space<hbm>>) target_semaphore(%run_scoped3A : memref<!tpu.dma_semaphore, #tpu.memory_space<semaphore_mem>>)
      %dma_wait3A_38 = arith.constant 0 : i32
      %dma_wait3A_39 = tpu.memref_slice %arg5[%arg0, %mul3A_2, %dma_wait3A_38] : memref<2x10000x16xf32, #tpu.memory_space<hbm>> -> memref<1x625x16xf32, #tpu.memory_space<hbm>>
      %dma_wait3A_40 = tpu.memref_squeeze %dma_wait3A_39 : memref<1x625x16xf32, #tpu.memory_space<hbm>> -> memref<625x16xf32, #tpu.memory_space<hbm>>
      %dma_wait3A_41 = arith.constant 0 : i32
      %dma_wait3A_42 = tpu.memref_slice %arg8[%mul3A_2, %dma_wait3A_41] : memref<10000x16xf32, #tpu.memory_space<vmem_shared>> -> memref<625x16xf32, #tpu.memory_space<vmem_shared>>
      tpu.wait_dma2 semaphore(%run_scoped3A : memref<!tpu.dma_semaphore, #tpu.memory_space<semaphore_mem>>) src(%dma_wait3A_42 : memref<625x16xf32, #tpu.memory_space<vmem_shared>>) dst(%dma_wait3A_40 : memref<625x16xf32, #tpu.memory_space<hbm>>)
      tpu.yield
    }) : () -> ()
    return
  }
}

#map = affine_map<(d0, d1) -> (0, 0)>
#map1 = affine_map<(d0, d1) -> (0, 0, 0)>
module attributes {stable_mosaic.version = 14 : i64} {
  func.func @k(%arg0: i32, %arg1: i32, %arg2: memref<10000x40xf32, #tpu.memory_space<hbm>>, %arg3: memref<2x1280x250xi32, #tpu.memory_space<hbm>>, %arg4: memref<625x40xf32, #tpu.memory_space<hbm>>, %arg5: memref<2x10000x40xf32, #tpu.memory_space<hbm>>, %arg6: memref<40x250xi32, #tpu.memory_space<vmem>>, %arg7: memref<40x250xi32, #tpu.memory_space<vmem>>, %arg8: memref<250x40xf32, #tpu.memory_space<vmem>>, %arg9: memref<250x40xf32, #tpu.memory_space<vmem>>, %arg10: memref<250x40xf32, #tpu.memory_space<vmem>>, %arg11: memref<250x40xf32, #tpu.memory_space<vmem>>, %arg12: memref<10000x40xf32, #tpu.memory_space<vmem_shared>>, %arg13: memref<10000x40xf32, #tpu.memory_space<vmem_shared>>, %arg14: memref<!tpu.dma_semaphore, #tpu.memory_space<semaphore_mem>>, %arg15: memref<!tpu.dma_semaphore, #tpu.memory_space<semaphore_mem>>, %arg16: memref<!tpu.dma_semaphore, #tpu.memory_space<semaphore_mem>>, %arg17: memref<!tpu.dma_semaphore, #tpu.memory_space<semaphore_mem>>, %arg18: memref<!tpu.dma_semaphore, #tpu.memory_space<semaphore_mem>>, %arg19: memref<!tpu.dma_semaphore, #tpu.memory_space<semaphore_mem>>, %arg20: memref<!tpu.dma_semaphore, #tpu.memory_space<semaphore_mem>>, %arg21: memref<!tpu.dma_semaphore, #tpu.memory_space<semaphore_mem>>) attributes {dimension_semantics = [#tpu.dimension_semantics<core_parallel>, #tpu.dimension_semantics<subcore_parallel>], iteration_bounds = array<i64: 2, 16>, scalar_prefetch = 0 : i64, scratch_operands = 16 : i64, tpu.core_type = #tpu.core_type<sc_vector_subcore>, window_params = [{transform_indices = #map}, {transform_indices = #map1}, {transform_indices = #map}, {transform_indices = #map1}]} {
    %mul3A = arith.constant 16 : i32
    %mul3A_0 = arith.muli %arg0, %mul3A : i32
    %add3A = arith.addi %mul3A_0, %arg1 : i32
    %mul3A_1 = arith.constant 625 : i32
    %mul3A_2 = arith.muli %arg1, %mul3A_1 : i32
    %mul3A_3 = arith.constant 40 : i32
    %mul3A_4 = arith.muli %add3A, %mul3A_3 : i32
    %dma_start3A = arith.constant 0 : i32
    %dma_start3A_5 = arith.constant 0 : i32
    %dma_start3A_6 = tpu.memref_slice %arg3[%dma_start3A, %mul3A_4, %dma_start3A_5] : memref<2x1280x250xi32, #tpu.memory_space<hbm>> -> memref<1x40x250xi32, #tpu.memory_space<hbm>>
    %dma_start3A_7 = tpu.memref_squeeze %dma_start3A_6 : memref<1x40x250xi32, #tpu.memory_space<hbm>> -> memref<40x250xi32, #tpu.memory_space<hbm>>
    %dma_start3A_8 = arith.constant 0 : i32
    %dma_start3A_9 = tpu.memref_slice %arg3[%dma_start3A, %mul3A_4, %dma_start3A_8] : memref<2x1280x250xi32, #tpu.memory_space<hbm>> -> memref<1x40x250xi32, #tpu.memory_space<hbm>>
    %dma_start3A_10 = tpu.memref_squeeze %dma_start3A_9 : memref<1x40x250xi32, #tpu.memory_space<hbm>> -> memref<40x250xi32, #tpu.memory_space<hbm>>
    tpu.enqueue_dma source(%dma_start3A_10 : memref<40x250xi32, #tpu.memory_space<hbm>>) target(%arg6 : memref<40x250xi32, #tpu.memory_space<vmem>>) target_semaphore(%arg14 : memref<!tpu.dma_semaphore, #tpu.memory_space<semaphore_mem>>)
    %mul3A_11 = arith.constant 40 : i32
    %mul3A_12 = arith.muli %add3A, %mul3A_11 : i32
    %dma_start3A_13 = arith.constant 1 : i32
    %dma_start3A_14 = arith.constant 0 : i32
    %dma_start3A_15 = tpu.memref_slice %arg3[%dma_start3A_13, %mul3A_12, %dma_start3A_14] : memref<2x1280x250xi32, #tpu.memory_space<hbm>> -> memref<1x40x250xi32, #tpu.memory_space<hbm>>
    %dma_start3A_16 = tpu.memref_squeeze %dma_start3A_15 : memref<1x40x250xi32, #tpu.memory_space<hbm>> -> memref<40x250xi32, #tpu.memory_space<hbm>>
    %dma_start3A_17 = arith.constant 0 : i32
    %dma_start3A_18 = tpu.memref_slice %arg3[%dma_start3A_13, %mul3A_12, %dma_start3A_17] : memref<2x1280x250xi32, #tpu.memory_space<hbm>> -> memref<1x40x250xi32, #tpu.memory_space<hbm>>
    %dma_start3A_19 = tpu.memref_squeeze %dma_start3A_18 : memref<1x40x250xi32, #tpu.memory_space<hbm>> -> memref<40x250xi32, #tpu.memory_space<hbm>>
    tpu.enqueue_dma source(%dma_start3A_19 : memref<40x250xi32, #tpu.memory_space<hbm>>) target(%arg7 : memref<40x250xi32, #tpu.memory_space<vmem>>) target_semaphore(%arg15 : memref<!tpu.dma_semaphore, #tpu.memory_space<semaphore_mem>>)
    %dma_start3A_20 = arith.constant 0 : i32
    %dma_start3A_21 = tpu.memref_slice %arg12[%mul3A_2, %dma_start3A_20] : memref<10000x40xf32, #tpu.memory_space<vmem_shared>> -> memref<625x40xf32, #tpu.memory_space<vmem_shared>>
    tpu.enqueue_dma source(%arg4 : memref<625x40xf32, #tpu.memory_space<hbm>>) target(%dma_start3A_21 : memref<625x40xf32, #tpu.memory_space<vmem_shared>>) target_semaphore(%arg16 : memref<!tpu.dma_semaphore, #tpu.memory_space<semaphore_mem>>)
    %dma_start3A_22 = arith.constant 0 : i32
    %dma_start3A_23 = tpu.memref_slice %arg13[%mul3A_2, %dma_start3A_22] : memref<10000x40xf32, #tpu.memory_space<vmem_shared>> -> memref<625x40xf32, #tpu.memory_space<vmem_shared>>
    %dma_start3A_24 = arith.constant 0 : i32
    %dma_start3A_25 = tpu.memref_slice %arg2[%mul3A_2, %dma_start3A_24] : memref<10000x40xf32, #tpu.memory_space<hbm>> -> memref<625x40xf32, #tpu.memory_space<hbm>>
    tpu.enqueue_dma source(%dma_start3A_25 : memref<625x40xf32, #tpu.memory_space<hbm>>) target(%dma_start3A_23 : memref<625x40xf32, #tpu.memory_space<vmem_shared>>) target_semaphore(%arg17 : memref<!tpu.dma_semaphore, #tpu.memory_space<semaphore_mem>>)
    %dma_wait3A = arith.constant 0 : i32
    %dma_wait3A_26 = arith.constant 0 : i32
    %dma_wait3A_27 = tpu.memref_slice %arg3[%dma_wait3A, %mul3A_4, %dma_wait3A_26] : memref<2x1280x250xi32, #tpu.memory_space<hbm>> -> memref<1x40x250xi32, #tpu.memory_space<hbm>>
    %dma_wait3A_28 = tpu.memref_squeeze %dma_wait3A_27 : memref<1x40x250xi32, #tpu.memory_space<hbm>> -> memref<40x250xi32, #tpu.memory_space<hbm>>
    %dma_wait3A_29 = arith.constant 0 : i32
    %dma_wait3A_30 = tpu.memref_slice %arg3[%dma_wait3A, %mul3A_4, %dma_wait3A_29] : memref<2x1280x250xi32, #tpu.memory_space<hbm>> -> memref<1x40x250xi32, #tpu.memory_space<hbm>>
    %dma_wait3A_31 = tpu.memref_squeeze %dma_wait3A_30 : memref<1x40x250xi32, #tpu.memory_space<hbm>> -> memref<40x250xi32, #tpu.memory_space<hbm>>
    tpu.wait_dma2 semaphore(%arg14 : memref<!tpu.dma_semaphore, #tpu.memory_space<semaphore_mem>>) src(%dma_wait3A_31 : memref<40x250xi32, #tpu.memory_space<hbm>>) dst(%arg6 : memref<40x250xi32, #tpu.memory_space<vmem>>)
    %dma_wait3A_32 = arith.constant 1 : i32
    %dma_wait3A_33 = arith.constant 0 : i32
    %dma_wait3A_34 = tpu.memref_slice %arg3[%dma_wait3A_32, %mul3A_12, %dma_wait3A_33] : memref<2x1280x250xi32, #tpu.memory_space<hbm>> -> memref<1x40x250xi32, #tpu.memory_space<hbm>>
    %dma_wait3A_35 = tpu.memref_squeeze %dma_wait3A_34 : memref<1x40x250xi32, #tpu.memory_space<hbm>> -> memref<40x250xi32, #tpu.memory_space<hbm>>
    %dma_wait3A_36 = arith.constant 0 : i32
    %dma_wait3A_37 = tpu.memref_slice %arg3[%dma_wait3A_32, %mul3A_12, %dma_wait3A_36] : memref<2x1280x250xi32, #tpu.memory_space<hbm>> -> memref<1x40x250xi32, #tpu.memory_space<hbm>>
    %dma_wait3A_38 = tpu.memref_squeeze %dma_wait3A_37 : memref<1x40x250xi32, #tpu.memory_space<hbm>> -> memref<40x250xi32, #tpu.memory_space<hbm>>
    tpu.wait_dma2 semaphore(%arg15 : memref<!tpu.dma_semaphore, #tpu.memory_space<semaphore_mem>>) src(%dma_wait3A_38 : memref<40x250xi32, #tpu.memory_space<hbm>>) dst(%arg7 : memref<40x250xi32, #tpu.memory_space<vmem>>)
    %dma_wait3A_39 = arith.constant 0 : i32
    %dma_wait3A_40 = tpu.memref_slice %arg12[%mul3A_2, %dma_wait3A_39] : memref<10000x40xf32, #tpu.memory_space<vmem_shared>> -> memref<625x40xf32, #tpu.memory_space<vmem_shared>>
    tpu.wait_dma2 semaphore(%arg16 : memref<!tpu.dma_semaphore, #tpu.memory_space<semaphore_mem>>) src(%arg4 : memref<625x40xf32, #tpu.memory_space<hbm>>) dst(%dma_wait3A_40 : memref<625x40xf32, #tpu.memory_space<vmem_shared>>)
    %dma_wait3A_41 = arith.constant 0 : i32
    %dma_wait3A_42 = tpu.memref_slice %arg13[%mul3A_2, %dma_wait3A_41] : memref<10000x40xf32, #tpu.memory_space<vmem_shared>> -> memref<625x40xf32, #tpu.memory_space<vmem_shared>>
    %dma_wait3A_43 = arith.constant 0 : i32
    %dma_wait3A_44 = tpu.memref_slice %arg2[%mul3A_2, %dma_wait3A_43] : memref<10000x40xf32, #tpu.memory_space<hbm>> -> memref<625x40xf32, #tpu.memory_space<hbm>>
    tpu.wait_dma2 semaphore(%arg17 : memref<!tpu.dma_semaphore, #tpu.memory_space<semaphore_mem>>) src(%dma_wait3A_44 : memref<625x40xf32, #tpu.memory_space<hbm>>) dst(%dma_wait3A_42 : memref<625x40xf32, #tpu.memory_space<vmem_shared>>)
    %barrier3A = arith.constant 0 : index
    tpu.barrier barrier_id(%barrier3A)
    %dma_start3A_45 = arith.constant 0 : i32
    %dma_start3A_46 = arith.constant 0 : i32
    %dma_start3A_47 = tpu.memref_slice %arg6[%dma_start3A_45, %dma_start3A_46] : memref<40x250xi32, #tpu.memory_space<vmem>> -> memref<1x250xi32, #tpu.memory_space<vmem>>
    %dma_start3A_48 = tpu.memref_squeeze %dma_start3A_47 : memref<1x250xi32, #tpu.memory_space<vmem>> -> memref<250xi32, #tpu.memory_space<vmem>>
    %dma_start3A_49 = arith.constant 0 : i32
    %dma_start3A_50 = arith.constant 0 : i32
    %dma_start3A_51 = tpu.memref_slice %arg13[%dma_start3A_49, %dma_start3A_50] : memref<10000x40xf32, #tpu.memory_space<vmem_shared>> -> memref<10000x40xf32, #tpu.memory_space<vmem_shared>>
    tpu.enqueue_indirect_dma source(%dma_start3A_51 : memref<10000x40xf32, #tpu.memory_space<vmem_shared>>) target(%arg8 : memref<250x40xf32, #tpu.memory_space<vmem>>) offsets(%dma_start3A_48 : memref<250xi32, #tpu.memory_space<vmem>>) semaphore(%arg14 : memref<!tpu.dma_semaphore, #tpu.memory_space<semaphore_mem>>)
    %dma_start3A_52 = arith.constant 1 : i32
    %dma_start3A_53 = arith.constant 0 : i32
    %dma_start3A_54 = tpu.memref_slice %arg6[%dma_start3A_52, %dma_start3A_53] : memref<40x250xi32, #tpu.memory_space<vmem>> -> memref<1x250xi32, #tpu.memory_space<vmem>>
    %dma_start3A_55 = tpu.memref_squeeze %dma_start3A_54 : memref<1x250xi32, #tpu.memory_space<vmem>> -> memref<250xi32, #tpu.memory_space<vmem>>
    %dma_start3A_56 = arith.constant 0 : i32
    %dma_start3A_57 = arith.constant 0 : i32
    %dma_start3A_58 = tpu.memref_slice %arg13[%dma_start3A_56, %dma_start3A_57] : memref<10000x40xf32, #tpu.memory_space<vmem_shared>> -> memref<10000x40xf32, #tpu.memory_space<vmem_shared>>
    tpu.enqueue_indirect_dma source(%dma_start3A_58 : memref<10000x40xf32, #tpu.memory_space<vmem_shared>>) target(%arg9 : memref<250x40xf32, #tpu.memory_space<vmem>>) offsets(%dma_start3A_55 : memref<250xi32, #tpu.memory_space<vmem>>) semaphore(%arg15 : memref<!tpu.dma_semaphore, #tpu.memory_space<semaphore_mem>>)
    %dma_wait3A_59 = arith.constant 0 : i32
    %dma_wait3A_60 = arith.constant 0 : i32
    %dma_wait3A_61 = tpu.memref_slice %arg6[%dma_wait3A_59, %dma_wait3A_60] : memref<40x250xi32, #tpu.memory_space<vmem>> -> memref<1x250xi32, #tpu.memory_space<vmem>>
    %dma_wait3A_62 = tpu.memref_squeeze %dma_wait3A_61 : memref<1x250xi32, #tpu.memory_space<vmem>> -> memref<250xi32, #tpu.memory_space<vmem>>
    %dma_wait3A_63 = arith.constant 0 : i32
    %dma_wait3A_64 = arith.constant 0 : i32
    %dma_wait3A_65 = tpu.memref_slice %arg13[%dma_wait3A_63, %dma_wait3A_64] : memref<10000x40xf32, #tpu.memory_space<vmem_shared>> -> memref<10000x40xf32, #tpu.memory_space<vmem_shared>>
    tpu.wait_indirect_dma semaphore(%arg14 : memref<!tpu.dma_semaphore, #tpu.memory_space<semaphore_mem>>) src(%dma_wait3A_65 : memref<10000x40xf32, #tpu.memory_space<vmem_shared>>) dst(%arg8 : memref<250x40xf32, #tpu.memory_space<vmem>>)
    %dma_start3A_66 = arith.constant 0 : i32
    %dma_start3A_67 = arith.constant 0 : i32
    %dma_start3A_68 = tpu.memref_slice %arg7[%dma_start3A_66, %dma_start3A_67] : memref<40x250xi32, #tpu.memory_space<vmem>> -> memref<1x250xi32, #tpu.memory_space<vmem>>
    %dma_start3A_69 = tpu.memref_squeeze %dma_start3A_68 : memref<1x250xi32, #tpu.memory_space<vmem>> -> memref<250xi32, #tpu.memory_space<vmem>>
    %dma_start3A_70 = arith.constant 0 : i32
    %dma_start3A_71 = arith.constant 0 : i32
    %dma_start3A_72 = tpu.memref_slice %arg12[%dma_start3A_70, %dma_start3A_71] : memref<10000x40xf32, #tpu.memory_space<vmem_shared>> -> memref<10000x40xf32, #tpu.memory_space<vmem_shared>>
    tpu.enqueue_indirect_dma source(%arg8 : memref<250x40xf32, #tpu.memory_space<vmem>>) target(%dma_start3A_72 : memref<10000x40xf32, #tpu.memory_space<vmem_shared>>) offsets(%dma_start3A_69 : memref<250xi32, #tpu.memory_space<vmem>>) semaphore(%arg18 : memref<!tpu.dma_semaphore, #tpu.memory_space<semaphore_mem>>) {add = true}
    %dma_start3A_73 = arith.constant 2 : i32
    %dma_start3A_74 = arith.constant 0 : i32
    %dma_start3A_75 = tpu.memref_slice %arg6[%dma_start3A_73, %dma_start3A_74] : memref<40x250xi32, #tpu.memory_space<vmem>> -> memref<1x250xi32, #tpu.memory_space<vmem>>
    %dma_start3A_76 = tpu.memref_squeeze %dma_start3A_75 : memref<1x250xi32, #tpu.memory_space<vmem>> -> memref<250xi32, #tpu.memory_space<vmem>>
    %dma_start3A_77 = arith.constant 0 : i32
    %dma_start3A_78 = arith.constant 0 : i32
    %dma_start3A_79 = tpu.memref_slice %arg13[%dma_start3A_77, %dma_start3A_78] : memref<10000x40xf32, #tpu.memory_space<vmem_shared>> -> memref<10000x40xf32, #tpu.memory_space<vmem_shared>>
    tpu.enqueue_indirect_dma source(%dma_start3A_79 : memref<10000x40xf32, #tpu.memory_space<vmem_shared>>) target(%arg10 : memref<250x40xf32, #tpu.memory_space<vmem>>) offsets(%dma_start3A_76 : memref<250xi32, #tpu.memory_space<vmem>>) semaphore(%arg16 : memref<!tpu.dma_semaphore, #tpu.memory_space<semaphore_mem>>)
    %dma_wait3A_80 = arith.constant 1 : i32
    %dma_wait3A_81 = arith.constant 0 : i32
    %dma_wait3A_82 = tpu.memref_slice %arg6[%dma_wait3A_80, %dma_wait3A_81] : memref<40x250xi32, #tpu.memory_space<vmem>> -> memref<1x250xi32, #tpu.memory_space<vmem>>
    %dma_wait3A_83 = tpu.memref_squeeze %dma_wait3A_82 : memref<1x250xi32, #tpu.memory_space<vmem>> -> memref<250xi32, #tpu.memory_space<vmem>>
    %dma_wait3A_84 = arith.constant 0 : i32
    %dma_wait3A_85 = arith.constant 0 : i32
    %dma_wait3A_86 = tpu.memref_slice %arg13[%dma_wait3A_84, %dma_wait3A_85] : memref<10000x40xf32, #tpu.memory_space<vmem_shared>> -> memref<10000x40xf32, #tpu.memory_space<vmem_shared>>
    tpu.wait_indirect_dma semaphore(%arg15 : memref<!tpu.dma_semaphore, #tpu.memory_space<semaphore_mem>>) src(%dma_wait3A_86 : memref<10000x40xf32, #tpu.memory_space<vmem_shared>>) dst(%arg9 : memref<250x40xf32, #tpu.memory_space<vmem>>)
    %dma_start3A_87 = arith.constant 1 : i32
    %dma_start3A_88 = arith.constant 0 : i32
    %dma_start3A_89 = tpu.memref_slice %arg7[%dma_start3A_87, %dma_start3A_88] : memref<40x250xi32, #tpu.memory_space<vmem>> -> memref<1x250xi32, #tpu.memory_space<vmem>>
    %dma_start3A_90 = tpu.memref_squeeze %dma_start3A_89 : memref<1x250xi32, #tpu.memory_space<vmem>> -> memref<250xi32, #tpu.memory_space<vmem>>
    %dma_start3A_91 = arith.constant 0 : i32
    %dma_start3A_92 = arith.constant 0 : i32
    %dma_start3A_93 = tpu.memref_slice %arg12[%dma_start3A_91, %dma_start3A_92] : memref<10000x40xf32, #tpu.memory_space<vmem_shared>> -> memref<10000x40xf32, #tpu.memory_space<vmem_shared>>
    tpu.enqueue_indirect_dma source(%arg9 : memref<250x40xf32, #tpu.memory_space<vmem>>) target(%dma_start3A_93 : memref<10000x40xf32, #tpu.memory_space<vmem_shared>>) offsets(%dma_start3A_90 : memref<250xi32, #tpu.memory_space<vmem>>) semaphore(%arg19 : memref<!tpu.dma_semaphore, #tpu.memory_space<semaphore_mem>>) {add = true}
    %dma_start3A_94 = arith.constant 3 : i32
    %dma_start3A_95 = arith.constant 0 : i32
    %dma_start3A_96 = tpu.memref_slice %arg6[%dma_start3A_94, %dma_start3A_95] : memref<40x250xi32, #tpu.memory_space<vmem>> -> memref<1x250xi32, #tpu.memory_space<vmem>>
    %dma_start3A_97 = tpu.memref_squeeze %dma_start3A_96 : memref<1x250xi32, #tpu.memory_space<vmem>> -> memref<250xi32, #tpu.memory_space<vmem>>
    %dma_start3A_98 = arith.constant 0 : i32
    %dma_start3A_99 = arith.constant 0 : i32
    %dma_start3A_100 = tpu.memref_slice %arg13[%dma_start3A_98, %dma_start3A_99] : memref<10000x40xf32, #tpu.memory_space<vmem_shared>> -> memref<10000x40xf32, #tpu.memory_space<vmem_shared>>
    tpu.enqueue_indirect_dma source(%dma_start3A_100 : memref<10000x40xf32, #tpu.memory_space<vmem_shared>>) target(%arg11 : memref<250x40xf32, #tpu.memory_space<vmem>>) offsets(%dma_start3A_97 : memref<250xi32, #tpu.memory_space<vmem>>) semaphore(%arg17 : memref<!tpu.dma_semaphore, #tpu.memory_space<semaphore_mem>>)
    %scan3A = arith.constant 0 : i32
    %scan3A_101 = arith.constant 0 : i32
    %scan3A_102 = arith.constant 9 : i32
    %scan3A_103 = arith.addi %scan3A_101, %scan3A_102 : i32
    %scan3A_104 = arith.constant 1 : i32
    scf.for %scan3A_163 = %scan3A_101 to %scan3A_103 step %scan3A_104  : i32 {
      %mul3A_164 = arith.constant 4 : i32
      %mul3A_165 = arith.muli %mul3A_164, %scan3A_163 : i32
      %add3A_166 = arith.constant 0 : i32
      %add3A_167 = arith.addi %mul3A_165, %add3A_166 : i32
      %add3A_168 = arith.constant 2 : i32
      %add3A_169 = arith.addi %add3A_167, %add3A_168 : i32
      %dma_wait3A_170 = arith.constant 0 : i32
      %dma_wait3A_171 = tpu.memref_slice %arg6[%add3A_169, %dma_wait3A_170] : memref<40x250xi32, #tpu.memory_space<vmem>> -> memref<1x250xi32, #tpu.memory_space<vmem>>
      %dma_wait3A_172 = tpu.memref_squeeze %dma_wait3A_171 : memref<1x250xi32, #tpu.memory_space<vmem>> -> memref<250xi32, #tpu.memory_space<vmem>>
      %dma_wait3A_173 = arith.constant 0 : i32
      %dma_wait3A_174 = arith.constant 0 : i32
      %dma_wait3A_175 = tpu.memref_slice %arg13[%dma_wait3A_173, %dma_wait3A_174] : memref<10000x40xf32, #tpu.memory_space<vmem_shared>> -> memref<10000x40xf32, #tpu.memory_space<vmem_shared>>
      tpu.wait_indirect_dma semaphore(%arg16 : memref<!tpu.dma_semaphore, #tpu.memory_space<semaphore_mem>>) src(%dma_wait3A_175 : memref<10000x40xf32, #tpu.memory_space<vmem_shared>>) dst(%arg10 : memref<250x40xf32, #tpu.memory_space<vmem>>)
      %dma_start3A_176 = arith.constant 0 : i32
      %dma_start3A_177 = tpu.memref_slice %arg7[%add3A_169, %dma_start3A_176] : memref<40x250xi32, #tpu.memory_space<vmem>> -> memref<1x250xi32, #tpu.memory_space<vmem>>
      %dma_start3A_178 = tpu.memref_squeeze %dma_start3A_177 : memref<1x250xi32, #tpu.memory_space<vmem>> -> memref<250xi32, #tpu.memory_space<vmem>>
      %dma_start3A_179 = arith.constant 0 : i32
      %dma_start3A_180 = arith.constant 0 : i32
      %dma_start3A_181 = tpu.memref_slice %arg12[%dma_start3A_179, %dma_start3A_180] : memref<10000x40xf32, #tpu.memory_space<vmem_shared>> -> memref<10000x40xf32, #tpu.memory_space<vmem_shared>>
      tpu.enqueue_indirect_dma source(%arg10 : memref<250x40xf32, #tpu.memory_space<vmem>>) target(%dma_start3A_181 : memref<10000x40xf32, #tpu.memory_space<vmem_shared>>) offsets(%dma_start3A_178 : memref<250xi32, #tpu.memory_space<vmem>>) semaphore(%arg20 : memref<!tpu.dma_semaphore, #tpu.memory_space<semaphore_mem>>) {add = true}
      %sub3A = arith.constant 2 : i32
      %sub3A_182 = arith.subi %add3A_169, %sub3A : i32
      %dma_wait3A_183 = arith.constant 0 : i32
      %dma_wait3A_184 = tpu.memref_slice %arg7[%sub3A_182, %dma_wait3A_183] : memref<40x250xi32, #tpu.memory_space<vmem>> -> memref<1x250xi32, #tpu.memory_space<vmem>>
      %dma_wait3A_185 = tpu.memref_squeeze %dma_wait3A_184 : memref<1x250xi32, #tpu.memory_space<vmem>> -> memref<250xi32, #tpu.memory_space<vmem>>
      %dma_wait3A_186 = arith.constant 0 : i32
      %dma_wait3A_187 = arith.constant 0 : i32
      %dma_wait3A_188 = tpu.memref_slice %arg12[%dma_wait3A_186, %dma_wait3A_187] : memref<10000x40xf32, #tpu.memory_space<vmem_shared>> -> memref<10000x40xf32, #tpu.memory_space<vmem_shared>>
      tpu.wait_indirect_dma semaphore(%arg18 : memref<!tpu.dma_semaphore, #tpu.memory_space<semaphore_mem>>) src(%arg8 : memref<250x40xf32, #tpu.memory_space<vmem>>) dst(%dma_wait3A_188 : memref<10000x40xf32, #tpu.memory_space<vmem_shared>>)
      %add3A_189 = arith.constant 2 : i32
      %add3A_190 = arith.addi %add3A_169, %add3A_189 : i32
      %dma_start3A_191 = arith.constant 0 : i32
      %dma_start3A_192 = tpu.memref_slice %arg6[%add3A_190, %dma_start3A_191] : memref<40x250xi32, #tpu.memory_space<vmem>> -> memref<1x250xi32, #tpu.memory_space<vmem>>
      %dma_start3A_193 = tpu.memref_squeeze %dma_start3A_192 : memref<1x250xi32, #tpu.memory_space<vmem>> -> memref<250xi32, #tpu.memory_space<vmem>>
      %dma_start3A_194 = arith.constant 0 : i32
      %dma_start3A_195 = arith.constant 0 : i32
      %dma_start3A_196 = tpu.memref_slice %arg13[%dma_start3A_194, %dma_start3A_195] : memref<10000x40xf32, #tpu.memory_space<vmem_shared>> -> memref<10000x40xf32, #tpu.memory_space<vmem_shared>>
      tpu.enqueue_indirect_dma source(%dma_start3A_196 : memref<10000x40xf32, #tpu.memory_space<vmem_shared>>) target(%arg8 : memref<250x40xf32, #tpu.memory_space<vmem>>) offsets(%dma_start3A_193 : memref<250xi32, #tpu.memory_space<vmem>>) semaphore(%arg14 : memref<!tpu.dma_semaphore, #tpu.memory_space<semaphore_mem>>)
      %mul3A_197 = arith.constant 4 : i32
      %mul3A_198 = arith.muli %mul3A_197, %scan3A_163 : i32
      %add3A_199 = arith.constant 1 : i32
      %add3A_200 = arith.addi %mul3A_198, %add3A_199 : i32
      %add3A_201 = arith.constant 2 : i32
      %add3A_202 = arith.addi %add3A_200, %add3A_201 : i32
      %dma_wait3A_203 = arith.constant 0 : i32
      %dma_wait3A_204 = tpu.memref_slice %arg6[%add3A_202, %dma_wait3A_203] : memref<40x250xi32, #tpu.memory_space<vmem>> -> memref<1x250xi32, #tpu.memory_space<vmem>>
      %dma_wait3A_205 = tpu.memref_squeeze %dma_wait3A_204 : memref<1x250xi32, #tpu.memory_space<vmem>> -> memref<250xi32, #tpu.memory_space<vmem>>
      %dma_wait3A_206 = arith.constant 0 : i32
      %dma_wait3A_207 = arith.constant 0 : i32
      %dma_wait3A_208 = tpu.memref_slice %arg13[%dma_wait3A_206, %dma_wait3A_207] : memref<10000x40xf32, #tpu.memory_space<vmem_shared>> -> memref<10000x40xf32, #tpu.memory_space<vmem_shared>>
      tpu.wait_indirect_dma semaphore(%arg17 : memref<!tpu.dma_semaphore, #tpu.memory_space<semaphore_mem>>) src(%dma_wait3A_208 : memref<10000x40xf32, #tpu.memory_space<vmem_shared>>) dst(%arg11 : memref<250x40xf32, #tpu.memory_space<vmem>>)
      %dma_start3A_209 = arith.constant 0 : i32
      %dma_start3A_210 = tpu.memref_slice %arg7[%add3A_202, %dma_start3A_209] : memref<40x250xi32, #tpu.memory_space<vmem>> -> memref<1x250xi32, #tpu.memory_space<vmem>>
      %dma_start3A_211 = tpu.memref_squeeze %dma_start3A_210 : memref<1x250xi32, #tpu.memory_space<vmem>> -> memref<250xi32, #tpu.memory_space<vmem>>
      %dma_start3A_212 = arith.constant 0 : i32
      %dma_start3A_213 = arith.constant 0 : i32
      %dma_start3A_214 = tpu.memref_slice %arg12[%dma_start3A_212, %dma_start3A_213] : memref<10000x40xf32, #tpu.memory_space<vmem_shared>> -> memref<10000x40xf32, #tpu.memory_space<vmem_shared>>
      tpu.enqueue_indirect_dma source(%arg11 : memref<250x40xf32, #tpu.memory_space<vmem>>) target(%dma_start3A_214 : memref<10000x40xf32, #tpu.memory_space<vmem_shared>>) offsets(%dma_start3A_211 : memref<250xi32, #tpu.memory_space<vmem>>) semaphore(%arg21 : memref<!tpu.dma_semaphore, #tpu.memory_space<semaphore_mem>>) {add = true}
      %sub3A_215 = arith.constant 2 : i32
      %sub3A_216 = arith.subi %add3A_202, %sub3A_215 : i32
      %dma_wait3A_217 = arith.constant 0 : i32
      %dma_wait3A_218 = tpu.memref_slice %arg7[%sub3A_216, %dma_wait3A_217] : memref<40x250xi32, #tpu.memory_space<vmem>> -> memref<1x250xi32, #tpu.memory_space<vmem>>
      %dma_wait3A_219 = tpu.memref_squeeze %dma_wait3A_218 : memref<1x250xi32, #tpu.memory_space<vmem>> -> memref<250xi32, #tpu.memory_space<vmem>>
      %dma_wait3A_220 = arith.constant 0 : i32
      %dma_wait3A_221 = arith.constant 0 : i32
      %dma_wait3A_222 = tpu.memref_slice %arg12[%dma_wait3A_220, %dma_wait3A_221] : memref<10000x40xf32, #tpu.memory_space<vmem_shared>> -> memref<10000x40xf32, #tpu.memory_space<vmem_shared>>
      tpu.wait_indirect_dma semaphore(%arg19 : memref<!tpu.dma_semaphore, #tpu.memory_space<semaphore_mem>>) src(%arg9 : memref<250x40xf32, #tpu.memory_space<vmem>>) dst(%dma_wait3A_222 : memref<10000x40xf32, #tpu.memory_space<vmem_shared>>)
      %add3A_223 = arith.constant 2 : i32
      %add3A_224 = arith.addi %add3A_202, %add3A_223 : i32
      %dma_start3A_225 = arith.constant 0 : i32
      %dma_start3A_226 = tpu.memref_slice %arg6[%add3A_224, %dma_start3A_225] : memref<40x250xi32, #tpu.memory_space<vmem>> -> memref<1x250xi32, #tpu.memory_space<vmem>>
      %dma_start3A_227 = tpu.memref_squeeze %dma_start3A_226 : memref<1x250xi32, #tpu.memory_space<vmem>> -> memref<250xi32, #tpu.memory_space<vmem>>
      %dma_start3A_228 = arith.constant 0 : i32
      %dma_start3A_229 = arith.constant 0 : i32
      %dma_start3A_230 = tpu.memref_slice %arg13[%dma_start3A_228, %dma_start3A_229] : memref<10000x40xf32, #tpu.memory_space<vmem_shared>> -> memref<10000x40xf32, #tpu.memory_space<vmem_shared>>
      tpu.enqueue_indirect_dma source(%dma_start3A_230 : memref<10000x40xf32, #tpu.memory_space<vmem_shared>>) target(%arg9 : memref<250x40xf32, #tpu.memory_space<vmem>>) offsets(%dma_start3A_227 : memref<250xi32, #tpu.memory_space<vmem>>) semaphore(%arg15 : memref<!tpu.dma_semaphore, #tpu.memory_space<semaphore_mem>>)
      %mul3A_231 = arith.constant 4 : i32
      %mul3A_232 = arith.muli %mul3A_231, %scan3A_163 : i32
      %add3A_233 = arith.constant 2 : i32
      %add3A_234 = arith.addi %mul3A_232, %add3A_233 : i32
      %add3A_235 = arith.constant 2 : i32
      %add3A_236 = arith.addi %add3A_234, %add3A_235 : i32
      %dma_wait3A_237 = arith.constant 0 : i32
      %dma_wait3A_238 = tpu.memref_slice %arg6[%add3A_236, %dma_wait3A_237] : memref<40x250xi32, #tpu.memory_space<vmem>> -> memref<1x250xi32, #tpu.memory_space<vmem>>
      %dma_wait3A_239 = tpu.memref_squeeze %dma_wait3A_238 : memref<1x250xi32, #tpu.memory_space<vmem>> -> memref<250xi32, #tpu.memory_space<vmem>>
      %dma_wait3A_240 = arith.constant 0 : i32
      %dma_wait3A_241 = arith.constant 0 : i32
      %dma_wait3A_242 = tpu.memref_slice %arg13[%dma_wait3A_240, %dma_wait3A_241] : memref<10000x40xf32, #tpu.memory_space<vmem_shared>> -> memref<10000x40xf32, #tpu.memory_space<vmem_shared>>
      tpu.wait_indirect_dma semaphore(%arg14 : memref<!tpu.dma_semaphore, #tpu.memory_space<semaphore_mem>>) src(%dma_wait3A_242 : memref<10000x40xf32, #tpu.memory_space<vmem_shared>>) dst(%arg8 : memref<250x40xf32, #tpu.memory_space<vmem>>)
      %dma_start3A_243 = arith.constant 0 : i32
      %dma_start3A_244 = tpu.memref_slice %arg7[%add3A_236, %dma_start3A_243] : memref<40x250xi32, #tpu.memory_space<vmem>> -> memref<1x250xi32, #tpu.memory_space<vmem>>
      %dma_start3A_245 = tpu.memref_squeeze %dma_start3A_244 : memref<1x250xi32, #tpu.memory_space<vmem>> -> memref<250xi32, #tpu.memory_space<vmem>>
      %dma_start3A_246 = arith.constant 0 : i32
      %dma_start3A_247 = arith.constant 0 : i32
      %dma_start3A_248 = tpu.memref_slice %arg12[%dma_start3A_246, %dma_start3A_247] : memref<10000x40xf32, #tpu.memory_space<vmem_shared>> -> memref<10000x40xf32, #tpu.memory_space<vmem_shared>>
      tpu.enqueue_indirect_dma source(%arg8 : memref<250x40xf32, #tpu.memory_space<vmem>>) target(%dma_start3A_248 : memref<10000x40xf32, #tpu.memory_space<vmem_shared>>) offsets(%dma_start3A_245 : memref<250xi32, #tpu.memory_space<vmem>>) semaphore(%arg18 : memref<!tpu.dma_semaphore, #tpu.memory_space<semaphore_mem>>) {add = true}
      %sub3A_249 = arith.constant 2 : i32
      %sub3A_250 = arith.subi %add3A_236, %sub3A_249 : i32
      %dma_wait3A_251 = arith.constant 0 : i32
      %dma_wait3A_252 = tpu.memref_slice %arg7[%sub3A_250, %dma_wait3A_251] : memref<40x250xi32, #tpu.memory_space<vmem>> -> memref<1x250xi32, #tpu.memory_space<vmem>>
      %dma_wait3A_253 = tpu.memref_squeeze %dma_wait3A_252 : memref<1x250xi32, #tpu.memory_space<vmem>> -> memref<250xi32, #tpu.memory_space<vmem>>
      %dma_wait3A_254 = arith.constant 0 : i32
      %dma_wait3A_255 = arith.constant 0 : i32
      %dma_wait3A_256 = tpu.memref_slice %arg12[%dma_wait3A_254, %dma_wait3A_255] : memref<10000x40xf32, #tpu.memory_space<vmem_shared>> -> memref<10000x40xf32, #tpu.memory_space<vmem_shared>>
      tpu.wait_indirect_dma semaphore(%arg20 : memref<!tpu.dma_semaphore, #tpu.memory_space<semaphore_mem>>) src(%arg10 : memref<250x40xf32, #tpu.memory_space<vmem>>) dst(%dma_wait3A_256 : memref<10000x40xf32, #tpu.memory_space<vmem_shared>>)
      %add3A_257 = arith.constant 2 : i32
      %add3A_258 = arith.addi %add3A_236, %add3A_257 : i32
      %dma_start3A_259 = arith.constant 0 : i32
      %dma_start3A_260 = tpu.memref_slice %arg6[%add3A_258, %dma_start3A_259] : memref<40x250xi32, #tpu.memory_space<vmem>> -> memref<1x250xi32, #tpu.memory_space<vmem>>
      %dma_start3A_261 = tpu.memref_squeeze %dma_start3A_260 : memref<1x250xi32, #tpu.memory_space<vmem>> -> memref<250xi32, #tpu.memory_space<vmem>>
      %dma_start3A_262 = arith.constant 0 : i32
      %dma_start3A_263 = arith.constant 0 : i32
      %dma_start3A_264 = tpu.memref_slice %arg13[%dma_start3A_262, %dma_start3A_263] : memref<10000x40xf32, #tpu.memory_space<vmem_shared>> -> memref<10000x40xf32, #tpu.memory_space<vmem_shared>>
      tpu.enqueue_indirect_dma source(%dma_start3A_264 : memref<10000x40xf32, #tpu.memory_space<vmem_shared>>) target(%arg10 : memref<250x40xf32, #tpu.memory_space<vmem>>) offsets(%dma_start3A_261 : memref<250xi32, #tpu.memory_space<vmem>>) semaphore(%arg16 : memref<!tpu.dma_semaphore, #tpu.memory_space<semaphore_mem>>)
      %mul3A_265 = arith.constant 4 : i32
      %mul3A_266 = arith.muli %mul3A_265, %scan3A_163 : i32
      %add3A_267 = arith.constant 3 : i32
      %add3A_268 = arith.addi %mul3A_266, %add3A_267 : i32
      %add3A_269 = arith.constant 2 : i32
      %add3A_270 = arith.addi %add3A_268, %add3A_269 : i32
      %dma_wait3A_271 = arith.constant 0 : i32
      %dma_wait3A_272 = tpu.memref_slice %arg6[%add3A_270, %dma_wait3A_271] : memref<40x250xi32, #tpu.memory_space<vmem>> -> memref<1x250xi32, #tpu.memory_space<vmem>>
      %dma_wait3A_273 = tpu.memref_squeeze %dma_wait3A_272 : memref<1x250xi32, #tpu.memory_space<vmem>> -> memref<250xi32, #tpu.memory_space<vmem>>
      %dma_wait3A_274 = arith.constant 0 : i32
      %dma_wait3A_275 = arith.constant 0 : i32
      %dma_wait3A_276 = tpu.memref_slice %arg13[%dma_wait3A_274, %dma_wait3A_275] : memref<10000x40xf32, #tpu.memory_space<vmem_shared>> -> memref<10000x40xf32, #tpu.memory_space<vmem_shared>>
      tpu.wait_indirect_dma semaphore(%arg15 : memref<!tpu.dma_semaphore, #tpu.memory_space<semaphore_mem>>) src(%dma_wait3A_276 : memref<10000x40xf32, #tpu.memory_space<vmem_shared>>) dst(%arg9 : memref<250x40xf32, #tpu.memory_space<vmem>>)
      %dma_start3A_277 = arith.constant 0 : i32
      %dma_start3A_278 = tpu.memref_slice %arg7[%add3A_270, %dma_start3A_277] : memref<40x250xi32, #tpu.memory_space<vmem>> -> memref<1x250xi32, #tpu.memory_space<vmem>>
      %dma_start3A_279 = tpu.memref_squeeze %dma_start3A_278 : memref<1x250xi32, #tpu.memory_space<vmem>> -> memref<250xi32, #tpu.memory_space<vmem>>
      %dma_start3A_280 = arith.constant 0 : i32
      %dma_start3A_281 = arith.constant 0 : i32
      %dma_start3A_282 = tpu.memref_slice %arg12[%dma_start3A_280, %dma_start3A_281] : memref<10000x40xf32, #tpu.memory_space<vmem_shared>> -> memref<10000x40xf32, #tpu.memory_space<vmem_shared>>
      tpu.enqueue_indirect_dma source(%arg9 : memref<250x40xf32, #tpu.memory_space<vmem>>) target(%dma_start3A_282 : memref<10000x40xf32, #tpu.memory_space<vmem_shared>>) offsets(%dma_start3A_279 : memref<250xi32, #tpu.memory_space<vmem>>) semaphore(%arg19 : memref<!tpu.dma_semaphore, #tpu.memory_space<semaphore_mem>>) {add = true}
      %sub3A_283 = arith.constant 2 : i32
      %sub3A_284 = arith.subi %add3A_270, %sub3A_283 : i32
      %dma_wait3A_285 = arith.constant 0 : i32
      %dma_wait3A_286 = tpu.memref_slice %arg7[%sub3A_284, %dma_wait3A_285] : memref<40x250xi32, #tpu.memory_space<vmem>> -> memref<1x250xi32, #tpu.memory_space<vmem>>
      %dma_wait3A_287 = tpu.memref_squeeze %dma_wait3A_286 : memref<1x250xi32, #tpu.memory_space<vmem>> -> memref<250xi32, #tpu.memory_space<vmem>>
      %dma_wait3A_288 = arith.constant 0 : i32
      %dma_wait3A_289 = arith.constant 0 : i32
      %dma_wait3A_290 = tpu.memref_slice %arg12[%dma_wait3A_288, %dma_wait3A_289] : memref<10000x40xf32, #tpu.memory_space<vmem_shared>> -> memref<10000x40xf32, #tpu.memory_space<vmem_shared>>
      tpu.wait_indirect_dma semaphore(%arg21 : memref<!tpu.dma_semaphore, #tpu.memory_space<semaphore_mem>>) src(%arg11 : memref<250x40xf32, #tpu.memory_space<vmem>>) dst(%dma_wait3A_290 : memref<10000x40xf32, #tpu.memory_space<vmem_shared>>)
      %add3A_291 = arith.constant 2 : i32
      %add3A_292 = arith.addi %add3A_270, %add3A_291 : i32
      %dma_start3A_293 = arith.constant 0 : i32
      %dma_start3A_294 = tpu.memref_slice %arg6[%add3A_292, %dma_start3A_293] : memref<40x250xi32, #tpu.memory_space<vmem>> -> memref<1x250xi32, #tpu.memory_space<vmem>>
      %dma_start3A_295 = tpu.memref_squeeze %dma_start3A_294 : memref<1x250xi32, #tpu.memory_space<vmem>> -> memref<250xi32, #tpu.memory_space<vmem>>
      %dma_start3A_296 = arith.constant 0 : i32
      %dma_start3A_297 = arith.constant 0 : i32
      %dma_start3A_298 = tpu.memref_slice %arg13[%dma_start3A_296, %dma_start3A_297] : memref<10000x40xf32, #tpu.memory_space<vmem_shared>> -> memref<10000x40xf32, #tpu.memory_space<vmem_shared>>
      tpu.enqueue_indirect_dma source(%dma_start3A_298 : memref<10000x40xf32, #tpu.memory_space<vmem_shared>>) target(%arg11 : memref<250x40xf32, #tpu.memory_space<vmem>>) offsets(%dma_start3A_295 : memref<250xi32, #tpu.memory_space<vmem>>) semaphore(%arg17 : memref<!tpu.dma_semaphore, #tpu.memory_space<semaphore_mem>>)
    }
    %scan3A_105 = arith.constant 9 : i32
    %dma_wait3A_106 = arith.constant 38 : i32
    %dma_wait3A_107 = arith.constant 0 : i32
    %dma_wait3A_108 = tpu.memref_slice %arg6[%dma_wait3A_106, %dma_wait3A_107] : memref<40x250xi32, #tpu.memory_space<vmem>> -> memref<1x250xi32, #tpu.memory_space<vmem>>
    %dma_wait3A_109 = tpu.memref_squeeze %dma_wait3A_108 : memref<1x250xi32, #tpu.memory_space<vmem>> -> memref<250xi32, #tpu.memory_space<vmem>>
    %dma_wait3A_110 = arith.constant 0 : i32
    %dma_wait3A_111 = arith.constant 0 : i32
    %dma_wait3A_112 = tpu.memref_slice %arg13[%dma_wait3A_110, %dma_wait3A_111] : memref<10000x40xf32, #tpu.memory_space<vmem_shared>> -> memref<10000x40xf32, #tpu.memory_space<vmem_shared>>
    tpu.wait_indirect_dma semaphore(%arg16 : memref<!tpu.dma_semaphore, #tpu.memory_space<semaphore_mem>>) src(%dma_wait3A_112 : memref<10000x40xf32, #tpu.memory_space<vmem_shared>>) dst(%arg10 : memref<250x40xf32, #tpu.memory_space<vmem>>)
    %dma_start3A_113 = arith.constant 38 : i32
    %dma_start3A_114 = arith.constant 0 : i32
    %dma_start3A_115 = tpu.memref_slice %arg7[%dma_start3A_113, %dma_start3A_114] : memref<40x250xi32, #tpu.memory_space<vmem>> -> memref<1x250xi32, #tpu.memory_space<vmem>>
    %dma_start3A_116 = tpu.memref_squeeze %dma_start3A_115 : memref<1x250xi32, #tpu.memory_space<vmem>> -> memref<250xi32, #tpu.memory_space<vmem>>
    %dma_start3A_117 = arith.constant 0 : i32
    %dma_start3A_118 = arith.constant 0 : i32
    %dma_start3A_119 = tpu.memref_slice %arg12[%dma_start3A_117, %dma_start3A_118] : memref<10000x40xf32, #tpu.memory_space<vmem_shared>> -> memref<10000x40xf32, #tpu.memory_space<vmem_shared>>
    tpu.enqueue_indirect_dma source(%arg10 : memref<250x40xf32, #tpu.memory_space<vmem>>) target(%dma_start3A_119 : memref<10000x40xf32, #tpu.memory_space<vmem_shared>>) offsets(%dma_start3A_116 : memref<250xi32, #tpu.memory_space<vmem>>) semaphore(%arg20 : memref<!tpu.dma_semaphore, #tpu.memory_space<semaphore_mem>>) {add = true}
    %dma_wait3A_120 = arith.constant 36 : i32
    %dma_wait3A_121 = arith.constant 0 : i32
    %dma_wait3A_122 = tpu.memref_slice %arg7[%dma_wait3A_120, %dma_wait3A_121] : memref<40x250xi32, #tpu.memory_space<vmem>> -> memref<1x250xi32, #tpu.memory_space<vmem>>
    %dma_wait3A_123 = tpu.memref_squeeze %dma_wait3A_122 : memref<1x250xi32, #tpu.memory_space<vmem>> -> memref<250xi32, #tpu.memory_space<vmem>>
    %dma_wait3A_124 = arith.constant 0 : i32
    %dma_wait3A_125 = arith.constant 0 : i32
    %dma_wait3A_126 = tpu.memref_slice %arg12[%dma_wait3A_124, %dma_wait3A_125] : memref<10000x40xf32, #tpu.memory_space<vmem_shared>> -> memref<10000x40xf32, #tpu.memory_space<vmem_shared>>
    tpu.wait_indirect_dma semaphore(%arg18 : memref<!tpu.dma_semaphore, #tpu.memory_space<semaphore_mem>>) src(%arg8 : memref<250x40xf32, #tpu.memory_space<vmem>>) dst(%dma_wait3A_126 : memref<10000x40xf32, #tpu.memory_space<vmem_shared>>)
    %dma_wait3A_127 = arith.constant 39 : i32
    %dma_wait3A_128 = arith.constant 0 : i32
    %dma_wait3A_129 = tpu.memref_slice %arg6[%dma_wait3A_127, %dma_wait3A_128] : memref<40x250xi32, #tpu.memory_space<vmem>> -> memref<1x250xi32, #tpu.memory_space<vmem>>
    %dma_wait3A_130 = tpu.memref_squeeze %dma_wait3A_129 : memref<1x250xi32, #tpu.memory_space<vmem>> -> memref<250xi32, #tpu.memory_space<vmem>>
    %dma_wait3A_131 = arith.constant 0 : i32
    %dma_wait3A_132 = arith.constant 0 : i32
    %dma_wait3A_133 = tpu.memref_slice %arg13[%dma_wait3A_131, %dma_wait3A_132] : memref<10000x40xf32, #tpu.memory_space<vmem_shared>> -> memref<10000x40xf32, #tpu.memory_space<vmem_shared>>
    tpu.wait_indirect_dma semaphore(%arg17 : memref<!tpu.dma_semaphore, #tpu.memory_space<semaphore_mem>>) src(%dma_wait3A_133 : memref<10000x40xf32, #tpu.memory_space<vmem_shared>>) dst(%arg11 : memref<250x40xf32, #tpu.memory_space<vmem>>)
    %dma_start3A_134 = arith.constant 39 : i32
    %dma_start3A_135 = arith.constant 0 : i32
    %dma_start3A_136 = tpu.memref_slice %arg7[%dma_start3A_134, %dma_start3A_135] : memref<40x250xi32, #tpu.memory_space<vmem>> -> memref<1x250xi32, #tpu.memory_space<vmem>>
    %dma_start3A_137 = tpu.memref_squeeze %dma_start3A_136 : memref<1x250xi32, #tpu.memory_space<vmem>> -> memref<250xi32, #tpu.memory_space<vmem>>
    %dma_start3A_138 = arith.constant 0 : i32
    %dma_start3A_139 = arith.constant 0 : i32
    %dma_start3A_140 = tpu.memref_slice %arg12[%dma_start3A_138, %dma_start3A_139] : memref<10000x40xf32, #tpu.memory_space<vmem_shared>> -> memref<10000x40xf32, #tpu.memory_space<vmem_shared>>
    tpu.enqueue_indirect_dma source(%arg11 : memref<250x40xf32, #tpu.memory_space<vmem>>) target(%dma_start3A_140 : memref<10000x40xf32, #tpu.memory_space<vmem_shared>>) offsets(%dma_start3A_137 : memref<250xi32, #tpu.memory_space<vmem>>) semaphore(%arg21 : memref<!tpu.dma_semaphore, #tpu.memory_space<semaphore_mem>>) {add = true}
    %dma_wait3A_141 = arith.constant 37 : i32
    %dma_wait3A_142 = arith.constant 0 : i32
    %dma_wait3A_143 = tpu.memref_slice %arg7[%dma_wait3A_141, %dma_wait3A_142] : memref<40x250xi32, #tpu.memory_space<vmem>> -> memref<1x250xi32, #tpu.memory_space<vmem>>
    %dma_wait3A_144 = tpu.memref_squeeze %dma_wait3A_143 : memref<1x250xi32, #tpu.memory_space<vmem>> -> memref<250xi32, #tpu.memory_space<vmem>>
    %dma_wait3A_145 = arith.constant 0 : i32
    %dma_wait3A_146 = arith.constant 0 : i32
    %dma_wait3A_147 = tpu.memref_slice %arg12[%dma_wait3A_145, %dma_wait3A_146] : memref<10000x40xf32, #tpu.memory_space<vmem_shared>> -> memref<10000x40xf32, #tpu.memory_space<vmem_shared>>
    tpu.wait_indirect_dma semaphore(%arg19 : memref<!tpu.dma_semaphore, #tpu.memory_space<semaphore_mem>>) src(%arg9 : memref<250x40xf32, #tpu.memory_space<vmem>>) dst(%dma_wait3A_147 : memref<10000x40xf32, #tpu.memory_space<vmem_shared>>)
    %dma_wait3A_148 = arith.constant 38 : i32
    %dma_wait3A_149 = arith.constant 0 : i32
    %dma_wait3A_150 = tpu.memref_slice %arg7[%dma_wait3A_148, %dma_wait3A_149] : memref<40x250xi32, #tpu.memory_space<vmem>> -> memref<1x250xi32, #tpu.memory_space<vmem>>
    %dma_wait3A_151 = tpu.memref_squeeze %dma_wait3A_150 : memref<1x250xi32, #tpu.memory_space<vmem>> -> memref<250xi32, #tpu.memory_space<vmem>>
    %dma_wait3A_152 = arith.constant 0 : i32
    %dma_wait3A_153 = arith.constant 0 : i32
    %dma_wait3A_154 = tpu.memref_slice %arg12[%dma_wait3A_152, %dma_wait3A_153] : memref<10000x40xf32, #tpu.memory_space<vmem_shared>> -> memref<10000x40xf32, #tpu.memory_space<vmem_shared>>
    tpu.wait_indirect_dma semaphore(%arg20 : memref<!tpu.dma_semaphore, #tpu.memory_space<semaphore_mem>>) src(%arg10 : memref<250x40xf32, #tpu.memory_space<vmem>>) dst(%dma_wait3A_154 : memref<10000x40xf32, #tpu.memory_space<vmem_shared>>)
    %dma_wait3A_155 = arith.constant 39 : i32
    %dma_wait3A_156 = arith.constant 0 : i32
    %dma_wait3A_157 = tpu.memref_slice %arg7[%dma_wait3A_155, %dma_wait3A_156] : memref<40x250xi32, #tpu.memory_space<vmem>> -> memref<1x250xi32, #tpu.memory_space<vmem>>
    %dma_wait3A_158 = tpu.memref_squeeze %dma_wait3A_157 : memref<1x250xi32, #tpu.memory_space<vmem>> -> memref<250xi32, #tpu.memory_space<vmem>>
    %dma_wait3A_159 = arith.constant 0 : i32
    %dma_wait3A_160 = arith.constant 0 : i32
    %dma_wait3A_161 = tpu.memref_slice %arg12[%dma_wait3A_159, %dma_wait3A_160] : memref<10000x40xf32, #tpu.memory_space<vmem_shared>> -> memref<10000x40xf32, #tpu.memory_space<vmem_shared>>
    tpu.wait_indirect_dma semaphore(%arg21 : memref<!tpu.dma_semaphore, #tpu.memory_space<semaphore_mem>>) src(%arg11 : memref<250x40xf32, #tpu.memory_space<vmem>>) dst(%dma_wait3A_161 : memref<10000x40xf32, #tpu.memory_space<vmem_shared>>)
    %barrier3A_162 = arith.constant 0 : index
    tpu.barrier barrier_id(%barrier3A_162)
    "tpu.region"() ({
      %run_scoped3A = tpu.sem_alloc : memref<!tpu.dma_semaphore, #tpu.memory_space<semaphore_mem>>
      %dma_start3A_163 = arith.constant 0 : i32
      %dma_start3A_164 = tpu.memref_slice %arg5[%arg0, %mul3A_2, %dma_start3A_163] : memref<2x10000x40xf32, #tpu.memory_space<hbm>> -> memref<1x625x40xf32, #tpu.memory_space<hbm>>
      %dma_start3A_165 = tpu.memref_squeeze %dma_start3A_164 : memref<1x625x40xf32, #tpu.memory_space<hbm>> -> memref<625x40xf32, #tpu.memory_space<hbm>>
      %dma_start3A_166 = arith.constant 0 : i32
      %dma_start3A_167 = tpu.memref_slice %arg12[%mul3A_2, %dma_start3A_166] : memref<10000x40xf32, #tpu.memory_space<vmem_shared>> -> memref<625x40xf32, #tpu.memory_space<vmem_shared>>
      tpu.enqueue_dma source(%dma_start3A_167 : memref<625x40xf32, #tpu.memory_space<vmem_shared>>) target(%dma_start3A_165 : memref<625x40xf32, #tpu.memory_space<hbm>>) target_semaphore(%run_scoped3A : memref<!tpu.dma_semaphore, #tpu.memory_space<semaphore_mem>>)
      %dma_wait3A_168 = arith.constant 0 : i32
      %dma_wait3A_169 = tpu.memref_slice %arg5[%arg0, %mul3A_2, %dma_wait3A_168] : memref<2x10000x40xf32, #tpu.memory_space<hbm>> -> memref<1x625x40xf32, #tpu.memory_space<hbm>>
      %dma_wait3A_170 = tpu.memref_squeeze %dma_wait3A_169 : memref<1x625x40xf32, #tpu.memory_space<hbm>> -> memref<625x40xf32, #tpu.memory_space<hbm>>
      %dma_wait3A_171 = arith.constant 0 : i32
      %dma_wait3A_172 = tpu.memref_slice %arg12[%mul3A_2, %dma_wait3A_171] : memref<10000x40xf32, #tpu.memory_space<vmem_shared>> -> memref<625x40xf32, #tpu.memory_space<vmem_shared>>
      tpu.wait_dma2 semaphore(%run_scoped3A : memref<!tpu.dma_semaphore, #tpu.memory_space<semaphore_mem>>) src(%dma_wait3A_172 : memref<625x40xf32, #tpu.memory_space<vmem_shared>>) dst(%dma_wait3A_170 : memref<625x40xf32, #tpu.memory_space<hbm>>)
      tpu.yield
    }) : () -> ()
    return
  }
}

module attributes {stable_mosaic.version = 14 : i64} {
  func.func @body(%arg0: memref<10000x128xf32, #tpu.memory_space<vmem>>, %arg1: memref<128x32xf32, #tpu.memory_space<vmem>>, %arg2: memref<2x10000x16xf32, #tpu.memory_space<vmem>>, %arg3: memref<10000x32xf32, #tpu.memory_space<vmem>>, %arg4: memref<10000x32xf32, #tpu.memory_space<vmem>>, %arg5: memref<10000x1xf32, #tpu.memory_space<vmem>>) attributes {dimension_semantics = [], scalar_prefetch = 0 : i64, scratch_operands = 0 : i64, tpu.core_type = #tpu.core_type<tc>} {
    %get3A = arith.constant 0 : index
    %get3A_0 = arith.constant 0 : index
    %get3A_1 = arith.constant 0 : index
    %get3A_2 = vector.load %arg2[%get3A, %get3A_0, %get3A_1] : memref<2x10000x16xf32, #tpu.memory_space<vmem>>, vector<1x10000x1xf32>
    %get3A_3 = vector.shape_cast %get3A_2 : vector<1x10000x1xf32> to vector<10000x1xf32>
    %get3A_4 = arith.constant 1 : index
    %get3A_5 = arith.constant 0 : index
    %get3A_6 = arith.constant 0 : index
    %get3A_7 = vector.load %arg2[%get3A_4, %get3A_5, %get3A_6] : memref<2x10000x16xf32, #tpu.memory_space<vmem>>, vector<1x10000x1xf32>
    %get3A_8 = vector.shape_cast %get3A_7 : vector<1x10000x1xf32> to vector<10000x1xf32>
    %add3A = arith.addf %get3A_3, %get3A_8 : vector<10000x1xf32>
    %add3A_9 = arith.constant 1.000000e+00 : f32
    %add3A_10 = vector.broadcast %add3A_9 : f32 to vector<10000x1xf32>
    %add3A_11 = arith.addf %add3A, %add3A_10 : vector<10000x1xf32>
    %rsqrt3A = math.rsqrt %add3A_11 : vector<10000x1xf32>
    %get3A_12 = arith.constant 0 : index
    %get3A_13 = arith.constant 0 : index
    %get3A_14 = vector.load %arg0[%get3A_12, %get3A_13] : memref<10000x128xf32, #tpu.memory_space<vmem>>, vector<10000x128xf32>
    %get3A_15 = arith.constant 0 : index
    %get3A_16 = arith.constant 0 : index
    %get3A_17 = vector.load %arg1[%get3A_15, %get3A_16] : memref<128x32xf32, #tpu.memory_space<vmem>>, vector<128x32xf32>
    %dot_general3A = arith.constant dense<0.000000e+00> : vector<10000x32xf32>
    %dot_general3A_18 = tpu.matmul %get3A_14, %get3A_17, %dot_general3A {dimension_numbers = #tpu.dot_dimension_numbers<[1], [0], [0], [1], [0, 0, 1, 1], [], []>, transpose_lhs_hint = false} : vector<10000x128xf32>, vector<128x32xf32>, vector<10000x32xf32> -> vector<10000x32xf32>
    %mul3A = vector.broadcast %rsqrt3A : vector<10000x1xf32> to vector<10000x32xf32>
    %mul3A_19 = arith.mulf %dot_general3A_18, %mul3A : vector<10000x32xf32>
    %swap3A = arith.constant 0 : index
    %swap3A_20 = arith.constant 0 : index
    %swap3A_21 = vector.load %arg3[%swap3A, %swap3A_20] : memref<10000x32xf32, #tpu.memory_space<vmem>>, vector<10000x32xf32>
    tpu.vector_store %arg3[%swap3A, %swap3A_20], %mul3A_19 {strides = array<i32>} : memref<10000x32xf32, #tpu.memory_space<vmem>>, vector<10000x32xf32>,
    %div3A = vector.broadcast %add3A_11 : vector<10000x1xf32> to vector<10000x32xf32>
    %div3A_22 = arith.divf %dot_general3A_18, %div3A : vector<10000x32xf32>
    %swap3A_23 = arith.constant 0 : index
    %swap3A_24 = arith.constant 0 : index
    %swap3A_25 = vector.load %arg4[%swap3A_23, %swap3A_24] : memref<10000x32xf32, #tpu.memory_space<vmem>>, vector<10000x32xf32>
    tpu.vector_store %arg4[%swap3A_23, %swap3A_24], %div3A_22 {strides = array<i32>} : memref<10000x32xf32, #tpu.memory_space<vmem>>, vector<10000x32xf32>,
    %swap3A_26 = arith.constant 0 : index
    %swap3A_27 = arith.constant 0 : index
    %swap3A_28 = vector.load %arg5[%swap3A_26, %swap3A_27] : memref<10000x1xf32, #tpu.memory_space<vmem>>, vector<10000x1xf32>
    tpu.vector_store %arg5[%swap3A_26, %swap3A_27], %rsqrt3A {strides = array<i32>} : memref<10000x1xf32, #tpu.memory_space<vmem>>, vector<10000x1xf32>,
    return
  }
}

module attributes {stable_mosaic.version = 14 : i64} {
  func.func @body(%arg0: memref<2x10000x32xf32, #tpu.memory_space<vmem>>, %arg1: memref<10000x32xf32, #tpu.memory_space<vmem>>, %arg2: memref<10000x1xf32, #tpu.memory_space<vmem>>, %arg3: memref<1x32xf32, #tpu.memory_space<vmem>>, %arg4: memref<32x16xf32, #tpu.memory_space<vmem>>, %arg5: memref<10000x16xf32, #tpu.memory_space<vmem>>, %arg6: memref<10000x16xf32, #tpu.memory_space<vmem>>) attributes {dimension_semantics = [], scalar_prefetch = 0 : i64, scratch_operands = 0 : i64, tpu.core_type = #tpu.core_type<tc>} {
    %get3A = arith.constant 0 : index
    %get3A_0 = arith.constant 0 : index
    %get3A_1 = vector.load %arg2[%get3A, %get3A_0] : memref<10000x1xf32, #tpu.memory_space<vmem>>, vector<10000x1xf32>
    %get3A_2 = arith.constant 0 : index
    %get3A_3 = arith.constant 0 : index
    %get3A_4 = arith.constant 0 : index
    %get3A_5 = vector.load %arg0[%get3A_2, %get3A_3, %get3A_4] : memref<2x10000x32xf32, #tpu.memory_space<vmem>>, vector<1x10000x32xf32>
    %get3A_6 = vector.shape_cast %get3A_5 : vector<1x10000x32xf32> to vector<10000x32xf32>
    %get3A_7 = arith.constant 1 : index
    %get3A_8 = arith.constant 0 : index
    %get3A_9 = arith.constant 0 : index
    %get3A_10 = vector.load %arg0[%get3A_7, %get3A_8, %get3A_9] : memref<2x10000x32xf32, #tpu.memory_space<vmem>>, vector<1x10000x32xf32>
    %get3A_11 = vector.shape_cast %get3A_10 : vector<1x10000x32xf32> to vector<10000x32xf32>
    %add3A = arith.addf %get3A_6, %get3A_11 : vector<10000x32xf32>
    %mul3A = vector.broadcast %get3A_1 : vector<10000x1xf32> to vector<10000x32xf32>
    %mul3A_12 = arith.mulf %mul3A, %add3A : vector<10000x32xf32>
    %get3A_13 = arith.constant 0 : index
    %get3A_14 = arith.constant 0 : index
    %get3A_15 = vector.load %arg1[%get3A_13, %get3A_14] : memref<10000x32xf32, #tpu.memory_space<vmem>>, vector<10000x32xf32>
    %add3A_16 = arith.addf %mul3A_12, %get3A_15 : vector<10000x32xf32>
    %get3A_17 = arith.constant 0 : index
    %get3A_18 = arith.constant 0 : index
    %get3A_19 = vector.load %arg3[%get3A_17, %get3A_18] : memref<1x32xf32, #tpu.memory_space<vmem>>, vector<1x32xf32>
    %add3A_20 = vector.broadcast %get3A_19 : vector<1x32xf32> to vector<10000x32xf32>
    %add3A_21 = arith.addf %add3A_16, %add3A_20 : vector<10000x32xf32>
    %max3A = arith.constant 0.000000e+00 : f32
    %max3A_22 = vector.broadcast %max3A : f32 to vector<10000x32xf32>
    %max3A_23 = arith.maximumf %add3A_21, %max3A_22 : vector<10000x32xf32>
    %get3A_24 = arith.constant 0 : index
    %get3A_25 = arith.constant 0 : index
    %get3A_26 = vector.load %arg4[%get3A_24, %get3A_25] : memref<32x16xf32, #tpu.memory_space<vmem>>, vector<32x16xf32>
    %dot_general3A = arith.constant dense<0.000000e+00> : vector<10000x16xf32>
    %dot_general3A_27 = tpu.matmul %max3A_23, %get3A_26, %dot_general3A {dimension_numbers = #tpu.dot_dimension_numbers<[1], [0], [0], [1], [0, 0, 1, 1], [], []>, transpose_lhs_hint = false} : vector<10000x32xf32>, vector<32x16xf32>, vector<10000x16xf32> -> vector<10000x16xf32>
    %mul3A_28 = vector.broadcast %get3A_1 : vector<10000x1xf32> to vector<10000x16xf32>
    %mul3A_29 = arith.mulf %dot_general3A_27, %mul3A_28 : vector<10000x16xf32>
    %swap3A = arith.constant 0 : index
    %swap3A_30 = arith.constant 0 : index
    %swap3A_31 = vector.load %arg5[%swap3A, %swap3A_30] : memref<10000x16xf32, #tpu.memory_space<vmem>>, vector<10000x16xf32>
    tpu.vector_store %arg5[%swap3A, %swap3A_30], %mul3A_29 {strides = array<i32>} : memref<10000x16xf32, #tpu.memory_space<vmem>>, vector<10000x16xf32>,
    %mul3A_32 = arith.mulf %get3A_1, %get3A_1 : vector<10000x1xf32>
    %mul3A_33 = vector.broadcast %mul3A_32 : vector<10000x1xf32> to vector<10000x16xf32>
    %mul3A_34 = arith.mulf %dot_general3A_27, %mul3A_33 : vector<10000x16xf32>
    %swap3A_35 = arith.constant 0 : index
    %swap3A_36 = arith.constant 0 : index
    %swap3A_37 = vector.load %arg6[%swap3A_35, %swap3A_36] : memref<10000x16xf32, #tpu.memory_space<vmem>>, vector<10000x16xf32>
    tpu.vector_store %arg6[%swap3A_35, %swap3A_36], %mul3A_34 {strides = array<i32>} : memref<10000x16xf32, #tpu.memory_space<vmem>>, vector<10000x16xf32>,
    return
  }
}

module attributes {stable_mosaic.version = 14 : i64} {
  func.func @body(%arg0: memref<2x10000x16xf32, #tpu.memory_space<vmem>>, %arg1: memref<10000x16xf32, #tpu.memory_space<vmem>>, %arg2: memref<10000x1xf32, #tpu.memory_space<vmem>>, %arg3: memref<1x16xf32, #tpu.memory_space<vmem>>, %arg4: memref<16x40xf32, #tpu.memory_space<vmem>>, %arg5: memref<10000x40xf32, #tpu.memory_space<vmem>>, %arg6: memref<10000x40xf32, #tpu.memory_space<vmem>>) attributes {dimension_semantics = [], scalar_prefetch = 0 : i64, scratch_operands = 0 : i64, tpu.core_type = #tpu.core_type<tc>} {
    %get3A = arith.constant 0 : index
    %get3A_0 = arith.constant 0 : index
    %get3A_1 = vector.load %arg2[%get3A, %get3A_0] : memref<10000x1xf32, #tpu.memory_space<vmem>>, vector<10000x1xf32>
    %get3A_2 = arith.constant 0 : index
    %get3A_3 = arith.constant 0 : index
    %get3A_4 = arith.constant 0 : index
    %get3A_5 = vector.load %arg0[%get3A_2, %get3A_3, %get3A_4] : memref<2x10000x16xf32, #tpu.memory_space<vmem>>, vector<1x10000x16xf32>
    %get3A_6 = vector.shape_cast %get3A_5 : vector<1x10000x16xf32> to vector<10000x16xf32>
    %get3A_7 = arith.constant 1 : index
    %get3A_8 = arith.constant 0 : index
    %get3A_9 = arith.constant 0 : index
    %get3A_10 = vector.load %arg0[%get3A_7, %get3A_8, %get3A_9] : memref<2x10000x16xf32, #tpu.memory_space<vmem>>, vector<1x10000x16xf32>
    %get3A_11 = vector.shape_cast %get3A_10 : vector<1x10000x16xf32> to vector<10000x16xf32>
    %add3A = arith.addf %get3A_6, %get3A_11 : vector<10000x16xf32>
    %mul3A = vector.broadcast %get3A_1 : vector<10000x1xf32> to vector<10000x16xf32>
    %mul3A_12 = arith.mulf %mul3A, %add3A : vector<10000x16xf32>
    %get3A_13 = arith.constant 0 : index
    %get3A_14 = arith.constant 0 : index
    %get3A_15 = vector.load %arg1[%get3A_13, %get3A_14] : memref<10000x16xf32, #tpu.memory_space<vmem>>, vector<10000x16xf32>
    %add3A_16 = arith.addf %mul3A_12, %get3A_15 : vector<10000x16xf32>
    %get3A_17 = arith.constant 0 : index
    %get3A_18 = arith.constant 0 : index
    %get3A_19 = vector.load %arg3[%get3A_17, %get3A_18] : memref<1x16xf32, #tpu.memory_space<vmem>>, vector<1x16xf32>
    %add3A_20 = vector.broadcast %get3A_19 : vector<1x16xf32> to vector<10000x16xf32>
    %add3A_21 = arith.addf %add3A_16, %add3A_20 : vector<10000x16xf32>
    %max3A = arith.constant 0.000000e+00 : f32
    %max3A_22 = vector.broadcast %max3A : f32 to vector<10000x16xf32>
    %max3A_23 = arith.maximumf %add3A_21, %max3A_22 : vector<10000x16xf32>
    %get3A_24 = arith.constant 0 : index
    %get3A_25 = arith.constant 0 : index
    %get3A_26 = vector.load %arg4[%get3A_24, %get3A_25] : memref<16x40xf32, #tpu.memory_space<vmem>>, vector<16x40xf32>
    %dot_general3A = arith.constant dense<0.000000e+00> : vector<10000x40xf32>
    %dot_general3A_27 = tpu.matmul %max3A_23, %get3A_26, %dot_general3A {dimension_numbers = #tpu.dot_dimension_numbers<[1], [0], [0], [1], [0, 0, 1, 1], [], []>, transpose_lhs_hint = false} : vector<10000x16xf32>, vector<16x40xf32>, vector<10000x40xf32> -> vector<10000x40xf32>
    %mul3A_28 = vector.broadcast %get3A_1 : vector<10000x1xf32> to vector<10000x40xf32>
    %mul3A_29 = arith.mulf %dot_general3A_27, %mul3A_28 : vector<10000x40xf32>
    %swap3A = arith.constant 0 : index
    %swap3A_30 = arith.constant 0 : index
    %swap3A_31 = vector.load %arg5[%swap3A, %swap3A_30] : memref<10000x40xf32, #tpu.memory_space<vmem>>, vector<10000x40xf32>
    tpu.vector_store %arg5[%swap3A, %swap3A_30], %mul3A_29 {strides = array<i32>} : memref<10000x40xf32, #tpu.memory_space<vmem>>, vector<10000x40xf32>,
    %mul3A_32 = arith.mulf %get3A_1, %get3A_1 : vector<10000x1xf32>
    %mul3A_33 = vector.broadcast %mul3A_32 : vector<10000x1xf32> to vector<10000x40xf32>
    %mul3A_34 = arith.mulf %dot_general3A_27, %mul3A_33 : vector<10000x40xf32>
    %swap3A_35 = arith.constant 0 : index
    %swap3A_36 = arith.constant 0 : index
    %swap3A_37 = vector.load %arg6[%swap3A_35, %swap3A_36] : memref<10000x40xf32, #tpu.memory_space<vmem>>, vector<10000x40xf32>
    tpu.vector_store %arg6[%swap3A_35, %swap3A_36], %mul3A_34 {strides = array<i32>} : memref<10000x40xf32, #tpu.memory_space<vmem>>, vector<10000x40xf32>,
    return
  }
}

module attributes {stable_mosaic.version = 14 : i64} {
  func.func @body(%arg0: memref<2x10000x40xf32, #tpu.memory_space<vmem>>, %arg1: memref<10000x40xf32, #tpu.memory_space<vmem>>, %arg2: memref<10000x1xf32, #tpu.memory_space<vmem>>, %arg3: memref<1x40xf32, #tpu.memory_space<vmem>>, %arg4: memref<10000x40xf32, #tpu.memory_space<vmem>>) attributes {dimension_semantics = [], scalar_prefetch = 0 : i64, scratch_operands = 0 : i64, tpu.core_type = #tpu.core_type<tc>} {
    %get3A = arith.constant 0 : index
    %get3A_0 = arith.constant 0 : index
    %get3A_1 = vector.load %arg2[%get3A, %get3A_0] : memref<10000x1xf32, #tpu.memory_space<vmem>>, vector<10000x1xf32>
    %get3A_2 = arith.constant 0 : index
    %get3A_3 = arith.constant 0 : index
    %get3A_4 = arith.constant 0 : index
    %get3A_5 = vector.load %arg0[%get3A_2, %get3A_3, %get3A_4] : memref<2x10000x40xf32, #tpu.memory_space<vmem>>, vector<1x10000x40xf32>
    %get3A_6 = vector.shape_cast %get3A_5 : vector<1x10000x40xf32> to vector<10000x40xf32>
    %get3A_7 = arith.constant 1 : index
    %get3A_8 = arith.constant 0 : index
    %get3A_9 = arith.constant 0 : index
    %get3A_10 = vector.load %arg0[%get3A_7, %get3A_8, %get3A_9] : memref<2x10000x40xf32, #tpu.memory_space<vmem>>, vector<1x10000x40xf32>
    %get3A_11 = vector.shape_cast %get3A_10 : vector<1x10000x40xf32> to vector<10000x40xf32>
    %add3A = arith.addf %get3A_6, %get3A_11 : vector<10000x40xf32>
    %mul3A = vector.broadcast %get3A_1 : vector<10000x1xf32> to vector<10000x40xf32>
    %mul3A_12 = arith.mulf %mul3A, %add3A : vector<10000x40xf32>
    %get3A_13 = arith.constant 0 : index
    %get3A_14 = arith.constant 0 : index
    %get3A_15 = vector.load %arg1[%get3A_13, %get3A_14] : memref<10000x40xf32, #tpu.memory_space<vmem>>, vector<10000x40xf32>
    %add3A_16 = arith.addf %mul3A_12, %get3A_15 : vector<10000x40xf32>
    %get3A_17 = arith.constant 0 : index
    %get3A_18 = arith.constant 0 : index
    %get3A_19 = vector.load %arg3[%get3A_17, %get3A_18] : memref<1x40xf32, #tpu.memory_space<vmem>>, vector<1x40xf32>
    %add3A_20 = vector.broadcast %get3A_19 : vector<1x40xf32> to vector<10000x40xf32>
    %add3A_21 = arith.addf %add3A_16, %add3A_20 : vector<10000x40xf32>
    %reduce_max3A = arith.constant dense<0xFF800000> : vector<10000xf32>
    %reduce_max3A_22 = vector.multi_reduction <maximumf>, %add3A_21, %reduce_max3A [1] : vector<10000x40xf32> to vector<10000xf32>
    %broadcast_in_dim3A = vector.shape_cast %reduce_max3A_22 : vector<10000xf32> to vector<10000x1xf32>
    %sub3A = vector.broadcast %broadcast_in_dim3A : vector<10000x1xf32> to vector<10000x40xf32>
    %sub3A_23 = arith.subf %add3A_21, %sub3A : vector<10000x40xf32>
    %exp3A = math.exp %sub3A_23 : vector<10000x40xf32>
    %sub3A_24 = vector.broadcast %broadcast_in_dim3A : vector<10000x1xf32> to vector<10000x40xf32>
    %sub3A_25 = arith.subf %add3A_21, %sub3A_24 : vector<10000x40xf32>
    %reduce_sum3A = arith.constant dense<0.000000e+00> : vector<10000xf32>
    %reduce_sum3A_26 = vector.multi_reduction <add>, %exp3A, %reduce_sum3A [1] : vector<10000x40xf32> to vector<10000xf32>
    %broadcast_in_dim3A_27 = vector.shape_cast %reduce_sum3A_26 : vector<10000xf32> to vector<10000x1xf32>
    %log3A = math.log %broadcast_in_dim3A_27 : vector<10000x1xf32>
    %sub3A_28 = vector.broadcast %log3A : vector<10000x1xf32> to vector<10000x40xf32>
    %sub3A_29 = arith.subf %sub3A_25, %sub3A_28 : vector<10000x40xf32>
    %swap3A = arith.constant 0 : index
    %swap3A_30 = arith.constant 0 : index
    %swap3A_31 = vector.load %arg4[%swap3A, %swap3A_30] : memref<10000x40xf32, #tpu.memory_space<vmem>>, vector<10000x40xf32>
    tpu.vector_store %arg4[%swap3A, %swap3A_30], %sub3A_29 {strides = array<i32>} : memref<10000x40xf32, #tpu.memory_space<vmem>>, vector<10000x40xf32>,
    return
  }
}

</mosaic_0001>

<sc_bundles>
// kernel: kernel.10.cloned.1.call-start
scs
__scs_entry_jumppad:
0x0: {  	(pc) =	sbr.rel $0x88, $3  }
0x1: {  	(tag) =	ssettag $0x0;
	lr =	simm.s32 $0x1  }
0x2: {  	[smem:$0x3F99] =	sst lr;
	_ =	strace $0xD0000000  }
0x3: {  	_ = 	snop  }
0x4: {  	_ = 	snop  }
0x5: {  	_ = 	snop  }
0x6: {  	_ = 	snop  }
0x7: {  	_ = 	snop  }
__scs_overlays_trampoline_lowered:
0x8: {  	[smem:$0x3FA8] =	sst s0  }
0x9: {  	[smem:$0x3FA9] =	sst s1  }
0xa: {  	[smem:$0x3FAA] =	sst s2  }
0xb: {  	[smem:$0x3FAB] =	sst s3  }
0xc: {  	[smem:$0x3FAC] =	sst s4  }
0xd: {  	[smem:$0x3FAD] =	sst s5  }
0xe: {  	[smem:$0x3FAE] =	sst s6  }
0xf: {  	[smem:$0x3FAF] =	sst s7  }
0x10: {  	[smem:$0x3FB0] =	sst s8  }
0x11: {  	[smem:$0x3FB1] =	sst s9;
	s0 =	simm.s32 @!p0 $0x0  }
0x12: {  	s1 =	sld [smem:$0x3F97];
	s0 =	simm.s32 @p0 $0x1  }
0x13: {  	[smem:$0x3FB2] =	sst s0;
	s0 =	simm.s32 @!p1 $0x0  }
0x14: {  	s2 =	sld [smem:$0x3F96];
	s0 =	simm.s32 @p1 $0x1  }
0x15: {  	[smem:$0x3FB3] =	sst s0;
	s0 =	simm.s32 @!p2 $0x0  }
0x16: {  	s3 =	sld [smem:$0x3FDB];
	s0 =	simm.s32 @p2 $0x1  }
0x17: {  	s4 =	simm.s32 $0x1BF5;
	[smem:$0x3FB5] =	sst s0  }
0x18: {  	s0 =	sld [smem:$0x3F98];
	_ =	swait.ge [sflag:s4], $0x0  }
0x19: {  	s7 =	sld [smem:$0x3F99]  }
0x1a: {  	s8 =	sadd.s32 $0xFFFFE003, lr  }
0x1b: {  	s9 =	sadd.s32 $0xFFFFFEF7, lr;
	s5 =	simm.s32 $0xFFFFFFFF;
	p2 =	slt.u32 s8, $0xFFFFF086  }
0x1c: {  	p1 =	slt.u32 s9, $0xF7A;
	s5 =	simm.s32 @!p2 $0x0  }
0x1d: {  	s5 =	simm.s32 @p1 $0x1;
	p0 =	seq.s32 s7, s2  }
0x1e: {  	s7 =	smul.u32 @!p0 $0xF7A, s2;
	p2 =	seq.s32 @!p0 s5, $0x0  }
0x1f: {  	s9 =	smul.u32 $0xF7A, s1;
	s8 =	simm.s32 @!p0 $0x1BF5;
	p2 =	por !p2, p0  }
0x20: {  	[sflag:s8] =	ssyncset.s32 @!p0 $0xFFFFF086;
	s6 =	sadd.s32 @!p0 s3, s7;
	s7 =	simm.s32 @!p0 $0x108  }
0x21: {  	s3 =	sadd.s32 s3, s9;
	s6 =	sadd.s32 @!p0 $0x88, s6;
	s7 =	simm.s32 @p2 $0x1082  }
0x22: {  	[simem:s7], [sflag:s8] =	dma.local @!p0 [hbm:s6], $0xF7A  }
0x23: {  	s9 =	sor.u32 $0xD0000000, s2;
	s6 =	simm.s32 $0x108;
	_ =	swait.ge @!p0 [sflag:s8], $0x0  }
0x24: {  	s3 =	sadd.s32 $0x88, s3;
	s6 =	simm.s32 @!p1 $0x1082;
	[sflag:s4] =	ssyncset.s32 $0xFFFFF086  }
0x25: {  	[simem:s6], [sflag:s4] =	dma.local [hbm:s3], $0xF7A  }
0x26: {  	[smem:$0x3F99] =	sst s1;
	(tag) =	ssettag s2;
	_ =	strace s9  }
0x27: {  	s1 =	sld [smem:$0x3FA9]  }
0x28: {  	s2 =	sld [smem:$0x3FAA]  }
0x29: {  	s4 =	sld [smem:$0x3FAC]  }
0x2a: {  	p0 =	seq.s32 s5, $0x0;
	s5 =	sld [smem:$0x3FAD]  }
0x2b: {  	s6 =	sld [smem:$0x3FAE]  }
0x2c: {  	s7 =	sld [smem:$0x3FAF]  }
0x2d: {  	s3 =	simm.s32 $0x108;
	s8 =	sld [smem:$0x3FB0]  }
0x2e: {  	s3 =	simm.s32 @!p0 $0x1082;
	s9 =	sld [smem:$0x3FB1]  }
0x2f: {  	lr =	sadd.s32 s0, s3;
	s0 =	sld [smem:$0x3FA8]  }
0x30: {  	s3 =	sld [smem:$0x3FAB]  }
0x31: {  	[smem:$0x3FB4] =	sst s10  }
0x32: {  	s10 =	sld [smem:$0x3FB2];
	_ =	sdelay $0x3  }
0x33: {  	p0 =	seq.s32 s10, $0x1;
	s10 =	sld [smem:$0x3FB4];
	_ =	sdelay $0x3  }
0x34: {  	[smem:$0x3FB4] =	sst s10  }
0x35: {  	s10 =	sld [smem:$0x3FB3];
	_ =	sdelay $0x3  }
0x36: {  	p1 =	seq.s32 s10, $0x1;
	s10 =	sld [smem:$0x3FB4];
	_ =	sdelay $0x3  }
0x37: {  	[smem:$0x3FB4] =	sst s10  }
0x38: {  	s10 =	sld [smem:$0x3FB5]  }
0x39: {  	_ = 	snop;
	(pc) =	sbr.ind lr, $3  }
0x3a: {  	_ = 	snop  }
0x3b: {  	_ = 	snop  }
0x3c: {  	p2 =	seq.s32 s10, $0x1;
	s10 =	sld [smem:$0x3FB4]  }
0x3d: {  	_ =	shalt  }
0x3e: {  	_ =	shalt  }
0x3f: {  	_ =	shalt  }
0x40: {  	_ =	shalt  }
0x41: {  	_ =	shalt  }
0x42: {  	_ =	shalt  }
0x43: {  	_ =	shalt  }
0x44: {  	_ =	shalt  }
0x45: {  	_ =	shalt  }
0x46: {  	_ =	shalt  }
0x47: {  	_ =	shalt  }
0x48: {  	_ =	shalt  }
0x49: {  	_ =	shalt  }
0x4a: {  	_ =	shalt  }
0x4b: {  	_ =	shalt  }
0x4c: {  	_ =	shalt  }
0x4d: {  	_ =	shalt  }
0x4e: {  	_ =	shalt  }
0x4f: {  	_ =	shalt  }
0x50: {  	_ =	shalt  }
0x51: {  	_ =	shalt  }
0x52: {  	_ =	shalt  }
0x53: {  	_ =	shalt  }
0x54: {  	_ =	shalt  }
0x55: {  	_ =	shalt  }
0x56: {  	_ =	shalt  }
0x57: {  	_ =	shalt  }
0x58: {  	_ =	shalt  }
0x59: {  	_ =	shalt  }
0x5a: {  	_ =	shalt  }
0x5b: {  	_ =	shalt  }
0x5c: {  	_ =	shalt  }
0x5d: {  	_ =	shalt  }
0x5e: {  	_ =	shalt  }
0x5f: {  	_ =	shalt  }
0x60: {  	_ =	shalt  }
0x61: {  	_ =	shalt  }
0x62: {  	_ =	shalt  }
0x63: {  	_ =	shalt  }
0x64: {  	_ =	shalt  }
0x65: {  	_ =	shalt  }
0x66: {  	_ =	shalt  }
0x67: {  	_ =	shalt  }
0x68: {  	_ =	shalt  }
0x69: {  	_ =	shalt  }
0x6a: {  	_ =	shalt  }
0x6b: {  	_ =	shalt  }
0x6c: {  	_ =	shalt  }
0x6d: {  	_ =	shalt  }
0x6e: {  	_ =	shalt  }
0x6f: {  	_ =	shalt  }
0x70: {  	_ =	shalt  }
0x71: {  	_ =	shalt  }
0x72: {  	_ =	shalt  }
0x73: {  	_ =	shalt  }
0x74: {  	_ =	shalt  }
0x75: {  	_ =	shalt  }
0x76: {  	_ =	shalt  }
0x77: {  	_ =	shalt  }
0x78: {  	_ =	shalt  }
0x79: {  	_ =	shalt  }
0x7a: {  	_ =	shalt  }
0x7b: {  	_ =	shalt  }
0x7c: {  	_ =	shalt  }
0x7d: {  	_ =	shalt  }
0x7e: {  	_ =	shalt  }
0x7f: {  	_ =	shalt  }
0x80: {  	_ =	shalt  }
0x81: {  	_ =	shalt  }
0x82: {  	_ =	shalt  }
0x83: {  	_ =	shalt  }
0x84: {  	_ =	shalt  }
0x85: {  	_ =	shalt  }
0x86: {  	_ =	shalt  }
0x87: {  	_ =	shalt  }
.Lfunc_end0:
.L_simem_size_0:
called_computation_lowered:
.L_overlay_start_0:
0x88: {  	s2 =	sld [smem:$0x3FD9]  }
0x89: {  	s3 =	sld [smem:$0x3FFE];
	_ =	sdelay $0x1  }
0x8a: {  	s1 =	srdreg.scid  }
0x8b: {  	s0 =	sand.u32 $0x1, s1  }
0x8c: {  	s17 =	sshll.u32 s0, $0xA;
	s2 =	sadd.s32 s3, s2  }
0x8d: {  	s2 =	sadd.s32 s2, s17  }
0x8e: {  	[smem:$0x3FC0] =	sst s2  }
0x8f: {  	_ = 	snop  }
0x90: {  	s2 =	sld [smem:$0x3FD0];
	(tm) =	ssettm $0x1  }
0x91: {  	s18 =	sld [smem:$0x3FFB];
	_ =	sdelay $0x3  }
0x92: {  	_ =	strace s18  }
0x93: {  	s3 =	sld [smem:$0x3FFC];
	_ =	sdelay $0x3  }
0x94: {  	_ =	strace s3  }
0x95: {  	s3 =	sld [smem:$0x3FFD];
	_ =	sdelay $0x3  }
0x96: {  	_ =	strace s3  }
0x97: {  	_ =	strace $0x8FFFFFFF  }
0x98: {  	s19 =	sld [smem:$0x3FDB];
	_ =	sdelay $0x1  }
0x99: {  	s4 =	simm.s32 $_scs_section_size  }
0x9a: {  	s5 =	simm.s32 $_size__tile_overlayer_lowered;
	s6 =	simm.s32 $_tile_overlayer_lowered  }
0x9b: {  	s22 =	simm.s32 $0x1BFF;
	s21 =	sshll.u32 s6, $0x1;
	s3 =	sadd.s32 s4, s19  }
0x9c: {  	s7 =	simm.s32 $0x0;
	s20 =	sshll.u32 s5, $0x1;
	s5 =	sadd.s32 s21, s3  }
0x9d: {  	[timem:s7], [sflag:s22] =	dma.local [hbm:s5], s20  }
0x9e: {  	_ =	swait.ge [sflag:s22], s20  }
0x9f: {  	s4 =	ssub.s32 $0x0, s20;
	[sflag:s22] =	ssyncset.done $0x0  }
0xa0: {  	[sflag:s22] =	ssyncadd.s32 s4;
	_ =	sdelay $0x1  }
0xa1: {  	s23 =	simm.s32 $0x1B8B  }
0xa2: {  	_ =	swait.ge [sflag:s23], $0x1  }
0xa3: {  	[sflag:s23] =	ssyncset.done $0x0  }
0xa4: {  	s25 =	simm.s32 $0x1B8E;
	s24 =	sld [smem:$0x3FFE];
	[sflag:s23] =	ssyncadd.s32 $0xFFFFFFFF  }
0xa5: {  	s26 =	simm.s32 $execute0_lowered;
	[smem:$0x3FD2] =	sst s25  }
0xa6: {  	s5 =	sshll.u32 s26, $0x1;
	_ =	strace $0x80000046;
	[dreg:$0x1] =	wrdreg $0xFFFFFFFF  }
0xa7: {  	s28 =	simm.s32 $_size_execute0_lowered;
	s3 =	sadd.s32 s3, s5;
	[dreg:$0x0] =	wrdreg $0x0  }
0xa8: {  	s5 =	sshll.u32 s28, $0x1;
	[dreg:$0x2] =	wrdreg s3  }
0xa9: {  	[dreg:$0x3] =	wrdreg s5  }
0xaa: {  	[dreg:$0x4] =	wrdreg $0xC0  }
0xab: {  	_ =	task [dreg:s7], $0x5FFFF  }
0xac: {  	[dreg:$0x1] =	wrdreg $0xFFFFFFFF  }
0xad: {  	[dreg:$0x0] =	wrdreg $0x60  }
0xae: {  	[dreg:$0x2] =	wrdreg s24  }
0xaf: {  	[dreg:$0x3] =	wrdreg s2  }
0xb0: {  	[dreg:$0x4] =	wrdreg $0x37A00  }
0xb1: {  	[dreg:$0x5] =	wrdreg $0x9  }
0xb2: {  	_ =	task.clear_ibuf [dreg:s7], $0x6FFFF;
	_ =	strace $0x90000046  }
0xb3: {  	s29 =	simm.s32 $0x9;
	_ =	strace $0x80000048  }
0xb4: {  	_ =	swait.ge [sflag:s29], $0x1  }
0xb5: {  	[sflag:s29] =	ssyncadd.s32 $0xFFFFFFFF  }
0xb6: {  	_ =	strace $0x90000048  }
0xb7: {  	_ =	sfence  }
0xb8: {  	s30 =	sld [smem:$0x0];
	_ =	sdelay $0x2  }
0xb9: {  	s31 =	sshll.u32 s1, $0xD;
	s1 =	sshrl.u32 s1, $0x2  }
0xba: {  	s3 =	sand.u32 $0x4000, s31;
	s1 =	sadd.s32 s1, s30  }
0xbb: {  	s0 =	sor.u32 s3, s0;
	s1 =	sshll.u32 s1, $0x11  }
0xbc: {  	s0 =	sor.u32 s1, s0  }
0xbd: {  	s0 =	sadd.s32 $0x8F2B, s0  }
0xbe: {  	[sflag:s0] =	ssyncadd.remote.s32 $0x1  }
0xbf: {  	_ =	sfence.sel $0xFFFF  }
0xc0: {  	[dreg:$0x0] =	wrdreg $0xFFFFFFFF;
	(pc) =	sbr.abs _section_cstart, $3  }
0xc1: {  	[dreg:$0x1] =	wrdreg $0xFFFFFFFF  }
0xc2: {  	_ =	task.clear_ibuf [dreg:s7], $0x2FFFF;
	_ =	strace $0x9FFFFFFF  }
0xc3: {  	(tm) =	ssettm $0x7FFFFFFF  }
tec
execute0_lowered:
.L_overlay_start_1:
0x0: {  	(tag) =	ssettag $0x1  }
0x1: {  	s0 =	rddreg [dreg:$0x0]  }
0x2: {  	s1 =	srdreg.scid;
	s9 =	rddreg [dreg:$0x1]  }
0x3: {  	s2 =	rddreg [dreg:$0x2];
	s11 =	stileid.u32  }
0x4: {  	s3 =	simm.s32 $0x0;
	s13 =	simm.s32 $0x2;
	s14 =	simm.s32 $0x3  }
0x5: {  	s15 =	simm.s32 $0x4;
	s16 =	simm.s32 $0xFA;
	s29 =	simm.s32 $0x1C00  }
0x6: {  	s30 =	simm.s32 $0x1D00;
	s31 =	simm.s32 $0x1E00;
	s17 =	simm.s32 $0x2100  }
0x7: {  	s18 =	simm.s32 $0x2200;
	s19 =	simm.s32 $0x2300;
	s20 =	simm.s32 $0x2400  }
0x8: {  	s21 =	simm.s32 $0x2500;
	s22 =	simm.s32 $0x2600;
	s23 =	simm.s32 $0x2700  }
0x9: {  	s24 =	simm.s32 $0x1;
	s25 =	simm.s32 $0x5;
	s1 =	sand.u32 $0x1, s1  }
0xa: {  	[smem:$0x7FF] =	sst s3;
	s7 =	smul.u32 $0x2710, s11;
	s4 =	sshll.u32 s1, $0x4  }
0xb: {  	_ =	strace $0x80000047;
	s6 =	ssub.s32 $0x2, s1;
	s1 =	smul.u32 $0x27100, s1  }
0xc: {  	s4 =	sor.u32 s11, s4;
	s10 =	sshrl.u32 s6, $0x1;
	s28 =	sadd.s32 s7, s2  }
0xd: {  	s5 =	smul.u32 $0x2800, s4;
	s4 =	sadd.s32 $0x17000, s0;
	s10 =	ssub.s32 s6, s10  }
0xe: {  	s26 =	sadd.s32 s7, s1;
	s7 =	sshll.u32 s11, $0x6;
	s11 =	simm.s32 $0x2800  }
0xf: {  	s12 =	sshrl.u32 s28, $0x3;
	s1 =	simm.s32 $0x2000;
	s8 =	sshrl.u32 s5, $0x3  }
0x10: {  	s10 =	smax.u32 s10, $0x1;
	s5 =	sadd.s32 $0x16A00, s0;
	s0 =	sadd.s32 s0, s8  }
0x11: {  	s8 =	sor.u32 $0x1C04, s7;
	s6 =	sadd.s32 $0xCA00, s0;
	s0 =	sshrl.u32 s26, $0x3  }
0x12: {  	s26 =	simm.s32 $0x0;
	s9 =	sadd.s32 s9, s0;
	s0 =	simm.s32 $0x1F00  }
.LBB2_1:
0x13: {  	[tilespmem:s3], [sflag:$0x2] =	stream.linear.gather [hbm4b:s6+s3], $0x2800, $0x38;
	[tilespmem:$0x5EB0] =	vst v63  }
0x14: {  	_ = 	snop  }
0x15: {  	[tilespmem:s11], [sflag:$0x3] =	stream.linear.gather [hbm4b:s4+s3], $0xFA0, $0x38;
	[tilespmem:$0x5EB0] =	vst v63  }
0x16: {  	[spmem:s12], [sflag:s8] =	dma.local [hbm:s5], $0x4E2  }
0x17: {  	_ =	swait.ge [sflag:s13], $0x2800  }
0x18: {  	[sflag:s13] =	ssyncset.done $0x0  }
0x19: {  	[sflag:s13] =	ssyncadd.s32 $0xFFFFD800  }
0x1a: {  	_ =	swait.ge [sflag:s14], $0xFA0  }
0x1b: {  	[sflag:s14] =	ssyncset.done $0x0  }
0x1c: {  	[sflag:s14] =	ssyncadd.s32 $0xFFFFF060  }
0x1d: {  	_ =	swait.ge [sflag:s15], $0x4E2  }
0x1e: {  	[sflag:s15] =	ssyncset.done $0x0  }
0x1f: {  	[sflag:s15] =	ssyncadd.s32 $0xFFFFFB1E  }
0x20: {  	[bflag:$0x0] =	sbarrier.arrive $0xFFFF  }
0x21: {  	[spmem:s2] =	stream.indirect.scatter.add.f32 [tilespmem:s11], [sflag:$0x1], $0x10, s3, s16, $0xb8;
	[tilespmem:$0x5EB0] =	vst v63  }
0x22: {  	s28 =	simm.s32 $0x100  }
0x23: {  	[spmem:s2] =	stream.indirect.scatter.add.f32 [tilespmem:s11], [sflag:$0x1], $0x10, s28, s16, $0xb8;
	[tilespmem:$0x5EB0] =	vst v63  }
0x24: {  	s28 =	simm.s32 $0x200  }
0x25: {  	[spmem:s2] =	stream.indirect.scatter.add.f32 [tilespmem:s11], [sflag:$0x1], $0x10, s28, s16, $0xb8;
	[tilespmem:$0x5EB0] =	vst v63  }
0x26: {  	s28 =	simm.s32 $0x300  }
0x27: {  	[spmem:s2] =	stream.indirect.scatter.add.f32 [tilespmem:s11], [sflag:$0x1], $0x10, s28, s16, $0xb8;
	[tilespmem:$0x5EB0] =	vst v63  }
0x28: {  	s28 =	simm.s32 $0x400  }
0x29: {  	[spmem:s2] =	stream.indirect.scatter.add.f32 [tilespmem:s11], [sflag:$0x1], $0x10, s28, s16, $0xb8;
	[tilespmem:$0x5EB0] =	vst v63  }
0x2a: {  	s28 =	simm.s32 $0x500  }
0x2b: {  	[spmem:s2] =	stream.indirect.scatter.add.f32 [tilespmem:s11], [sflag:$0x1], $0x10, s28, s16, $0xb8;
	[tilespmem:$0x5EB0] =	vst v63  }
0x2c: {  	s28 =	simm.s32 $0x600  }
0x2d: {  	[spmem:s2] =	stream.indirect.scatter.add.f32 [tilespmem:s11], [sflag:$0x1], $0x10, s28, s16, $0xb8;
	[tilespmem:$0x5EB0] =	vst v63  }
0x2e: {  	s28 =	simm.s32 $0x700  }
0x2f: {  	[spmem:s2] =	stream.indirect.scatter.add.f32 [tilespmem:s11], [sflag:$0x1], $0x10, s28, s16, $0xb8;
	[tilespmem:$0x5EB0] =	vst v63  }
0x30: {  	s28 =	simm.s32 $0x800  }
0x31: {  	[spmem:s2] =	stream.indirect.scatter.add.f32 [tilespmem:s11], [sflag:$0x1], $0x10, s28, s16, $0xb8;
	[tilespmem:$0x5EB0] =	vst v63  }
0x32: {  	s28 =	simm.s32 $0x900  }
0x33: {  	[spmem:s2] =	stream.indirect.scatter.add.f32 [tilespmem:s11], [sflag:$0x1], $0x10, s28, s16, $0xb8;
	[tilespmem:$0x5EB0] =	vst v63  }
0x34: {  	s28 =	simm.s32 $0xA00  }
0x35: {  	[spmem:s2] =	stream.indirect.scatter.add.f32 [tilespmem:s11], [sflag:$0x1], $0x10, s28, s16, $0xb8;
	[tilespmem:$0x5EB0] =	vst v63  }
0x36: {  	s28 =	simm.s32 $0xB00  }
0x37: {  	[spmem:s2] =	stream.indirect.scatter.add.f32 [tilespmem:s11], [sflag:$0x1], $0x10, s28, s16, $0xb8;
	[tilespmem:$0x5EB0] =	vst v63  }
0x38: {  	s28 =	simm.s32 $0xC00  }
0x39: {  	[spmem:s2] =	stream.indirect.scatter.add.f32 [tilespmem:s11], [sflag:$0x1], $0x10, s28, s16, $0xb8;
	[tilespmem:$0x5EB0] =	vst v63  }
0x3a: {  	s28 =	simm.s32 $0xD00  }
0x3b: {  	[spmem:s2] =	stream.indirect.scatter.add.f32 [tilespmem:s11], [sflag:$0x1], $0x10, s28, s16, $0xb8;
	[tilespmem:$0x5EB0] =	vst v63  }
0x3c: {  	s28 =	simm.s32 $0xE00  }
0x3d: {  	[spmem:s2] =	stream.indirect.scatter.add.f32 [tilespmem:s11], [sflag:$0x1], $0x10, s28, s16, $0xb8;
	[tilespmem:$0x5EB0] =	vst v63  }
0x3e: {  	s28 =	simm.s32 $0xF00  }
0x3f: {  	[spmem:s2] =	stream.indirect.scatter.add.f32 [tilespmem:s11], [sflag:$0x1], $0x10, s28, s16, $0xb8;
	[tilespmem:$0x5EB0] =	vst v63  }
0x40: {  	s28 =	simm.s32 $0x1000  }
0x41: {  	[spmem:s2] =	stream.indirect.scatter.add.f32 [tilespmem:s11], [sflag:$0x1], $0x10, s28, s16, $0xb8;
	[tilespmem:$0x5EB0] =	vst v63  }
0x42: {  	s28 =	simm.s32 $0x1100  }
0x43: {  	[spmem:s2] =	stream.indirect.scatter.add.f32 [tilespmem:s11], [sflag:$0x1], $0x10, s28, s16, $0xb8;
	[tilespmem:$0x5EB0] =	vst v63  }
0x44: {  	s28 =	simm.s32 $0x1200  }
0x45: {  	[spmem:s2] =	stream.indirect.scatter.add.f32 [tilespmem:s11], [sflag:$0x1], $0x10, s28, s16, $0xb8;
	[tilespmem:$0x5EB0] =	vst v63  }
0x46: {  	s28 =	simm.s32 $0x1300  }
0x47: {  	[spmem:s2] =	stream.indirect.scatter.add.f32 [tilespmem:s11], [sflag:$0x1], $0x10, s28, s16, $0xb8;
	[tilespmem:$0x5EB0] =	vst v63  }
0x48: {  	s28 =	simm.s32 $0x1400  }
0x49: {  	[spmem:s2] =	stream.indirect.scatter.add.f32 [tilespmem:s11], [sflag:$0x1], $0x10, s28, s16, $0xb8;
	[tilespmem:$0x5EB0] =	vst v63  }
0x4a: {  	s28 =	simm.s32 $0x1500  }
0x4b: {  	[spmem:s2] =	stream.indirect.scatter.add.f32 [tilespmem:s11], [sflag:$0x1], $0x10, s28, s16, $0xb8;
	[tilespmem:$0x5EB0] =	vst v63  }
0x4c: {  	s28 =	simm.s32 $0x1600  }
0x4d: {  	[spmem:s2] =	stream.indirect.scatter.add.f32 [tilespmem:s11], [sflag:$0x1], $0x10, s28, s16, $0xb8;
	[tilespmem:$0x5EB0] =	vst v63  }
0x4e: {  	s28 =	simm.s32 $0x1700  }
0x4f: {  	[spmem:s2] =	stream.indirect.scatter.add.f32 [tilespmem:s11], [sflag:$0x1], $0x10, s28, s16, $0xb8;
	[tilespmem:$0x5EB0] =	vst v63  }
0x50: {  	s28 =	simm.s32 $0x1800  }
0x51: {  	[spmem:s2] =	stream.indirect.scatter.add.f32 [tilespmem:s11], [sflag:$0x1], $0x10, s28, s16, $0xb8;
	[tilespmem:$0x5EB0] =	vst v63  }
0x52: {  	s28 =	simm.s32 $0x1900  }
0x53: {  	[spmem:s2] =	stream.indirect.scatter.add.f32 [tilespmem:s11], [sflag:$0x1], $0x10, s28, s16, $0xb8;
	[tilespmem:$0x5EB0] =	vst v63  }
0x54: {  	s28 =	simm.s32 $0x1A00  }
0x55: {  	[spmem:s2] =	stream.indirect.scatter.add.f32 [tilespmem:s11], [sflag:$0x1], $0x10, s28, s16, $0xb8;
	[tilespmem:$0x5EB0] =	vst v63  }
0x56: {  	s28 =	simm.s32 $0x1B00  }
0x57: {  	[spmem:s2] =	stream.indirect.scatter.add.f32 [tilespmem:s11], [sflag:$0x1], $0x10, s28, s16, $0xb8;
	[tilespmem:$0x5EB0] =	vst v63  }
0x58: {  	_ = 	snop  }
0x59: {  	[spmem:s2] =	stream.indirect.scatter.add.f32 [tilespmem:s11], [sflag:$0x1], $0x10, s29, s16, $0xb8;
	[tilespmem:$0x5EB0] =	vst v63  }
0x5a: {  	_ = 	snop  }
0x5b: {  	[spmem:s2] =	stream.indirect.scatter.add.f32 [tilespmem:s11], [sflag:$0x1], $0x10, s30, s16, $0xb8;
	[tilespmem:$0x5EB0] =	vst v63  }
0x5c: {  	_ = 	snop  }
0x5d: {  	[spmem:s2] =	stream.indirect.scatter.add.f32 [tilespmem:s11], [sflag:$0x1], $0x10, s31, s16, $0xb8;
	[tilespmem:$0x5EB0] =	vst v63  }
0x5e: {  	_ = 	snop  }
0x5f: {  	[spmem:s2] =	stream.indirect.scatter.add.f32 [tilespmem:s11], [sflag:$0x1], $0x10, s0, s16, $0xb8;
	[tilespmem:$0x5EB0] =	vst v63  }
0x60: {  	_ = 	snop  }
0x61: {  	[spmem:s2] =	stream.indirect.scatter.add.f32 [tilespmem:s11], [sflag:$0x1], $0x10, s1, s16, $0xb8;
	[tilespmem:$0x5EB0] =	vst v63  }
0x62: {  	_ = 	snop  }
0x63: {  	[spmem:s2] =	stream.indirect.scatter.add.f32 [tilespmem:s11], [sflag:$0x1], $0x10, s17, s16, $0xb8;
	[tilespmem:$0x5EB0] =	vst v63  }
0x64: {  	_ = 	snop  }
0x65: {  	[spmem:s2] =	stream.indirect.scatter.add.f32 [tilespmem:s11], [sflag:$0x1], $0x10, s18, s16, $0xb8;
	[tilespmem:$0x5EB0] =	vst v63  }
0x66: {  	_ = 	snop  }
0x67: {  	[spmem:s2] =	stream.indirect.scatter.add.f32 [tilespmem:s11], [sflag:$0x1], $0x10, s19, s16, $0xb8;
	[tilespmem:$0x5EB0] =	vst v63  }
0x68: {  	_ = 	snop  }
0x69: {  	[spmem:s2] =	stream.indirect.scatter.add.f32 [tilespmem:s11], [sflag:$0x1], $0x10, s20, s16, $0xb8;
	[tilespmem:$0x5EB0] =	vst v63  }
0x6a: {  	_ = 	snop  }
0x6b: {  	[spmem:s2] =	stream.indirect.scatter.add.f32 [tilespmem:s11], [sflag:$0x1], $0x10, s21, s16, $0xb8;
	[tilespmem:$0x5EB0] =	vst v63  }
0x6c: {  	_ = 	snop  }
0x6d: {  	[spmem:s2] =	stream.indirect.scatter.add.f32 [tilespmem:s11], [sflag:$0x1], $0x10, s22, s16, $0xb8;
	[tilespmem:$0x5EB0] =	vst v63  }
0x6e: {  	_ = 	snop  }
0x6f: {  	[spmem:s2] =	stream.indirect.scatter.add.f32 [tilespmem:s11], [sflag:$0x1], $0x10, s23, s16, $0xb8;
	[tilespmem:$0x5EB0] =	vst v63  }
0x70: {  	_ =	swait.ge [sflag:s24], $0xFA0  }
0x71: {  	s28 =	simm.s32 $0x27;
	[sflag:s24] =	ssyncset.done $0x0  }
.LBB2_2:
0x72: {  	p0 =	sne.s32 s28, $0x1;
	s28 =	sadd.s32 $0xFFFFFFFF, s28;
	[sflag:s24] =	ssyncadd.s32 $0xFFFFF060  }
.Ltmp0:
0x73: {  	(pc) =	sbr.rel @p0 .LBB2_2-.Ltmp0, $3  }
0x74: {  	_ =	sdelay $0x1  }
0x75: {  	_ =	swait.ge [sflag:s24], $0xFA0  }
0x76: {  	[sflag:s24] =	ssyncset.done $0x0  }
0x77: {  	s26 =	sadd.s32 $0x1, s26  }
0x78: {  	[sflag:s24] =	ssyncadd.s32 $0xFFFFF060;
	p0 =	sne.s32 s26, s10  }
.Ltmp1:
0x79: {  	s28 =	sor.u32 $0x1C05, s7;
	[bflag:$0x0] =	sbarrier.arrive $0xFFFF;
	(pc) =	sbr.rel @p0 .LBB2_1-.Ltmp1, $4  }
0x7a: {  	[hbm:s9], [sflag:s28] =	dma.local [spmem:s12], $0x4E2  }
0x7b: {  	_ =	swait.ge [sflag:s25], $0x4E2  }
0x7c: {  	[sflag:s25] =	ssyncset.done $0x0  }
0x7d: {  	[sflag:s25] =	ssyncadd.s32 $0xFFFFFB1E  }
0x7e: {  	_ =	sfence.sel $0x180000  }
0x7f: {  	[bflag:$0x0] =	sbarrier.arrive $0xFFFF  }
0x80: {  	_ =	strace $0x90000047  }
0x81: {  	s0 =	stileid.u32;
	[bflag:$0x2] =	sbarrier.arrive $0xFFFF  }
0x82: {  	p0 =	sne.s32 s0, $0x0;
	s0 =	rddreg [dreg:$0x3]  }
0x83: {  	s0 =	sadd.s32 @!p0 $0x100000, s0  }
0x84: {  	[sflag:s0] =	ssyncadd.tile.s32 @!p0 $0x1;
	_ =	shalt  }
.Lfunc_end2:
_tile_overlayer_lowered:
.L_overlay_start_2:
0x85: {  	(tag) =	ssettag $0x2  }
0x86: {  	s0 =	rddreg [dreg:$0x0];
	s2 =	stileid.u32  }
0x87: {  	s1 =	rddreg [dreg:$0x1];
	p0 =	sne.s32 s2, $0x0  }
0x88: {  	s3 =	rddreg [dreg:$0x2];
	[bflag:$0x3] =	sbarrier.arrive $0xFFFF;
	s2 =	simm.s32 @!p0 $0x1C05  }
0x89: {  	[timem:s3], [sflag:s2] =	dma.local @!p0 [hbm:s0], s1  }
0x8a: {  	s0 =	simm.s32 @!p0 $0x5  }
0x8b: {  	_ =	swait.ge @!p0 [sflag:s0], s1  }
0x8c: {  	s1 =	ssub.s32 @!p0 $0x0, s1;
	[sflag:s0] =	ssyncset.done @!p0 $0x0  }
0x8d: {  	[sflag:s0] =	ssyncadd.s32 @!p0 s1  }
0x8e: {  	[bflag:$0x3] =	sbarrier.arrive $0xFFFF  }
0x8f: {  	_ =	shalt  }

// kernel: kernel.13.cloned.1.call-start
scs
__scs_entry_jumppad:
0x0: {  	(pc) =	sbr.rel $0x88, $3  }
0x1: {  	(tag) =	ssettag $0x0;
	lr =	simm.s32 $0x1  }
0x2: {  	[smem:$0x3F99] =	sst lr;
	_ =	strace $0xD0000000  }
0x3: {  	_ = 	snop  }
0x4: {  	_ = 	snop  }
0x5: {  	_ = 	snop  }
0x6: {  	_ = 	snop  }
0x7: {  	_ = 	snop  }
__scs_overlays_trampoline_lowered:
0x8: {  	[smem:$0x3FA8] =	sst s0  }
0x9: {  	[smem:$0x3FA9] =	sst s1  }
0xa: {  	[smem:$0x3FAA] =	sst s2  }
0xb: {  	[smem:$0x3FAB] =	sst s3  }
0xc: {  	[smem:$0x3FAC] =	sst s4  }
0xd: {  	[smem:$0x3FAD] =	sst s5  }
0xe: {  	[smem:$0x3FAE] =	sst s6  }
0xf: {  	[smem:$0x3FAF] =	sst s7  }
0x10: {  	[smem:$0x3FB0] =	sst s8  }
0x11: {  	[smem:$0x3FB1] =	sst s9;
	s0 =	simm.s32 @!p0 $0x0  }
0x12: {  	s1 =	sld [smem:$0x3F97];
	s0 =	simm.s32 @p0 $0x1  }
0x13: {  	[smem:$0x3FB2] =	sst s0;
	s0 =	simm.s32 @!p1 $0x0  }
0x14: {  	s2 =	sld [smem:$0x3F96];
	s0 =	simm.s32 @p1 $0x1  }
0x15: {  	[smem:$0x3FB3] =	sst s0;
	s0 =	simm.s32 @!p2 $0x0  }
0x16: {  	s3 =	sld [smem:$0x3FDB];
	s0 =	simm.s32 @p2 $0x1  }
0x17: {  	s4 =	simm.s32 $0x1BF5;
	[smem:$0x3FB5] =	sst s0  }
0x18: {  	s0 =	sld [smem:$0x3F98];
	_ =	swait.ge [sflag:s4], $0x0  }
0x19: {  	s7 =	sld [smem:$0x3F99]  }
0x1a: {  	s8 =	sadd.s32 $0xFFFFE003, lr  }
0x1b: {  	s9 =	sadd.s32 $0xFFFFFEF7, lr;
	s5 =	simm.s32 $0xFFFFFFFF;
	p2 =	slt.u32 s8, $0xFFFFF086  }
0x1c: {  	p1 =	slt.u32 s9, $0xF7A;
	s5 =	simm.s32 @!p2 $0x0  }
0x1d: {  	s5 =	simm.s32 @p1 $0x1;
	p0 =	seq.s32 s7, s2  }
0x1e: {  	s7 =	smul.u32 @!p0 $0xF7A, s2;
	p2 =	seq.s32 @!p0 s5, $0x0  }
0x1f: {  	s9 =	smul.u32 $0xF7A, s1;
	s8 =	simm.s32 @!p0 $0x1BF5;
	p2 =	por !p2, p0  }
0x20: {  	[sflag:s8] =	ssyncset.s32 @!p0 $0xFFFFF086;
	s6 =	sadd.s32 @!p0 s3, s7;
	s7 =	simm.s32 @!p0 $0x108  }
0x21: {  	s3 =	sadd.s32 s3, s9;
	s6 =	sadd.s32 @!p0 $0x88, s6;
	s7 =	simm.s32 @p2 $0x1082  }
0x22: {  	[simem:s7], [sflag:s8] =	dma.local @!p0 [hbm:s6], $0xF7A  }
0x23: {  	s9 =	sor.u32 $0xD0000000, s2;
	s6 =	simm.s32 $0x108;
	_ =	swait.ge @!p0 [sflag:s8], $0x0  }
0x24: {  	s3 =	sadd.s32 $0x88, s3;
	s6 =	simm.s32 @!p1 $0x1082;
	[sflag:s4] =	ssyncset.s32 $0xFFFFF086  }
0x25: {  	[simem:s6], [sflag:s4] =	dma.local [hbm:s3], $0xF7A  }
0x26: {  	[smem:$0x3F99] =	sst s1;
	(tag) =	ssettag s2;
	_ =	strace s9  }
0x27: {  	s1 =	sld [smem:$0x3FA9]  }
0x28: {  	s2 =	sld [smem:$0x3FAA]  }
0x29: {  	s4 =	sld [smem:$0x3FAC]  }
0x2a: {  	p0 =	seq.s32 s5, $0x0;
	s5 =	sld [smem:$0x3FAD]  }
0x2b: {  	s6 =	sld [smem:$0x3FAE]  }
0x2c: {  	s7 =	sld [smem:$0x3FAF]  }
0x2d: {  	s3 =	simm.s32 $0x108;
	s8 =	sld [smem:$0x3FB0]  }
0x2e: {  	s3 =	simm.s32 @!p0 $0x1082;
	s9 =	sld [smem:$0x3FB1]  }
0x2f: {  	lr =	sadd.s32 s0, s3;
	s0 =	sld [smem:$0x3FA8]  }
0x30: {  	s3 =	sld [smem:$0x3FAB]  }
0x31: {  	[smem:$0x3FB4] =	sst s10  }
0x32: {  	s10 =	sld [smem:$0x3FB2];
	_ =	sdelay $0x3  }
0x33: {  	p0 =	seq.s32 s10, $0x1;
	s10 =	sld [smem:$0x3FB4];
	_ =	sdelay $0x3  }
0x34: {  	[smem:$0x3FB4] =	sst s10  }
0x35: {  	s10 =	sld [smem:$0x3FB3];
	_ =	sdelay $0x3  }
0x36: {  	p1 =	seq.s32 s10, $0x1;
	s10 =	sld [smem:$0x3FB4];
	_ =	sdelay $0x3  }
0x37: {  	[smem:$0x3FB4] =	sst s10  }
0x38: {  	s10 =	sld [smem:$0x3FB5]  }
0x39: {  	_ = 	snop;
	(pc) =	sbr.ind lr, $3  }
0x3a: {  	_ = 	snop  }
0x3b: {  	_ = 	snop  }
0x3c: {  	p2 =	seq.s32 s10, $0x1;
	s10 =	sld [smem:$0x3FB4]  }
0x3d: {  	_ =	shalt  }
0x3e: {  	_ =	shalt  }
0x3f: {  	_ =	shalt  }
0x40: {  	_ =	shalt  }
0x41: {  	_ =	shalt  }
0x42: {  	_ =	shalt  }
0x43: {  	_ =	shalt  }
0x44: {  	_ =	shalt  }
0x45: {  	_ =	shalt  }
0x46: {  	_ =	shalt  }
0x47: {  	_ =	shalt  }
0x48: {  	_ =	shalt  }
0x49: {  	_ =	shalt  }
0x4a: {  	_ =	shalt  }
0x4b: {  	_ =	shalt  }
0x4c: {  	_ =	shalt  }
0x4d: {  	_ =	shalt  }
0x4e: {  	_ =	shalt  }
0x4f: {  	_ =	shalt  }
0x50: {  	_ =	shalt  }
0x51: {  	_ =	shalt  }
0x52: {  	_ =	shalt  }
0x53: {  	_ =	shalt  }
0x54: {  	_ =	shalt  }
0x55: {  	_ =	shalt  }
0x56: {  	_ =	shalt  }
0x57: {  	_ =	shalt  }
0x58: {  	_ =	shalt  }
0x59: {  	_ =	shalt  }
0x5a: {  	_ =	shalt  }
0x5b: {  	_ =	shalt  }
0x5c: {  	_ =	shalt  }
0x5d: {  	_ =	shalt  }
0x5e: {  	_ =	shalt  }
0x5f: {  	_ =	shalt  }
0x60: {  	_ =	shalt  }
0x61: {  	_ =	shalt  }
0x62: {  	_ =	shalt  }
0x63: {  	_ =	shalt  }
0x64: {  	_ =	shalt  }
0x65: {  	_ =	shalt  }
0x66: {  	_ =	shalt  }
0x67: {  	_ =	shalt  }
0x68: {  	_ =	shalt  }
0x69: {  	_ =	shalt  }
0x6a: {  	_ =	shalt  }
0x6b: {  	_ =	shalt  }
0x6c: {  	_ =	shalt  }
0x6d: {  	_ =	shalt  }
0x6e: {  	_ =	shalt  }
0x6f: {  	_ =	shalt  }
0x70: {  	_ =	shalt  }
0x71: {  	_ =	shalt  }
0x72: {  	_ =	shalt  }
0x73: {  	_ =	shalt  }
0x74: {  	_ =	shalt  }
0x75: {  	_ =	shalt  }
0x76: {  	_ =	shalt  }
0x77: {  	_ =	shalt  }
0x78: {  	_ =	shalt  }
0x79: {  	_ =	shalt  }
0x7a: {  	_ =	shalt  }
0x7b: {  	_ =	shalt  }
0x7c: {  	_ =	shalt  }
0x7d: {  	_ =	shalt  }
0x7e: {  	_ =	shalt  }
0x7f: {  	_ =	shalt  }
0x80: {  	_ =	shalt  }
0x81: {  	_ =	shalt  }
0x82: {  	_ =	shalt  }
0x83: {  	_ =	shalt  }
0x84: {  	_ =	shalt  }
0x85: {  	_ =	shalt  }
0x86: {  	_ =	shalt  }
0x87: {  	_ =	shalt  }
.Lfunc_end0:
.L_simem_size_0:
called_computation.1_lowered:
.L_overlay_start_0:
0x88: {  	s2 =	sld [smem:$0x3FD9]  }
0x89: {  	s3 =	sld [smem:$0x3FFE];
	_ =	sdelay $0x1  }
0x8a: {  	s1 =	srdreg.scid  }
0x8b: {  	s0 =	sand.u32 $0x1, s1  }
0x8c: {  	s17 =	sshll.u32 s0, $0xA;
	s2 =	sadd.s32 s3, s2  }
0x8d: {  	s2 =	sadd.s32 s2, s17  }
0x8e: {  	[smem:$0x3FC0] =	sst s2  }
0x8f: {  	_ = 	snop  }
0x90: {  	s2 =	sld [smem:$0x3FD0];
	(tm) =	ssettm $0x1  }
0x91: {  	s18 =	sld [smem:$0x3FFB];
	_ =	sdelay $0x3  }
0x92: {  	_ =	strace s18  }
0x93: {  	s3 =	sld [smem:$0x3FFC];
	_ =	sdelay $0x3  }
0x94: {  	_ =	strace s3  }
0x95: {  	s3 =	sld [smem:$0x3FFD];
	_ =	sdelay $0x3  }
0x96: {  	_ =	strace s3  }
0x97: {  	_ =	strace $0x8FFFFFFF  }
0x98: {  	s19 =	sld [smem:$0x3FDB];
	_ =	sdelay $0x1  }
0x99: {  	s4 =	simm.s32 $_scs_section_size  }
0x9a: {  	s5 =	simm.s32 $_size__tile_overlayer_lowered;
	s6 =	simm.s32 $_tile_overlayer_lowered  }
0x9b: {  	s22 =	simm.s32 $0x1BFF;
	s21 =	sshll.u32 s6, $0x1;
	s3 =	sadd.s32 s4, s19  }
0x9c: {  	s7 =	simm.s32 $0x0;
	s20 =	sshll.u32 s5, $0x1;
	s5 =	sadd.s32 s21, s3  }
0x9d: {  	[timem:s7], [sflag:s22] =	dma.local [hbm:s5], s20  }
0x9e: {  	_ =	swait.ge [sflag:s22], s20  }
0x9f: {  	s4 =	ssub.s32 $0x0, s20;
	[sflag:s22] =	ssyncset.done $0x0  }
0xa0: {  	[sflag:s22] =	ssyncadd.s32 s4;
	_ =	sdelay $0x1  }
0xa1: {  	s23 =	simm.s32 $0x1B8B  }
0xa2: {  	_ =	swait.ge [sflag:s23], $0x1  }
0xa3: {  	[sflag:s23] =	ssyncset.done $0x0  }
0xa4: {  	s25 =	simm.s32 $0x1B8E;
	s24 =	sld [smem:$0x3FFE];
	[sflag:s23] =	ssyncadd.s32 $0xFFFFFFFF  }
0xa5: {  	s26 =	simm.s32 $execute0_lowered;
	[smem:$0x3FD2] =	sst s25  }
0xa6: {  	s5 =	sshll.u32 s26, $0x1;
	_ =	strace $0x80000049;
	[dreg:$0x1] =	wrdreg $0xFFFFFFFF  }
0xa7: {  	s28 =	simm.s32 $_size_execute0_lowered;
	s3 =	sadd.s32 s3, s5;
	[dreg:$0x0] =	wrdreg $0x0  }
0xa8: {  	s5 =	sshll.u32 s28, $0x1;
	[dreg:$0x2] =	wrdreg s3  }
0xa9: {  	[dreg:$0x3] =	wrdreg s5  }
0xaa: {  	[dreg:$0x4] =	wrdreg $0xC0  }
0xab: {  	_ =	task [dreg:s7], $0x5FFFF  }
0xac: {  	[dreg:$0x1] =	wrdreg $0xFFFFFFFF  }
0xad: {  	[dreg:$0x0] =	wrdreg $0x60  }
0xae: {  	[dreg:$0x2] =	wrdreg s2  }
0xaf: {  	[dreg:$0x3] =	wrdreg s24  }
0xb0: {  	[dreg:$0x4] =	wrdreg $0xCD000  }
0xb1: {  	[dreg:$0x5] =	wrdreg $0x11B200  }
0xb2: {  	[dreg:$0x6] =	wrdreg $0x9  }
0xb3: {  	_ =	task.clear_ibuf [dreg:s7], $0x7FFFF;
	_ =	strace $0x90000049  }
0xb4: {  	s29 =	simm.s32 $0x9;
	_ =	strace $0x8000004B  }
0xb5: {  	_ =	swait.ge [sflag:s29], $0x1  }
0xb6: {  	[sflag:s29] =	ssyncadd.s32 $0xFFFFFFFF  }
0xb7: {  	_ =	strace $0x9000004B  }
0xb8: {  	_ =	sfence  }
0xb9: {  	s30 =	sld [smem:$0x0];
	_ =	sdelay $0x2  }
0xba: {  	s31 =	sshll.u32 s1, $0xD;
	s1 =	sshrl.u32 s1, $0x2  }
0xbb: {  	s3 =	sand.u32 $0x4000, s31;
	s1 =	sadd.s32 s1, s30  }
0xbc: {  	s0 =	sor.u32 s3, s0;
	s1 =	sshll.u32 s1, $0x11  }
0xbd: {  	s0 =	sor.u32 s1, s0  }
0xbe: {  	s0 =	sadd.s32 $0x8F2B, s0  }
0xbf: {  	[sflag:s0] =	ssyncadd.remote.s32 $0x1  }
0xc0: {  	_ =	sfence.sel $0xFFFF  }
0xc1: {  	[dreg:$0x0] =	wrdreg $0xFFFFFFFF;
	(pc) =	sbr.abs _section_cstart, $3  }
0xc2: {  	[dreg:$0x1] =	wrdreg $0xFFFFFFFF  }
0xc3: {  	_ =	task.clear_ibuf [dreg:s7], $0x2FFFF;
	_ =	strace $0x9FFFFFFF  }
0xc4: {  	(tm) =	ssettm $0x7FFFFFFF  }
0xc5: {  	_ =	shalt  }
tec
execute0_lowered:
.L_overlay_start_1:
0x0: {  	(tag) =	ssettag $0x1  }
0x1: {  	s0 =	srdreg.scid;
	s1 =	rddreg [dreg:$0x0]  }
0x2: {  	s9 =	stileid.u32;
	s5 =	rddreg [dreg:$0x1]  }
0x3: {  	s4 =	simm.s32 $0x0;
	s13 =	simm.s32 $0x2800;
	s17 =	simm.s32 $0x1  }
0x4: {  	s18 =	simm.s32 $0x2;
	s19 =	simm.s32 $0x3;
	s20 =	simm.s32 $0x4  }
0x5: {  	s21 =	simm.s32 $0xFA;
	s22 =	simm.s32 $0x5000;
	s30 =	simm.s32 $0xADC0  }
0x6: {  	s31 =	simm.s32 $0x5;
	s23 =	simm.s32 $0x8;
	s29 =	simm.s32 $0x9  }
0x7: {  	s0 =	sand.u32 $0x1, s0;
	s10 =	smul.u32 $0x4E20, s9;
	[smem:$0x7FF] =	sst s4  }
0x8: {  	s25 =	sadd.s32 $0x17000, s5;
	s2 =	sshll.u32 s0, $0x4;
	s7 =	smul.u32 $0x4E200, s0  }
0x9: {  	s0 =	ssub.s32 $0x2, s0;
	s3 =	sor.u32 s9, s2;
	s2 =	rddreg [dreg:$0x2]  }
0xa: {  	s26 =	sshrl.u32 s0, $0x1;
	s11 =	sshrl.u32 s10, $0x3;
	s6 =	smul.u32 $0x2800, s3  }
0xb: {  	s3 =	rddreg [dreg:$0x3];
	_ =	strace $0x8000004A;
	s7 =	sadd.s32 s10, s7  }
0xc: {  	[dreg:$0x5] =	wrdreg s25;
	s0 =	ssub.s32 s0, s26;
	s14 =	sadd.s32 s10, s2  }
0xd: {  	s26 =	simm.s32 $0x8E80;
	s25 =	simm.s32 $0x0;
	s24 =	sshrl.u32 s7, $0x3  }
0xe: {  	s16 =	sadd.s32 s10, s3;
	s10 =	sadd.s32 s1, s11;
	s12 =	smax.u32 s0, $0x1  }
0xf: {  	s14 =	sshrl.u32 s14, $0x3;
	s1 =	simm.s32 $0x6;
	s6 =	sshrl.u32 s6, $0x3  }
0x10: {  	s0 =	simm.s32 $0x7;
	s16 =	sshrl.u32 s16, $0x3;
	s8 =	sadd.s32 s6, s5  }
0x11: {  	s5 =	sadd.s32 s24, s5;
	s24 =	simm.s32 $0x6F40;
	s28 =	sadd.s32 $0x2A00, s8  }
0x12: {  	s7 =	sadd.s32 $0xCA00, s8;
	s8 =	sshll.u32 s9, $0x6;
	s11 =	sadd.s32 $0x17A00, s5  }
0x13: {  	[dreg:$0x6] =	wrdreg s28;
	s9 =	sor.u32 $0x1C03, s8;
	s15 =	sor.u32 $0x1C04, s8  }
.LBB2_1:
0x14: {  	s5 =	rddreg [dreg:$0x6]  }
0x15: {  	[tilespmem:s4], [sflag:$0x1] =	stream.linear.gather [hbm4b:s5+s4], $0x2800, $0x38;
	[tilespmem:$0x16940] =	vst v63  }
0x16: {  	s6 =	rddreg [dreg:$0x5]  }
0x17: {  	[tilespmem:s13], [sflag:$0x2] =	stream.linear.gather [hbm4b:s7+s4], $0x2800, $0x38;
	[tilespmem:$0x16940] =	vst v63  }
0x18: {  	[spmem:s14], [sflag:s9] =	dma.local [hbm:s6], $0x9C4  }
0x19: {  	[spmem:s16], [sflag:s15] =	dma.local [hbm:s10], $0x9C4  }
0x1a: {  	_ =	swait.ge [sflag:s17], $0x2800  }
0x1b: {  	[sflag:s17] =	ssyncset.done $0x0  }
0x1c: {  	[sflag:s17] =	ssyncadd.s32 $0xFFFFD800  }
0x1d: {  	_ =	swait.ge [sflag:s18], $0x2800  }
0x1e: {  	[sflag:s18] =	ssyncset.done $0x0  }
0x1f: {  	[sflag:s18] =	ssyncadd.s32 $0xFFFFD800  }
0x20: {  	_ =	swait.ge [sflag:s19], $0x9C4  }
0x21: {  	[sflag:s19] =	ssyncset.done $0x0  }
0x22: {  	[sflag:s19] =	ssyncadd.s32 $0xFFFFF63C  }
0x23: {  	_ =	swait.ge [sflag:s20], $0x9C4  }
0x24: {  	[sflag:s20] =	ssyncset.done $0x0  }
0x25: {  	[sflag:s20] =	ssyncadd.s32 $0xFFFFF63C  }
0x26: {  	[bflag:$0x0] =	sbarrier.arrive $0xFFFF  }
0x27: {  	[tilespmem:s22], [sflag:$0x1] =	stream.indirect.gather [spmem:s3], $0x20, s4, s21, $0xb8;
	[tilespmem:$0x16940] =	vst v63  }
0x28: {  	s6 =	simm.s32 $0x100  }
0x29: {  	[tilespmem:s24], [sflag:$0x2] =	stream.indirect.gather [spmem:s3], $0x20, s6, s21, $0xb8;
	[tilespmem:$0x16940] =	vst v63  }
0x2a: {  	_ =	swait.ge [sflag:s17], $0x1F40  }
0x2b: {  	[sflag:s17] =	ssyncset.done $0x0  }
0x2c: {  	[sflag:s17] =	ssyncadd.s32 $0xFFFFE0C0  }
0x2d: {  	[spmem:s2] =	stream.indirect.scatter.add.f32 [tilespmem:s22], [sflag:$0x5], $0x20, s13, s21, $0xb8;
	[tilespmem:$0x16940] =	vst v63  }
0x2e: {  	s6 =	simm.s32 $0x200  }
0x2f: {  	[tilespmem:s26], [sflag:$0x3] =	stream.indirect.gather [spmem:s3], $0x20, s6, s21, $0xb8;
	[tilespmem:$0x16940] =	vst v63  }
0x30: {  	_ =	swait.ge [sflag:s18], $0x1F40  }
0x31: {  	[sflag:s18] =	ssyncset.done $0x0  }
0x32: {  	s6 =	simm.s32 $0x2900;
	[sflag:s18] =	ssyncadd.s32 $0xFFFFE0C0  }
0x33: {  	[spmem:s2] =	stream.indirect.scatter.add.f32 [tilespmem:s24], [sflag:$0x6], $0x20, s6, s21, $0xb8;
	[tilespmem:$0x16940] =	vst v63  }
0x34: {  	s6 =	simm.s32 $0x300  }
0x35: {  	[tilespmem:s30], [sflag:$0x4] =	stream.indirect.gather [spmem:s3], $0x20, s6, s21, $0xb8;
	[tilespmem:$0x16940] =	vst v63  }
0x36: {  	_ =	swait.ge [sflag:s19], $0x1F40  }
0x37: {  	[sflag:s19] =	ssyncset.done $0x0  }
0x38: {  	s6 =	simm.s32 $0x2A00;
	[sflag:s19] =	ssyncadd.s32 $0xFFFFE0C0  }
0x39: {  	[spmem:s2] =	stream.indirect.scatter.add.f32 [tilespmem:s26], [sflag:$0x7], $0x20, s6, s21, $0xb8;
	[tilespmem:$0x16940] =	vst v63  }
0x3a: {  	_ =	swait.ge [sflag:s31], $0x1F40  }
0x3b: {  	[sflag:s31] =	ssyncset.done $0x0  }
0x3c: {  	s6 =	simm.s32 $0x400;
	[sflag:s31] =	ssyncadd.s32 $0xFFFFE0C0  }
0x3d: {  	[tilespmem:s22], [sflag:$0x1] =	stream.indirect.gather [spmem:s3], $0x20, s6, s21, $0xb8;
	[tilespmem:$0x16940] =	vst v63  }
0x3e: {  	_ =	swait.ge [sflag:s20], $0x1F40  }
0x3f: {  	[sflag:s20] =	ssyncset.done $0x0  }
0x40: {  	s6 =	simm.s32 $0x2B00;
	[sflag:s20] =	ssyncadd.s32 $0xFFFFE0C0  }
0x41: {  	[spmem:s2] =	stream.indirect.scatter.add.f32 [tilespmem:s30], [sflag:$0x8], $0x20, s6, s21, $0xb8;
	[tilespmem:$0x16940] =	vst v63  }
0x42: {  	_ =	swait.ge [sflag:s1], $0x1F40  }
0x43: {  	[sflag:s1] =	ssyncset.done $0x0  }
0x44: {  	s6 =	simm.s32 $0x500;
	[sflag:s1] =	ssyncadd.s32 $0xFFFFE0C0  }
0x45: {  	[tilespmem:s24], [sflag:$0x2] =	stream.indirect.gather [spmem:s3], $0x20, s6, s21, $0xb8;
	[tilespmem:$0x16940] =	vst v63  }
0x46: {  	_ =	swait.ge [sflag:s17], $0x1F40  }
0x47: {  	[sflag:s17] =	ssyncset.done $0x0  }
0x48: {  	s6 =	simm.s32 $0x2C00;
	[sflag:s17] =	ssyncadd.s32 $0xFFFFE0C0  }
0x49: {  	[spmem:s2] =	stream.indirect.scatter.add.f32 [tilespmem:s22], [sflag:$0x5], $0x20, s6, s21, $0xb8;
	[tilespmem:$0x16940] =	vst v63  }
0x4a: {  	_ =	swait.ge [sflag:s0], $0x1F40  }
0x4b: {  	[sflag:s0] =	ssyncset.done $0x0  }
0x4c: {  	s6 =	simm.s32 $0x600;
	[sflag:s0] =	ssyncadd.s32 $0xFFFFE0C0  }
0x4d: {  	[tilespmem:s26], [sflag:$0x3] =	stream.indirect.gather [spmem:s3], $0x20, s6, s21, $0xb8;
	[tilespmem:$0x16940] =	vst v63  }
0x4e: {  	_ =	swait.ge [sflag:s18], $0x1F40  }
0x4f: {  	[sflag:s18] =	ssyncset.done $0x0  }
0x50: {  	s6 =	simm.s32 $0x2D00;
	[sflag:s18] =	ssyncadd.s32 $0xFFFFE0C0  }
0x51: {  	[spmem:s2] =	stream.indirect.scatter.add.f32 [tilespmem:s24], [sflag:$0x6], $0x20, s6, s21, $0xb8;
	[tilespmem:$0x16940] =	vst v63  }
0x52: {  	_ =	swait.ge [sflag:s23], $0x1F40  }
0x53: {  	[sflag:s23] =	ssyncset.done $0x0  }
0x54: {  	s28 =	simm.s32 $0x1000;
	s5 =	simm.s32 $0x700;
	[sflag:s23] =	ssyncadd.s32 $0xFFFFE0C0  }
.LBB2_2:
0x55: {  	[tilespmem:s30], [sflag:$0x4] =	stream.indirect.gather [spmem:s3], $0x20, s5, s21, $0xb8;
	[tilespmem:$0x16940] =	vst v63  }
0x56: {  	s5 =	smov.u32 s28  }
0x57: {  	p0 =	sne.s32 s28, $0x8000;
	s28 =	sadd.s32 $0x1000, s28;
	_ =	swait.ge [sflag:s19], $0x1F40  }
0x58: {  	s5 =	sshra.s32 s5, $0x2;
	[sflag:s19] =	ssyncset.done $0x0  }
0x59: {  	s6 =	sadd.s32 $0x2A00, s5;
	[sflag:s19] =	ssyncadd.s32 $0xFFFFE0C0  }
0x5a: {  	[spmem:s2] =	stream.indirect.scatter.add.f32 [tilespmem:s26], [sflag:$0x7], $0x20, s6, s21, $0xb8;
	[tilespmem:$0x16940] =	vst v63  }
0x5b: {  	_ =	swait.ge [sflag:s31], $0x1F40  }
0x5c: {  	[sflag:s31] =	ssyncset.done $0x0  }
0x5d: {  	s6 =	sadd.s32 $0x400, s5;
	[sflag:s31] =	ssyncadd.s32 $0xFFFFE0C0  }
0x5e: {  	[tilespmem:s22], [sflag:$0x1] =	stream.indirect.gather [spmem:s3], $0x20, s6, s21, $0xb8;
	[tilespmem:$0x16940] =	vst v63  }
0x5f: {  	_ =	swait.ge [sflag:s20], $0x1F40  }
0x60: {  	[sflag:s20] =	ssyncset.done $0x0  }
0x61: {  	s6 =	sadd.s32 $0x2B00, s5;
	[sflag:s20] =	ssyncadd.s32 $0xFFFFE0C0  }
0x62: {  	[spmem:s2] =	stream.indirect.scatter.add.f32 [tilespmem:s30], [sflag:$0x8], $0x20, s6, s21, $0xb8;
	[tilespmem:$0x16940] =	vst v63  }
0x63: {  	_ =	swait.ge [sflag:s1], $0x1F40  }
0x64: {  	[sflag:s1] =	ssyncset.done $0x0  }
0x65: {  	s6 =	sadd.s32 $0x500, s5;
	[sflag:s1] =	ssyncadd.s32 $0xFFFFE0C0  }
0x66: {  	[tilespmem:s24], [sflag:$0x2] =	stream.indirect.gather [spmem:s3], $0x20, s6, s21, $0xb8;
	[tilespmem:$0x16940] =	vst v63  }
0x67: {  	_ =	swait.ge [sflag:s17], $0x1F40  }
0x68: {  	[sflag:s17] =	ssyncset.done $0x0  }
0x69: {  	s6 =	sadd.s32 $0x2C00, s5;
	[sflag:s17] =	ssyncadd.s32 $0xFFFFE0C0  }
0x6a: {  	[spmem:s2] =	stream.indirect.scatter.add.f32 [tilespmem:s22], [sflag:$0x5], $0x20, s6, s21, $0xb8;
	[tilespmem:$0x16940] =	vst v63  }
0x6b: {  	_ =	swait.ge [sflag:s0], $0x1F40  }
0x6c: {  	[sflag:s0] =	ssyncset.done $0x0  }
0x6d: {  	s6 =	sadd.s32 $0x600, s5;
	[sflag:s0] =	ssyncadd.s32 $0xFFFFE0C0  }
0x6e: {  	[tilespmem:s26], [sflag:$0x3] =	stream.indirect.gather [spmem:s3], $0x20, s6, s21, $0xb8;
	[tilespmem:$0x16940] =	vst v63  }
0x6f: {  	_ =	swait.ge [sflag:s18], $0x1F40  }
0x70: {  	[sflag:s18] =	ssyncset.done $0x0  }
.Ltmp0:
0x71: {  	s6 =	sadd.s32 $0x2D00, s5;
	[sflag:s18] =	ssyncadd.s32 $0xFFFFE0C0;
	(pc) =	sbr.rel @p0 .LBB2_2-.Ltmp0, $4  }
0x72: {  	[spmem:s2] =	stream.indirect.scatter.add.f32 [tilespmem:s24], [sflag:$0x6], $0x20, s6, s21, $0xb8;
	[tilespmem:$0x16940] =	vst v63  }
0x73: {  	_ =	swait.ge [sflag:s23], $0x1F40  }
0x74: {  	[sflag:s23] =	ssyncset.done $0x0  }
0x75: {  	s5 =	sadd.s32 $0x700, s5;
	[sflag:s23] =	ssyncadd.s32 $0xFFFFE0C0  }
0x76: {  	[tilespmem:s30], [sflag:$0x4] =	stream.indirect.gather [spmem:s3], $0x20, s5, s21, $0xb8;
	[tilespmem:$0x16940] =	vst v63  }
0x77: {  	_ =	swait.ge [sflag:s19], $0x1F40  }
0x78: {  	[sflag:s19] =	ssyncset.done $0x0  }
0x79: {  	s28 =	simm.s32 $0x4E00;
	[sflag:s19] =	ssyncadd.s32 $0xFFFFE0C0  }
0x7a: {  	[spmem:s2] =	stream.indirect.scatter.add.f32 [tilespmem:s26], [sflag:$0x7], $0x20, s28, s21, $0xb8;
	[tilespmem:$0x16940] =	vst v63  }
0x7b: {  	_ =	swait.ge [sflag:s31], $0x1F40  }
0x7c: {  	[sflag:s31] =	ssyncset.done $0x0  }
0x7d: {  	[sflag:s31] =	ssyncadd.s32 $0xFFFFE0C0  }
0x7e: {  	_ =	swait.ge [sflag:s20], $0x1F40  }
0x7f: {  	[sflag:s20] =	ssyncset.done $0x0  }
0x80: {  	s6 =	simm.s32 $0x4F00;
	[sflag:s20] =	ssyncadd.s32 $0xFFFFE0C0  }
0x81: {  	[spmem:s2] =	stream.indirect.scatter.add.f32 [tilespmem:s30], [sflag:$0x8], $0x20, s6, s21, $0xb8;
	[tilespmem:$0x16940] =	vst v63  }
0x82: {  	_ =	swait.ge [sflag:s1], $0x1F40  }
0x83: {  	[sflag:s1] =	ssyncset.done $0x0  }
0x84: {  	[sflag:s1] =	ssyncadd.s32 $0xFFFFE0C0  }
0x85: {  	_ =	swait.ge [sflag:s0], $0x1F40  }
0x86: {  	[sflag:s0] =	ssyncset.done $0x0  }
0x87: {  	[sflag:s0] =	ssyncadd.s32 $0xFFFFE0C0  }
0x88: {  	_ =	swait.ge [sflag:s23], $0x1F40  }
0x89: {  	s25 =	sadd.s32 $0x1, s25;
	[sflag:s23] =	ssyncset.done $0x0  }
0x8a: {  	p0 =	sne.s32 s25, s12;
	[sflag:s23] =	ssyncadd.s32 $0xFFFFE0C0  }
.Ltmp1:
0x8b: {  	s28 =	sor.u32 $0x1C09, s8;
	[bflag:$0x0] =	sbarrier.arrive $0xFFFF;
	(pc) =	sbr.rel @p0 .LBB2_1-.Ltmp1, $4  }
0x8c: {  	[hbm:s11], [sflag:s28] =	dma.local [spmem:s14], $0x9C4  }
0x8d: {  	_ =	swait.ge [sflag:s29], $0x9C4  }
0x8e: {  	[sflag:s29] =	ssyncset.done $0x0  }
0x8f: {  	[sflag:s29] =	ssyncadd.s32 $0xFFFFF63C  }
0x90: {  	_ =	sfence.sel $0x180000  }
0x91: {  	[bflag:$0x0] =	sbarrier.arrive $0xFFFF  }
0x92: {  	_ =	strace $0x9000004A  }
0x93: {  	s0 =	stileid.u32;
	[bflag:$0x2] =	sbarrier.arrive $0xFFFF  }
0x94: {  	p0 =	sne.s32 s0, $0x0;
	s0 =	rddreg [dreg:$0x4]  }
0x95: {  	s0 =	sadd.s32 @!p0 $0x100000, s0  }
0x96: {  	[sflag:s0] =	ssyncadd.tile.s32 @!p0 $0x1;
	_ =	shalt  }
.Lfunc_end2:
_tile_overlayer_lowered:
.L_overlay_start_2:
0x97: {  	(tag) =	ssettag $0x2  }
0x98: {  	s0 =	rddreg [dreg:$0x0];
	s2 =	stileid.u32  }
0x99: {  	s1 =	rddreg [dreg:$0x1];
	p0 =	sne.s32 s2, $0x0  }
0x9a: {  	s3 =	rddreg [dreg:$0x2];
	[bflag:$0x3] =	sbarrier.arrive $0xFFFF;
	s2 =	simm.s32 @!p0 $0x1C09  }
0x9b: {  	[timem:s3], [sflag:s2] =	dma.local @!p0 [hbm:s0], s1  }
0x9c: {  	s0 =	simm.s32 @!p0 $0x9  }
0x9d: {  	_ =	swait.ge @!p0 [sflag:s0], s1  }
0x9e: {  	s1 =	ssub.s32 @!p0 $0x0, s1;
	[sflag:s0] =	ssyncset.done @!p0 $0x0  }
0x9f: {  	[sflag:s0] =	ssyncadd.s32 @!p0 s1  }
0xa0: {  	[bflag:$0x3] =	sbarrier.arrive $0xFFFF  }
0xa1: {  	_ =	shalt  }

// kernel: kernel.16.cloned.1.call-start
scs
__scs_entry_jumppad:
0x0: {  	(pc) =	sbr.rel $0x88, $3  }
0x1: {  	(tag) =	ssettag $0x0;
	lr =	simm.s32 $0x1  }
0x2: {  	[smem:$0x3F99] =	sst lr;
	_ =	strace $0xD0000000  }
0x3: {  	_ = 	snop  }
0x4: {  	_ = 	snop  }
0x5: {  	_ = 	snop  }
0x6: {  	_ = 	snop  }
0x7: {  	_ = 	snop  }
__scs_overlays_trampoline_lowered:
0x8: {  	[smem:$0x3FA8] =	sst s0  }
0x9: {  	[smem:$0x3FA9] =	sst s1  }
0xa: {  	[smem:$0x3FAA] =	sst s2  }
0xb: {  	[smem:$0x3FAB] =	sst s3  }
0xc: {  	[smem:$0x3FAC] =	sst s4  }
0xd: {  	[smem:$0x3FAD] =	sst s5  }
0xe: {  	[smem:$0x3FAE] =	sst s6  }
0xf: {  	[smem:$0x3FAF] =	sst s7  }
0x10: {  	[smem:$0x3FB0] =	sst s8  }
0x11: {  	[smem:$0x3FB1] =	sst s9;
	s0 =	simm.s32 @!p0 $0x0  }
0x12: {  	s1 =	sld [smem:$0x3F97];
	s0 =	simm.s32 @p0 $0x1  }
0x13: {  	[smem:$0x3FB2] =	sst s0;
	s0 =	simm.s32 @!p1 $0x0  }
0x14: {  	s2 =	sld [smem:$0x3F96];
	s0 =	simm.s32 @p1 $0x1  }
0x15: {  	[smem:$0x3FB3] =	sst s0;
	s0 =	simm.s32 @!p2 $0x0  }
0x16: {  	s3 =	sld [smem:$0x3FDB];
	s0 =	simm.s32 @p2 $0x1  }
0x17: {  	s4 =	simm.s32 $0x1BF5;
	[smem:$0x3FB5] =	sst s0  }
0x18: {  	s0 =	sld [smem:$0x3F98];
	_ =	swait.ge [sflag:s4], $0x0  }
0x19: {  	s7 =	sld [smem:$0x3F99]  }
0x1a: {  	s8 =	sadd.s32 $0xFFFFE003, lr  }
0x1b: {  	s9 =	sadd.s32 $0xFFFFFEF7, lr;
	s5 =	simm.s32 $0xFFFFFFFF;
	p2 =	slt.u32 s8, $0xFFFFF086  }
0x1c: {  	p1 =	slt.u32 s9, $0xF7A;
	s5 =	simm.s32 @!p2 $0x0  }
0x1d: {  	s5 =	simm.s32 @p1 $0x1;
	p0 =	seq.s32 s7, s2  }
0x1e: {  	s7 =	smul.u32 @!p0 $0xF7A, s2;
	p2 =	seq.s32 @!p0 s5, $0x0  }
0x1f: {  	s9 =	smul.u32 $0xF7A, s1;
	s8 =	simm.s32 @!p0 $0x1BF5;
	p2 =	por !p2, p0  }
0x20: {  	[sflag:s8] =	ssyncset.s32 @!p0 $0xFFFFF086;
	s6 =	sadd.s32 @!p0 s3, s7;
	s7 =	simm.s32 @!p0 $0x108  }
0x21: {  	s3 =	sadd.s32 s3, s9;
	s6 =	sadd.s32 @!p0 $0x88, s6;
	s7 =	simm.s32 @p2 $0x1082  }
0x22: {  	[simem:s7], [sflag:s8] =	dma.local @!p0 [hbm:s6], $0xF7A  }
0x23: {  	s9 =	sor.u32 $0xD0000000, s2;
	s6 =	simm.s32 $0x108;
	_ =	swait.ge @!p0 [sflag:s8], $0x0  }
0x24: {  	s3 =	sadd.s32 $0x88, s3;
	s6 =	simm.s32 @!p1 $0x1082;
	[sflag:s4] =	ssyncset.s32 $0xFFFFF086  }
0x25: {  	[simem:s6], [sflag:s4] =	dma.local [hbm:s3], $0xF7A  }
0x26: {  	[smem:$0x3F99] =	sst s1;
	(tag) =	ssettag s2;
	_ =	strace s9  }
0x27: {  	s1 =	sld [smem:$0x3FA9]  }
0x28: {  	s2 =	sld [smem:$0x3FAA]  }
0x29: {  	s4 =	sld [smem:$0x3FAC]  }
0x2a: {  	p0 =	seq.s32 s5, $0x0;
	s5 =	sld [smem:$0x3FAD]  }
0x2b: {  	s6 =	sld [smem:$0x3FAE]  }
0x2c: {  	s7 =	sld [smem:$0x3FAF]  }
0x2d: {  	s3 =	simm.s32 $0x108;
	s8 =	sld [smem:$0x3FB0]  }
0x2e: {  	s3 =	simm.s32 @!p0 $0x1082;
	s9 =	sld [smem:$0x3FB1]  }
0x2f: {  	lr =	sadd.s32 s0, s3;
	s0 =	sld [smem:$0x3FA8]  }
0x30: {  	s3 =	sld [smem:$0x3FAB]  }
0x31: {  	[smem:$0x3FB4] =	sst s10  }
0x32: {  	s10 =	sld [smem:$0x3FB2];
	_ =	sdelay $0x3  }
0x33: {  	p0 =	seq.s32 s10, $0x1;
	s10 =	sld [smem:$0x3FB4];
	_ =	sdelay $0x3  }
0x34: {  	[smem:$0x3FB4] =	sst s10  }
0x35: {  	s10 =	sld [smem:$0x3FB3];
	_ =	sdelay $0x3  }
0x36: {  	p1 =	seq.s32 s10, $0x1;
	s10 =	sld [smem:$0x3FB4];
	_ =	sdelay $0x3  }
0x37: {  	[smem:$0x3FB4] =	sst s10  }
0x38: {  	s10 =	sld [smem:$0x3FB5]  }
0x39: {  	_ = 	snop;
	(pc) =	sbr.ind lr, $3  }
0x3a: {  	_ = 	snop  }
0x3b: {  	_ = 	snop  }
0x3c: {  	p2 =	seq.s32 s10, $0x1;
	s10 =	sld [smem:$0x3FB4]  }
0x3d: {  	_ =	shalt  }
0x3e: {  	_ =	shalt  }
0x3f: {  	_ =	shalt  }
0x40: {  	_ =	shalt  }
0x41: {  	_ =	shalt  }
0x42: {  	_ =	shalt  }
0x43: {  	_ =	shalt  }
0x44: {  	_ =	shalt  }
0x45: {  	_ =	shalt  }
0x46: {  	_ =	shalt  }
0x47: {  	_ =	shalt  }
0x48: {  	_ =	shalt  }
0x49: {  	_ =	shalt  }
0x4a: {  	_ =	shalt  }
0x4b: {  	_ =	shalt  }
0x4c: {  	_ =	shalt  }
0x4d: {  	_ =	shalt  }
0x4e: {  	_ =	shalt  }
0x4f: {  	_ =	shalt  }
0x50: {  	_ =	shalt  }
0x51: {  	_ =	shalt  }
0x52: {  	_ =	shalt  }
0x53: {  	_ =	shalt  }
0x54: {  	_ =	shalt  }
0x55: {  	_ =	shalt  }
0x56: {  	_ =	shalt  }
0x57: {  	_ =	shalt  }
0x58: {  	_ =	shalt  }
0x59: {  	_ =	shalt  }
0x5a: {  	_ =	shalt  }
0x5b: {  	_ =	shalt  }
0x5c: {  	_ =	shalt  }
0x5d: {  	_ =	shalt  }
0x5e: {  	_ =	shalt  }
0x5f: {  	_ =	shalt  }
0x60: {  	_ =	shalt  }
0x61: {  	_ =	shalt  }
0x62: {  	_ =	shalt  }
0x63: {  	_ =	shalt  }
0x64: {  	_ =	shalt  }
0x65: {  	_ =	shalt  }
0x66: {  	_ =	shalt  }
0x67: {  	_ =	shalt  }
0x68: {  	_ =	shalt  }
0x69: {  	_ =	shalt  }
0x6a: {  	_ =	shalt  }
0x6b: {  	_ =	shalt  }
0x6c: {  	_ =	shalt  }
0x6d: {  	_ =	shalt  }
0x6e: {  	_ =	shalt  }
0x6f: {  	_ =	shalt  }
0x70: {  	_ =	shalt  }
0x71: {  	_ =	shalt  }
0x72: {  	_ =	shalt  }
0x73: {  	_ =	shalt  }
0x74: {  	_ =	shalt  }
0x75: {  	_ =	shalt  }
0x76: {  	_ =	shalt  }
0x77: {  	_ =	shalt  }
0x78: {  	_ =	shalt  }
0x79: {  	_ =	shalt  }
0x7a: {  	_ =	shalt  }
0x7b: {  	_ =	shalt  }
0x7c: {  	_ =	shalt  }
0x7d: {  	_ =	shalt  }
0x7e: {  	_ =	shalt  }
0x7f: {  	_ =	shalt  }
0x80: {  	_ =	shalt  }
0x81: {  	_ =	shalt  }
0x82: {  	_ =	shalt  }
0x83: {  	_ =	shalt  }
0x84: {  	_ =	shalt  }
0x85: {  	_ =	shalt  }
0x86: {  	_ =	shalt  }
0x87: {  	_ =	shalt  }
.Lfunc_end0:
.L_simem_size_0:
called_computation.2_lowered:
.L_overlay_start_0:
0x88: {  	s2 =	sld [smem:$0x3FD9]  }
0x89: {  	s3 =	sld [smem:$0x3FFE];
	_ =	sdelay $0x1  }
0x8a: {  	s1 =	srdreg.scid  }
0x8b: {  	s0 =	sand.u32 $0x1, s1  }
0x8c: {  	s17 =	sshll.u32 s0, $0xA;
	s2 =	sadd.s32 s3, s2  }
0x8d: {  	s2 =	sadd.s32 s2, s17  }
0x8e: {  	[smem:$0x3FC0] =	sst s2  }
0x8f: {  	_ = 	snop  }
0x90: {  	s2 =	sld [smem:$0x3FD0];
	(tm) =	ssettm $0x1  }
0x91: {  	s18 =	sld [smem:$0x3FFB];
	_ =	sdelay $0x3  }
0x92: {  	_ =	strace s18  }
0x93: {  	s3 =	sld [smem:$0x3FFC];
	_ =	sdelay $0x3  }
0x94: {  	_ =	strace s3  }
0x95: {  	s3 =	sld [smem:$0x3FFD];
	_ =	sdelay $0x3  }
0x96: {  	_ =	strace s3  }
0x97: {  	_ =	strace $0x8FFFFFFF  }
0x98: {  	s19 =	sld [smem:$0x3FDB];
	_ =	sdelay $0x1  }
0x99: {  	s4 =	simm.s32 $_scs_section_size  }
0x9a: {  	s5 =	simm.s32 $_size__tile_overlayer_lowered;
	s6 =	simm.s32 $_tile_overlayer_lowered  }
0x9b: {  	s22 =	simm.s32 $0x1BFF;
	s21 =	sshll.u32 s6, $0x1;
	s3 =	sadd.s32 s4, s19  }
0x9c: {  	s7 =	simm.s32 $0x0;
	s20 =	sshll.u32 s5, $0x1;
	s5 =	sadd.s32 s21, s3  }
0x9d: {  	[timem:s7], [sflag:s22] =	dma.local [hbm:s5], s20  }
0x9e: {  	_ =	swait.ge [sflag:s22], s20  }
0x9f: {  	s4 =	ssub.s32 $0x0, s20;
	[sflag:s22] =	ssyncset.done $0x0  }
0xa0: {  	[sflag:s22] =	ssyncadd.s32 s4;
	_ =	sdelay $0x1  }
0xa1: {  	s23 =	simm.s32 $0x1B8B  }
0xa2: {  	_ =	swait.ge [sflag:s23], $0x1  }
0xa3: {  	[sflag:s23] =	ssyncset.done $0x0  }
0xa4: {  	s25 =	simm.s32 $0x1B8E;
	s24 =	sld [smem:$0x3FFE];
	[sflag:s23] =	ssyncadd.s32 $0xFFFFFFFF  }
0xa5: {  	s26 =	simm.s32 $execute0_lowered;
	[smem:$0x3FD2] =	sst s25  }
0xa6: {  	s5 =	sshll.u32 s26, $0x1;
	_ =	strace $0x8000004C;
	[dreg:$0x1] =	wrdreg $0xFFFFFFFF  }
0xa7: {  	s28 =	simm.s32 $_size_execute0_lowered;
	s3 =	sadd.s32 s3, s5;
	[dreg:$0x0] =	wrdreg $0x0  }
0xa8: {  	s5 =	sshll.u32 s28, $0x1;
	[dreg:$0x2] =	wrdreg s3  }
0xa9: {  	[dreg:$0x3] =	wrdreg s5  }
0xaa: {  	[dreg:$0x4] =	wrdreg $0xC0  }
0xab: {  	_ =	task [dreg:s7], $0x5FFFF  }
0xac: {  	[dreg:$0x1] =	wrdreg $0xFFFFFFFF  }
0xad: {  	[dreg:$0x0] =	wrdreg $0x60  }
0xae: {  	[dreg:$0x2] =	wrdreg s24  }
0xaf: {  	[dreg:$0x3] =	wrdreg s2  }
0xb0: {  	[dreg:$0x4] =	wrdreg $0x8E800  }
0xb1: {  	[dreg:$0x5] =	wrdreg $0xB5900  }
0xb2: {  	[dreg:$0x6] =	wrdreg $0x9  }
0xb3: {  	_ =	task.clear_ibuf [dreg:s7], $0x7FFFF;
	_ =	strace $0x9000004C  }
0xb4: {  	s29 =	simm.s32 $0x9;
	_ =	strace $0x8000004E  }
0xb5: {  	_ =	swait.ge [sflag:s29], $0x1  }
0xb6: {  	[sflag:s29] =	ssyncadd.s32 $0xFFFFFFFF  }
0xb7: {  	_ =	strace $0x9000004E  }
0xb8: {  	_ =	sfence  }
0xb9: {  	s30 =	sld [smem:$0x0];
	_ =	sdelay $0x2  }
0xba: {  	s31 =	sshll.u32 s1, $0xD;
	s1 =	sshrl.u32 s1, $0x2  }
0xbb: {  	s3 =	sand.u32 $0x4000, s31;
	s1 =	sadd.s32 s1, s30  }
0xbc: {  	s0 =	sor.u32 s3, s0;
	s1 =	sshll.u32 s1, $0x11  }
0xbd: {  	s0 =	sor.u32 s1, s0  }
0xbe: {  	s0 =	sadd.s32 $0x8F2B, s0  }
0xbf: {  	[sflag:s0] =	ssyncadd.remote.s32 $0x1  }
0xc0: {  	_ =	sfence.sel $0xFFFF  }
0xc1: {  	[dreg:$0x0] =	wrdreg $0xFFFFFFFF;
	(pc) =	sbr.abs _section_cstart, $3  }
0xc2: {  	[dreg:$0x1] =	wrdreg $0xFFFFFFFF  }
0xc3: {  	_ =	task.clear_ibuf [dreg:s7], $0x2FFFF;
	_ =	strace $0x9FFFFFFF  }
0xc4: {  	(tm) =	ssettm $0x7FFFFFFF  }
0xc5: {  	_ =	shalt  }
tec
execute0_lowered:
.L_overlay_start_1:
0x0: {  	(tag) =	ssettag $0x1  }
0x1: {  	s0 =	rddreg [dreg:$0x0]  }
0x2: {  	s2 =	rddreg [dreg:$0x1]  }
0x3: {  	s1 =	rddreg [dreg:$0x2];
	s4 =	srdreg.scid  }
0x4: {  	s3 =	rddreg [dreg:$0x3];
	s9 =	stileid.u32;
	s13 =	simm.s32 $0x2800  }
0x5: {  	s17 =	simm.s32 $0x1;
	s18 =	simm.s32 $0x2;
	s19 =	simm.s32 $0x3  }
0x6: {  	s20 =	simm.s32 $0x4;
	s21 =	simm.s32 $0xFA;
	s22 =	simm.s32 $0x5000  }
0x7: {  	s30 =	simm.s32 $0x7EE0;
	s31 =	simm.s32 $0x5;
	s23 =	simm.s32 $0x8  }
0x8: {  	s29 =	simm.s32 $0x9;
	s5 =	sand.u32 $0x1, s4;
	s4 =	simm.s32 $0x0  }
0x9: {  	s10 =	smul.u32 $0x2710, s9;
	s6 =	sshll.u32 s5, $0x4;
	[smem:$0x7FF] =	sst s4  }
0xa: {  	s8 =	ssub.s32 $0x2, s5;
	s5 =	smul.u32 $0x27100, s5;
	s6 =	sor.u32 s9, s6  }
0xb: {  	_ =	strace $0x8000004D;
	s7 =	sshrl.u32 s10, $0x3;
	s25 =	sshrl.u32 s8, $0x1  }
0xc: {  	s14 =	sadd.s32 s10, s1;
	s16 =	sadd.s32 s10, s3;
	s6 =	smul.u32 $0x2800, s6  }
0xd: {  	s11 =	sadd.s32 s7, s0;
	s26 =	ssub.s32 s8, s25;
	s8 =	sshll.u32 s9, $0x6  }
0xe: {  	s5 =	sadd.s32 s10, s5;
	s14 =	sshrl.u32 s14, $0x3;
	s16 =	sshrl.u32 s16, $0x3  }
0xf: {  	s25 =	simm.s32 $0x0;
	s9 =	sor.u32 $0x1C03, s8;
	s10 =	sadd.s32 $0x17000, s11  }
0x10: {  	s5 =	sshrl.u32 s5, $0x3;
	s12 =	smax.u32 s26, $0x1;
	s15 =	sor.u32 $0x1C04, s8  }
0x11: {  	s26 =	simm.s32 $0x6F40;
	s6 =	sshrl.u32 s6, $0x3;
	s11 =	sadd.s32 s2, s5  }
0x12: {  	s2 =	simm.s32 $0x7;
	s24 =	sadd.s32 s6, s0;
	s0 =	sadd.s32 $0x16A00, s0  }
0x13: {  	[dreg:$0x5] =	wrdreg s0;
	s28 =	sadd.s32 $0x2A00, s24;
	s7 =	sadd.s32 $0xCA00, s24  }
0x14: {  	s24 =	simm.s32 $0x5FA0;
	s0 =	simm.s32 $0x6;
	[dreg:$0x6] =	wrdreg s28  }
.LBB2_1:
0x15: {  	s5 =	rddreg [dreg:$0x6]  }
0x16: {  	[tilespmem:s4], [sflag:$0x1] =	stream.linear.gather [hbm4b:s5+s4], $0x2800, $0x38;
	[tilespmem:$0xDCA0] =	vst v63  }
0x17: {  	s6 =	rddreg [dreg:$0x5]  }
0x18: {  	[tilespmem:s13], [sflag:$0x2] =	stream.linear.gather [hbm4b:s7+s4], $0x2800, $0x38;
	[tilespmem:$0xDCA0] =	vst v63  }
0x19: {  	[spmem:s14], [sflag:s9] =	dma.local [hbm:s6], $0x4E2  }
0x1a: {  	[spmem:s16], [sflag:s15] =	dma.local [hbm:s10], $0x4E2  }
0x1b: {  	_ =	swait.ge [sflag:s17], $0x2800  }
0x1c: {  	[sflag:s17] =	ssyncset.done $0x0  }
0x1d: {  	[sflag:s17] =	ssyncadd.s32 $0xFFFFD800  }
0x1e: {  	_ =	swait.ge [sflag:s18], $0x2800  }
0x1f: {  	[sflag:s18] =	ssyncset.done $0x0  }
0x20: {  	[sflag:s18] =	ssyncadd.s32 $0xFFFFD800  }
0x21: {  	_ =	swait.ge [sflag:s19], $0x4E2  }
0x22: {  	[sflag:s19] =	ssyncset.done $0x0  }
0x23: {  	[sflag:s19] =	ssyncadd.s32 $0xFFFFFB1E  }
0x24: {  	_ =	swait.ge [sflag:s20], $0x4E2  }
0x25: {  	[sflag:s20] =	ssyncset.done $0x0  }
0x26: {  	[sflag:s20] =	ssyncadd.s32 $0xFFFFFB1E  }
0x27: {  	[bflag:$0x0] =	sbarrier.arrive $0xFFFF  }
0x28: {  	[tilespmem:s22], [sflag:$0x1] =	stream.indirect.gather [spmem:s3], $0x10, s4, s21, $0xb8;
	[tilespmem:$0xDCA0] =	vst v63  }
0x29: {  	s6 =	simm.s32 $0x100  }
0x2a: {  	[tilespmem:s24], [sflag:$0x2] =	stream.indirect.gather [spmem:s3], $0x10, s6, s21, $0xb8;
	[tilespmem:$0xDCA0] =	vst v63  }
0x2b: {  	_ =	swait.ge [sflag:s17], $0xFA0  }
0x2c: {  	[sflag:s17] =	ssyncset.done $0x0  }
0x2d: {  	[sflag:s17] =	ssyncadd.s32 $0xFFFFF060  }
0x2e: {  	[spmem:s1] =	stream.indirect.scatter.add.f32 [tilespmem:s22], [sflag:$0x5], $0x10, s13, s21, $0xb8;
	[tilespmem:$0xDCA0] =	vst v63  }
0x2f: {  	s6 =	simm.s32 $0x200  }
0x30: {  	[tilespmem:s26], [sflag:$0x3] =	stream.indirect.gather [spmem:s3], $0x10, s6, s21, $0xb8;
	[tilespmem:$0xDCA0] =	vst v63  }
0x31: {  	_ =	swait.ge [sflag:s18], $0xFA0  }
0x32: {  	[sflag:s18] =	ssyncset.done $0x0  }
0x33: {  	s6 =	simm.s32 $0x2900;
	[sflag:s18] =	ssyncadd.s32 $0xFFFFF060  }
0x34: {  	[spmem:s1] =	stream.indirect.scatter.add.f32 [tilespmem:s24], [sflag:$0x6], $0x10, s6, s21, $0xb8;
	[tilespmem:$0xDCA0] =	vst v63  }
0x35: {  	s6 =	simm.s32 $0x300  }
0x36: {  	[tilespmem:s30], [sflag:$0x4] =	stream.indirect.gather [spmem:s3], $0x10, s6, s21, $0xb8;
	[tilespmem:$0xDCA0] =	vst v63  }
0x37: {  	_ =	swait.ge [sflag:s19], $0xFA0  }
0x38: {  	[sflag:s19] =	ssyncset.done $0x0  }
0x39: {  	s6 =	simm.s32 $0x2A00;
	[sflag:s19] =	ssyncadd.s32 $0xFFFFF060  }
0x3a: {  	[spmem:s1] =	stream.indirect.scatter.add.f32 [tilespmem:s26], [sflag:$0x7], $0x10, s6, s21, $0xb8;
	[tilespmem:$0xDCA0] =	vst v63  }
0x3b: {  	_ =	swait.ge [sflag:s31], $0xFA0  }
0x3c: {  	[sflag:s31] =	ssyncset.done $0x0  }
0x3d: {  	s6 =	simm.s32 $0x400;
	[sflag:s31] =	ssyncadd.s32 $0xFFFFF060  }
0x3e: {  	[tilespmem:s22], [sflag:$0x1] =	stream.indirect.gather [spmem:s3], $0x10, s6, s21, $0xb8;
	[tilespmem:$0xDCA0] =	vst v63  }
0x3f: {  	_ =	swait.ge [sflag:s20], $0xFA0  }
0x40: {  	[sflag:s20] =	ssyncset.done $0x0  }
0x41: {  	s6 =	simm.s32 $0x2B00;
	[sflag:s20] =	ssyncadd.s32 $0xFFFFF060  }
0x42: {  	[spmem:s1] =	stream.indirect.scatter.add.f32 [tilespmem:s30], [sflag:$0x8], $0x10, s6, s21, $0xb8;
	[tilespmem:$0xDCA0] =	vst v63  }
0x43: {  	_ =	swait.ge [sflag:s0], $0xFA0  }
0x44: {  	[sflag:s0] =	ssyncset.done $0x0  }
0x45: {  	s6 =	simm.s32 $0x500;
	[sflag:s0] =	ssyncadd.s32 $0xFFFFF060  }
0x46: {  	[tilespmem:s24], [sflag:$0x2] =	stream.indirect.gather [spmem:s3], $0x10, s6, s21, $0xb8;
	[tilespmem:$0xDCA0] =	vst v63  }
0x47: {  	_ =	swait.ge [sflag:s17], $0xFA0  }
0x48: {  	[sflag:s17] =	ssyncset.done $0x0  }
0x49: {  	s6 =	simm.s32 $0x2C00;
	[sflag:s17] =	ssyncadd.s32 $0xFFFFF060  }
0x4a: {  	[spmem:s1] =	stream.indirect.scatter.add.f32 [tilespmem:s22], [sflag:$0x5], $0x10, s6, s21, $0xb8;
	[tilespmem:$0xDCA0] =	vst v63  }
0x4b: {  	_ =	swait.ge [sflag:s2], $0xFA0  }
0x4c: {  	[sflag:s2] =	ssyncset.done $0x0  }
0x4d: {  	s6 =	simm.s32 $0x600;
	[sflag:s2] =	ssyncadd.s32 $0xFFFFF060  }
0x4e: {  	[tilespmem:s26], [sflag:$0x3] =	stream.indirect.gather [spmem:s3], $0x10, s6, s21, $0xb8;
	[tilespmem:$0xDCA0] =	vst v63  }
0x4f: {  	_ =	swait.ge [sflag:s18], $0xFA0  }
0x50: {  	[sflag:s18] =	ssyncset.done $0x0  }
0x51: {  	s6 =	simm.s32 $0x2D00;
	[sflag:s18] =	ssyncadd.s32 $0xFFFFF060  }
0x52: {  	[spmem:s1] =	stream.indirect.scatter.add.f32 [tilespmem:s24], [sflag:$0x6], $0x10, s6, s21, $0xb8;
	[tilespmem:$0xDCA0] =	vst v63  }
0x53: {  	_ =	swait.ge [sflag:s23], $0xFA0  }
0x54: {  	[sflag:s23] =	ssyncset.done $0x0  }
0x55: {  	s28 =	simm.s32 $0x1000;
	s5 =	simm.s32 $0x700;
	[sflag:s23] =	ssyncadd.s32 $0xFFFFF060  }
.LBB2_2:
0x56: {  	[tilespmem:s30], [sflag:$0x4] =	stream.indirect.gather [spmem:s3], $0x10, s5, s21, $0xb8;
	[tilespmem:$0xDCA0] =	vst v63  }
0x57: {  	s5 =	smov.u32 s28  }
0x58: {  	p0 =	sne.s32 s28, $0x8000;
	s28 =	sadd.s32 $0x1000, s28;
	_ =	swait.ge [sflag:s19], $0xFA0  }
0x59: {  	s5 =	sshra.s32 s5, $0x2;
	[sflag:s19] =	ssyncset.done $0x0  }
0x5a: {  	s6 =	sadd.s32 $0x2A00, s5;
	[sflag:s19] =	ssyncadd.s32 $0xFFFFF060  }
0x5b: {  	[spmem:s1] =	stream.indirect.scatter.add.f32 [tilespmem:s26], [sflag:$0x7], $0x10, s6, s21, $0xb8;
	[tilespmem:$0xDCA0] =	vst v63  }
0x5c: {  	_ =	swait.ge [sflag:s31], $0xFA0  }
0x5d: {  	[sflag:s31] =	ssyncset.done $0x0  }
0x5e: {  	s6 =	sadd.s32 $0x400, s5;
	[sflag:s31] =	ssyncadd.s32 $0xFFFFF060  }
0x5f: {  	[tilespmem:s22], [sflag:$0x1] =	stream.indirect.gather [spmem:s3], $0x10, s6, s21, $0xb8;
	[tilespmem:$0xDCA0] =	vst v63  }
0x60: {  	_ =	swait.ge [sflag:s20], $0xFA0  }
0x61: {  	[sflag:s20] =	ssyncset.done $0x0  }
0x62: {  	s6 =	sadd.s32 $0x2B00, s5;
	[sflag:s20] =	ssyncadd.s32 $0xFFFFF060  }
0x63: {  	[spmem:s1] =	stream.indirect.scatter.add.f32 [tilespmem:s30], [sflag:$0x8], $0x10, s6, s21, $0xb8;
	[tilespmem:$0xDCA0] =	vst v63  }
0x64: {  	_ =	swait.ge [sflag:s0], $0xFA0  }
0x65: {  	[sflag:s0] =	ssyncset.done $0x0  }
0x66: {  	s6 =	sadd.s32 $0x500, s5;
	[sflag:s0] =	ssyncadd.s32 $0xFFFFF060  }
0x67: {  	[tilespmem:s24], [sflag:$0x2] =	stream.indirect.gather [spmem:s3], $0x10, s6, s21, $0xb8;
	[tilespmem:$0xDCA0] =	vst v63  }
0x68: {  	_ =	swait.ge [sflag:s17], $0xFA0  }
0x69: {  	[sflag:s17] =	ssyncset.done $0x0  }
0x6a: {  	s6 =	sadd.s32 $0x2C00, s5;
	[sflag:s17] =	ssyncadd.s32 $0xFFFFF060  }
0x6b: {  	[spmem:s1] =	stream.indirect.scatter.add.f32 [tilespmem:s22], [sflag:$0x5], $0x10, s6, s21, $0xb8;
	[tilespmem:$0xDCA0] =	vst v63  }
0x6c: {  	_ =	swait.ge [sflag:s2], $0xFA0  }
0x6d: {  	[sflag:s2] =	ssyncset.done $0x0  }
0x6e: {  	s6 =	sadd.s32 $0x600, s5;
	[sflag:s2] =	ssyncadd.s32 $0xFFFFF060  }
0x6f: {  	[tilespmem:s26], [sflag:$0x3] =	stream.indirect.gather [spmem:s3], $0x10, s6, s21, $0xb8;
	[tilespmem:$0xDCA0] =	vst v63  }
0x70: {  	_ =	swait.ge [sflag:s18], $0xFA0  }
0x71: {  	[sflag:s18] =	ssyncset.done $0x0  }
.Ltmp0:
0x72: {  	s6 =	sadd.s32 $0x2D00, s5;
	[sflag:s18] =	ssyncadd.s32 $0xFFFFF060;
	(pc) =	sbr.rel @p0 .LBB2_2-.Ltmp0, $4  }
0x73: {  	[spmem:s1] =	stream.indirect.scatter.add.f32 [tilespmem:s24], [sflag:$0x6], $0x10, s6, s21, $0xb8;
	[tilespmem:$0xDCA0] =	vst v63  }
0x74: {  	_ =	swait.ge [sflag:s23], $0xFA0  }
0x75: {  	[sflag:s23] =	ssyncset.done $0x0  }
0x76: {  	s5 =	sadd.s32 $0x700, s5;
	[sflag:s23] =	ssyncadd.s32 $0xFFFFF060  }
0x77: {  	[tilespmem:s30], [sflag:$0x4] =	stream.indirect.gather [spmem:s3], $0x10, s5, s21, $0xb8;
	[tilespmem:$0xDCA0] =	vst v63  }
0x78: {  	_ =	swait.ge [sflag:s19], $0xFA0  }
0x79: {  	[sflag:s19] =	ssyncset.done $0x0  }
0x7a: {  	s28 =	simm.s32 $0x4E00;
	[sflag:s19] =	ssyncadd.s32 $0xFFFFF060  }
0x7b: {  	[spmem:s1] =	stream.indirect.scatter.add.f32 [tilespmem:s26], [sflag:$0x7], $0x10, s28, s21, $0xb8;
	[tilespmem:$0xDCA0] =	vst v63  }
0x7c: {  	_ =	swait.ge [sflag:s31], $0xFA0  }
0x7d: {  	[sflag:s31] =	ssyncset.done $0x0  }
0x7e: {  	[sflag:s31] =	ssyncadd.s32 $0xFFFFF060  }
0x7f: {  	_ =	swait.ge [sflag:s20], $0xFA0  }
0x80: {  	[sflag:s20] =	ssyncset.done $0x0  }
0x81: {  	s6 =	simm.s32 $0x4F00;
	[sflag:s20] =	ssyncadd.s32 $0xFFFFF060  }
0x82: {  	[spmem:s1] =	stream.indirect.scatter.add.f32 [tilespmem:s30], [sflag:$0x8], $0x10, s6, s21, $0xb8;
	[tilespmem:$0xDCA0] =	vst v63  }
0x83: {  	_ =	swait.ge [sflag:s0], $0xFA0  }
0x84: {  	[sflag:s0] =	ssyncset.done $0x0  }
0x85: {  	[sflag:s0] =	ssyncadd.s32 $0xFFFFF060  }
0x86: {  	_ =	swait.ge [sflag:s2], $0xFA0  }
0x87: {  	[sflag:s2] =	ssyncset.done $0x0  }
0x88: {  	[sflag:s2] =	ssyncadd.s32 $0xFFFFF060  }
0x89: {  	_ =	swait.ge [sflag:s23], $0xFA0  }
0x8a: {  	s25 =	sadd.s32 $0x1, s25;
	[sflag:s23] =	ssyncset.done $0x0  }
0x8b: {  	p0 =	sne.s32 s25, s12;
	[sflag:s23] =	ssyncadd.s32 $0xFFFFF060  }
.Ltmp1:
0x8c: {  	s28 =	sor.u32 $0x1C09, s8;
	[bflag:$0x0] =	sbarrier.arrive $0xFFFF;
	(pc) =	sbr.rel @p0 .LBB2_1-.Ltmp1, $4  }
0x8d: {  	[hbm:s11], [sflag:s28] =	dma.local [spmem:s14], $0x4E2  }
0x8e: {  	_ =	swait.ge [sflag:s29], $0x4E2  }
0x8f: {  	[sflag:s29] =	ssyncset.done $0x0  }
0x90: {  	[sflag:s29] =	ssyncadd.s32 $0xFFFFFB1E  }
0x91: {  	_ =	sfence.sel $0x180000  }
0x92: {  	[bflag:$0x0] =	sbarrier.arrive $0xFFFF  }
0x93: {  	_ =	strace $0x9000004D  }
0x94: {  	s0 =	stileid.u32;
	[bflag:$0x2] =	sbarrier.arrive $0xFFFF  }
0x95: {  	p0 =	sne.s32 s0, $0x0;
	s0 =	rddreg [dreg:$0x4]  }
0x96: {  	s0 =	sadd.s32 @!p0 $0x100000, s0  }
0x97: {  	[sflag:s0] =	ssyncadd.tile.s32 @!p0 $0x1;
	_ =	shalt  }
.Lfunc_end2:
_tile_overlayer_lowered:
.L_overlay_start_2:
0x98: {  	(tag) =	ssettag $0x2  }
0x99: {  	s0 =	rddreg [dreg:$0x0];
	s2 =	stileid.u32  }
0x9a: {  	s1 =	rddreg [dreg:$0x1];
	p0 =	sne.s32 s2, $0x0  }
0x9b: {  	s3 =	rddreg [dreg:$0x2];
	[bflag:$0x3] =	sbarrier.arrive $0xFFFF;
	s2 =	simm.s32 @!p0 $0x1C09  }
0x9c: {  	[timem:s3], [sflag:s2] =	dma.local @!p0 [hbm:s0], s1  }
0x9d: {  	s0 =	simm.s32 @!p0 $0x9  }
0x9e: {  	_ =	swait.ge @!p0 [sflag:s0], s1  }
0x9f: {  	s1 =	ssub.s32 @!p0 $0x0, s1;
	[sflag:s0] =	ssyncset.done @!p0 $0x0  }
0xa0: {  	[sflag:s0] =	ssyncadd.s32 @!p0 s1  }
0xa1: {  	[bflag:$0x3] =	sbarrier.arrive $0xFFFF  }
0xa2: {  	_ =	shalt  }

// kernel: kernel.19.cloned.1.call-start
scs
__scs_entry_jumppad:
0x0: {  	(pc) =	sbr.rel $0x88, $3  }
0x1: {  	(tag) =	ssettag $0x0;
	lr =	simm.s32 $0x1  }
0x2: {  	[smem:$0x3F99] =	sst lr;
	_ =	strace $0xD0000000  }
0x3: {  	_ = 	snop  }
0x4: {  	_ = 	snop  }
0x5: {  	_ = 	snop  }
0x6: {  	_ = 	snop  }
0x7: {  	_ = 	snop  }
__scs_overlays_trampoline_lowered:
0x8: {  	[smem:$0x3FA8] =	sst s0  }
0x9: {  	[smem:$0x3FA9] =	sst s1  }
0xa: {  	[smem:$0x3FAA] =	sst s2  }
0xb: {  	[smem:$0x3FAB] =	sst s3  }
0xc: {  	[smem:$0x3FAC] =	sst s4  }
0xd: {  	[smem:$0x3FAD] =	sst s5  }
0xe: {  	[smem:$0x3FAE] =	sst s6  }
0xf: {  	[smem:$0x3FAF] =	sst s7  }
0x10: {  	[smem:$0x3FB0] =	sst s8  }
0x11: {  	[smem:$0x3FB1] =	sst s9;
	s0 =	simm.s32 @!p0 $0x0  }
0x12: {  	s1 =	sld [smem:$0x3F97];
	s0 =	simm.s32 @p0 $0x1  }
0x13: {  	[smem:$0x3FB2] =	sst s0;
	s0 =	simm.s32 @!p1 $0x0  }
0x14: {  	s2 =	sld [smem:$0x3F96];
	s0 =	simm.s32 @p1 $0x1  }
0x15: {  	[smem:$0x3FB3] =	sst s0;
	s0 =	simm.s32 @!p2 $0x0  }
0x16: {  	s3 =	sld [smem:$0x3FDB];
	s0 =	simm.s32 @p2 $0x1  }
0x17: {  	s4 =	simm.s32 $0x1BF5;
	[smem:$0x3FB5] =	sst s0  }
0x18: {  	s0 =	sld [smem:$0x3F98];
	_ =	swait.ge [sflag:s4], $0x0  }
0x19: {  	s7 =	sld [smem:$0x3F99]  }
0x1a: {  	s8 =	sadd.s32 $0xFFFFE003, lr  }
0x1b: {  	s9 =	sadd.s32 $0xFFFFFEF7, lr;
	s5 =	simm.s32 $0xFFFFFFFF;
	p2 =	slt.u32 s8, $0xFFFFF086  }
0x1c: {  	p1 =	slt.u32 s9, $0xF7A;
	s5 =	simm.s32 @!p2 $0x0  }
0x1d: {  	s5 =	simm.s32 @p1 $0x1;
	p0 =	seq.s32 s7, s2  }
0x1e: {  	s7 =	smul.u32 @!p0 $0xF7A, s2;
	p2 =	seq.s32 @!p0 s5, $0x0  }
0x1f: {  	s9 =	smul.u32 $0xF7A, s1;
	s8 =	simm.s32 @!p0 $0x1BF5;
	p2 =	por !p2, p0  }
0x20: {  	[sflag:s8] =	ssyncset.s32 @!p0 $0xFFFFF086;
	s6 =	sadd.s32 @!p0 s3, s7;
	s7 =	simm.s32 @!p0 $0x108  }
0x21: {  	s3 =	sadd.s32 s3, s9;
	s6 =	sadd.s32 @!p0 $0x88, s6;
	s7 =	simm.s32 @p2 $0x1082  }
0x22: {  	[simem:s7], [sflag:s8] =	dma.local @!p0 [hbm:s6], $0xF7A  }
0x23: {  	s9 =	sor.u32 $0xD0000000, s2;
	s6 =	simm.s32 $0x108;
	_ =	swait.ge @!p0 [sflag:s8], $0x0  }
0x24: {  	s3 =	sadd.s32 $0x88, s3;
	s6 =	simm.s32 @!p1 $0x1082;
	[sflag:s4] =	ssyncset.s32 $0xFFFFF086  }
0x25: {  	[simem:s6], [sflag:s4] =	dma.local [hbm:s3], $0xF7A  }
0x26: {  	[smem:$0x3F99] =	sst s1;
	(tag) =	ssettag s2;
	_ =	strace s9  }
0x27: {  	s1 =	sld [smem:$0x3FA9]  }
0x28: {  	s2 =	sld [smem:$0x3FAA]  }
0x29: {  	s4 =	sld [smem:$0x3FAC]  }
0x2a: {  	p0 =	seq.s32 s5, $0x0;
	s5 =	sld [smem:$0x3FAD]  }
0x2b: {  	s6 =	sld [smem:$0x3FAE]  }
0x2c: {  	s7 =	sld [smem:$0x3FAF]  }
0x2d: {  	s3 =	simm.s32 $0x108;
	s8 =	sld [smem:$0x3FB0]  }
0x2e: {  	s3 =	simm.s32 @!p0 $0x1082;
	s9 =	sld [smem:$0x3FB1]  }
0x2f: {  	lr =	sadd.s32 s0, s3;
	s0 =	sld [smem:$0x3FA8]  }
0x30: {  	s3 =	sld [smem:$0x3FAB]  }
0x31: {  	[smem:$0x3FB4] =	sst s10  }
0x32: {  	s10 =	sld [smem:$0x3FB2];
	_ =	sdelay $0x3  }
0x33: {  	p0 =	seq.s32 s10, $0x1;
	s10 =	sld [smem:$0x3FB4];
	_ =	sdelay $0x3  }
0x34: {  	[smem:$0x3FB4] =	sst s10  }
0x35: {  	s10 =	sld [smem:$0x3FB3];
	_ =	sdelay $0x3  }
0x36: {  	p1 =	seq.s32 s10, $0x1;
	s10 =	sld [smem:$0x3FB4];
	_ =	sdelay $0x3  }
0x37: {  	[smem:$0x3FB4] =	sst s10  }
0x38: {  	s10 =	sld [smem:$0x3FB5]  }
0x39: {  	_ = 	snop;
	(pc) =	sbr.ind lr, $3  }
0x3a: {  	_ = 	snop  }
0x3b: {  	_ = 	snop  }
0x3c: {  	p2 =	seq.s32 s10, $0x1;
	s10 =	sld [smem:$0x3FB4]  }
0x3d: {  	_ =	shalt  }
0x3e: {  	_ =	shalt  }
0x3f: {  	_ =	shalt  }
0x40: {  	_ =	shalt  }
0x41: {  	_ =	shalt  }
0x42: {  	_ =	shalt  }
0x43: {  	_ =	shalt  }
0x44: {  	_ =	shalt  }
0x45: {  	_ =	shalt  }
0x46: {  	_ =	shalt  }
0x47: {  	_ =	shalt  }
0x48: {  	_ =	shalt  }
0x49: {  	_ =	shalt  }
0x4a: {  	_ =	shalt  }
0x4b: {  	_ =	shalt  }
0x4c: {  	_ =	shalt  }
0x4d: {  	_ =	shalt  }
0x4e: {  	_ =	shalt  }
0x4f: {  	_ =	shalt  }
0x50: {  	_ =	shalt  }
0x51: {  	_ =	shalt  }
0x52: {  	_ =	shalt  }
0x53: {  	_ =	shalt  }
0x54: {  	_ =	shalt  }
0x55: {  	_ =	shalt  }
0x56: {  	_ =	shalt  }
0x57: {  	_ =	shalt  }
0x58: {  	_ =	shalt  }
0x59: {  	_ =	shalt  }
0x5a: {  	_ =	shalt  }
0x5b: {  	_ =	shalt  }
0x5c: {  	_ =	shalt  }
0x5d: {  	_ =	shalt  }
0x5e: {  	_ =	shalt  }
0x5f: {  	_ =	shalt  }
0x60: {  	_ =	shalt  }
0x61: {  	_ =	shalt  }
0x62: {  	_ =	shalt  }
0x63: {  	_ =	shalt  }
0x64: {  	_ =	shalt  }
0x65: {  	_ =	shalt  }
0x66: {  	_ =	shalt  }
0x67: {  	_ =	shalt  }
0x68: {  	_ =	shalt  }
0x69: {  	_ =	shalt  }
0x6a: {  	_ =	shalt  }
0x6b: {  	_ =	shalt  }
0x6c: {  	_ =	shalt  }
0x6d: {  	_ =	shalt  }
0x6e: {  	_ =	shalt  }
0x6f: {  	_ =	shalt  }
0x70: {  	_ =	shalt  }
0x71: {  	_ =	shalt  }
0x72: {  	_ =	shalt  }
0x73: {  	_ =	shalt  }
0x74: {  	_ =	shalt  }
0x75: {  	_ =	shalt  }
0x76: {  	_ =	shalt  }
0x77: {  	_ =	shalt  }
0x78: {  	_ =	shalt  }
0x79: {  	_ =	shalt  }
0x7a: {  	_ =	shalt  }
0x7b: {  	_ =	shalt  }
0x7c: {  	_ =	shalt  }
0x7d: {  	_ =	shalt  }
0x7e: {  	_ =	shalt  }
0x7f: {  	_ =	shalt  }
0x80: {  	_ =	shalt  }
0x81: {  	_ =	shalt  }
0x82: {  	_ =	shalt  }
0x83: {  	_ =	shalt  }
0x84: {  	_ =	shalt  }
0x85: {  	_ =	shalt  }
0x86: {  	_ =	shalt  }
0x87: {  	_ =	shalt  }
.Lfunc_end0:
.L_simem_size_0:
called_computation.3_lowered:
.L_overlay_start_0:
0x88: {  	s2 =	sld [smem:$0x3FD9]  }
0x89: {  	s3 =	sld [smem:$0x3FFE];
	_ =	sdelay $0x1  }
0x8a: {  	s1 =	srdreg.scid  }
0x8b: {  	s0 =	sand.u32 $0x1, s1  }
0x8c: {  	s17 =	sshll.u32 s0, $0xA;
	s2 =	sadd.s32 s3, s2  }
0x8d: {  	s2 =	sadd.s32 s2, s17  }
0x8e: {  	[smem:$0x3FC0] =	sst s2  }
0x8f: {  	_ = 	snop  }
0x90: {  	s2 =	sld [smem:$0x3FD0];
	(tm) =	ssettm $0x1  }
0x91: {  	s18 =	sld [smem:$0x3FFB];
	_ =	sdelay $0x3  }
0x92: {  	_ =	strace s18  }
0x93: {  	s3 =	sld [smem:$0x3FFC];
	_ =	sdelay $0x3  }
0x94: {  	_ =	strace s3  }
0x95: {  	s3 =	sld [smem:$0x3FFD];
	_ =	sdelay $0x3  }
0x96: {  	_ =	strace s3  }
0x97: {  	_ =	strace $0x8FFFFFFF  }
0x98: {  	s19 =	sld [smem:$0x3FDB];
	_ =	sdelay $0x1  }
0x99: {  	s4 =	simm.s32 $_scs_section_size  }
0x9a: {  	s5 =	simm.s32 $_size__tile_overlayer_lowered;
	s6 =	simm.s32 $_tile_overlayer_lowered  }
0x9b: {  	s22 =	simm.s32 $0x1BFF;
	s21 =	sshll.u32 s6, $0x1;
	s3 =	sadd.s32 s4, s19  }
0x9c: {  	s7 =	simm.s32 $0x0;
	s20 =	sshll.u32 s5, $0x1;
	s5 =	sadd.s32 s21, s3  }
0x9d: {  	[timem:s7], [sflag:s22] =	dma.local [hbm:s5], s20  }
0x9e: {  	_ =	swait.ge [sflag:s22], s20  }
0x9f: {  	s4 =	ssub.s32 $0x0, s20;
	[sflag:s22] =	ssyncset.done $0x0  }
0xa0: {  	[sflag:s22] =	ssyncadd.s32 s4;
	_ =	sdelay $0x1  }
0xa1: {  	s23 =	simm.s32 $0x1B8B  }
0xa2: {  	_ =	swait.ge [sflag:s23], $0x1  }
0xa3: {  	[sflag:s23] =	ssyncset.done $0x0  }
0xa4: {  	s25 =	simm.s32 $0x1B8E;
	s24 =	sld [smem:$0x3FFE];
	[sflag:s23] =	ssyncadd.s32 $0xFFFFFFFF  }
0xa5: {  	s26 =	simm.s32 $execute0_lowered;
	[smem:$0x3FD2] =	sst s25  }
0xa6: {  	s5 =	sshll.u32 s26, $0x1;
	_ =	strace $0x8000004F;
	[dreg:$0x1] =	wrdreg $0xFFFFFFFF  }
0xa7: {  	s28 =	simm.s32 $_size_execute0_lowered;
	s3 =	sadd.s32 s3, s5;
	[dreg:$0x0] =	wrdreg $0x0  }
0xa8: {  	s5 =	sshll.u32 s28, $0x1;
	[dreg:$0x2] =	wrdreg s3  }
0xa9: {  	[dreg:$0x3] =	wrdreg s5  }
0xaa: {  	[dreg:$0x4] =	wrdreg $0xC0  }
0xab: {  	_ =	task [dreg:s7], $0x5FFFF  }
0xac: {  	[dreg:$0x1] =	wrdreg $0xFFFFFFFF  }
0xad: {  	[dreg:$0x0] =	wrdreg $0x60  }
0xae: {  	[dreg:$0x2] =	wrdreg s2  }
0xaf: {  	[dreg:$0x3] =	wrdreg s24  }
0xb0: {  	[dreg:$0x4] =	wrdreg $0xEC400  }
0xb1: {  	[dreg:$0x5] =	wrdreg $0x14DE80  }
0xb2: {  	[dreg:$0x6] =	wrdreg $0x9  }
0xb3: {  	_ =	task.clear_ibuf [dreg:s7], $0x7FFFF;
	_ =	strace $0x9000004F  }
0xb4: {  	s29 =	simm.s32 $0x9;
	_ =	strace $0x80000051  }
0xb5: {  	_ =	swait.ge [sflag:s29], $0x1  }
0xb6: {  	[sflag:s29] =	ssyncadd.s32 $0xFFFFFFFF  }
0xb7: {  	_ =	strace $0x90000051  }
0xb8: {  	_ =	sfence  }
0xb9: {  	s30 =	sld [smem:$0x0];
	_ =	sdelay $0x2  }
0xba: {  	s31 =	sshll.u32 s1, $0xD;
	s1 =	sshrl.u32 s1, $0x2  }
0xbb: {  	s3 =	sand.u32 $0x4000, s31;
	s1 =	sadd.s32 s1, s30  }
0xbc: {  	s0 =	sor.u32 s3, s0;
	s1 =	sshll.u32 s1, $0x11  }
0xbd: {  	s0 =	sor.u32 s1, s0  }
0xbe: {  	s0 =	sadd.s32 $0x8F2B, s0  }
0xbf: {  	[sflag:s0] =	ssyncadd.remote.s32 $0x1  }
0xc0: {  	_ =	sfence.sel $0xFFFF  }
0xc1: {  	[dreg:$0x0] =	wrdreg $0xFFFFFFFF;
	(pc) =	sbr.abs _section_cstart, $3  }
0xc2: {  	[dreg:$0x1] =	wrdreg $0xFFFFFFFF  }
0xc3: {  	_ =	task.clear_ibuf [dreg:s7], $0x2FFFF;
	_ =	strace $0x9FFFFFFF  }
0xc4: {  	(tm) =	ssettm $0x7FFFFFFF  }
0xc5: {  	_ =	shalt  }
tec
execute0_lowered:
.L_overlay_start_1:
0x0: {  	(tag) =	ssettag $0x1  }
0x1: {  	s0 =	srdreg.scid;
	s1 =	rddreg [dreg:$0x0]  }
0x2: {  	s9 =	stileid.u32;
	s5 =	rddreg [dreg:$0x1]  }
0x3: {  	s4 =	simm.s32 $0x0;
	s13 =	simm.s32 $0x2800;
	s17 =	simm.s32 $0x1  }
0x4: {  	s18 =	simm.s32 $0x2;
	s19 =	simm.s32 $0x3;
	s20 =	simm.s32 $0x4  }
0x5: {  	s21 =	simm.s32 $0xFA;
	s22 =	simm.s32 $0x5000;
	s30 =	simm.s32 $0xC530  }
0x6: {  	s31 =	simm.s32 $0x5;
	s23 =	simm.s32 $0x8;
	s29 =	simm.s32 $0x9  }
0x7: {  	s0 =	sand.u32 $0x1, s0;
	s10 =	smul.u32 $0x61A8, s9;
	[smem:$0x7FF] =	sst s4  }
0x8: {  	s25 =	sadd.s32 $0x16A00, s5;
	s2 =	sshll.u32 s0, $0x4;
	s7 =	smul.u32 $0x61A80, s0  }
0x9: {  	s0 =	ssub.s32 $0x2, s0;
	s3 =	sor.u32 s9, s2;
	s2 =	rddreg [dreg:$0x2]  }
0xa: {  	s26 =	sshrl.u32 s0, $0x1;
	s11 =	sshrl.u32 s10, $0x3;
	s6 =	smul.u32 $0x2800, s3  }
0xb: {  	s3 =	rddreg [dreg:$0x3];
	_ =	strace $0x80000050;
	s7 =	sadd.s32 s10, s7  }
0xc: {  	[dreg:$0x5] =	wrdreg s25;
	s0 =	ssub.s32 s0, s26;
	s14 =	sadd.s32 s10, s2  }
0xd: {  	s26 =	simm.s32 $0x9E20;
	s25 =	simm.s32 $0x0;
	s24 =	sshrl.u32 s7, $0x3  }
0xe: {  	s16 =	sadd.s32 s10, s3;
	s10 =	sadd.s32 s1, s11;
	s12 =	smax.u32 s0, $0x1  }
0xf: {  	s14 =	sshrl.u32 s14, $0x3;
	s1 =	simm.s32 $0x6;
	s6 =	sshrl.u32 s6, $0x3  }
0x10: {  	s0 =	simm.s32 $0x7;
	s16 =	sshrl.u32 s16, $0x3;
	s8 =	sadd.s32 s6, s5  }
0x11: {  	s5 =	sadd.s32 s24, s5;
	s24 =	simm.s32 $0x7710;
	s28 =	sadd.s32 $0x2A00, s8  }
0x12: {  	s7 =	sadd.s32 $0xCA00, s8;
	s8 =	sshll.u32 s9, $0x6;
	s11 =	sadd.s32 $0x17800, s5  }
0x13: {  	[dreg:$0x6] =	wrdreg s28;
	s9 =	sor.u32 $0x1C03, s8;
	s15 =	sor.u32 $0x1C04, s8  }
.LBB2_1:
0x14: {  	s5 =	rddreg [dreg:$0x6]  }
0x15: {  	[tilespmem:s4], [sflag:$0x1] =	stream.linear.gather [hbm4b:s5+s4], $0x2800, $0x38;
	[tilespmem:$0x1AF90] =	vst v63  }
0x16: {  	s6 =	rddreg [dreg:$0x5]  }
0x17: {  	[tilespmem:s13], [sflag:$0x2] =	stream.linear.gather [hbm4b:s7+s4], $0x2800, $0x38;
	[tilespmem:$0x1AF90] =	vst v63  }
0x18: {  	[spmem:s14], [sflag:s9] =	dma.local [hbm:s6], $0xC35  }
0x19: {  	[spmem:s16], [sflag:s15] =	dma.local [hbm:s10], $0xC35  }
0x1a: {  	_ =	swait.ge [sflag:s17], $0x2800  }
0x1b: {  	[sflag:s17] =	ssyncset.done $0x0  }
0x1c: {  	[sflag:s17] =	ssyncadd.s32 $0xFFFFD800  }
0x1d: {  	_ =	swait.ge [sflag:s18], $0x2800  }
0x1e: {  	[sflag:s18] =	ssyncset.done $0x0  }
0x1f: {  	[sflag:s18] =	ssyncadd.s32 $0xFFFFD800  }
0x20: {  	_ =	swait.ge [sflag:s19], $0xC35  }
0x21: {  	[sflag:s19] =	ssyncset.done $0x0  }
0x22: {  	[sflag:s19] =	ssyncadd.s32 $0xFFFFF3CB  }
0x23: {  	_ =	swait.ge [sflag:s20], $0xC35  }
0x24: {  	[sflag:s20] =	ssyncset.done $0x0  }
0x25: {  	[sflag:s20] =	ssyncadd.s32 $0xFFFFF3CB  }
0x26: {  	[bflag:$0x0] =	sbarrier.arrive $0xFFFF  }
0x27: {  	[tilespmem:s22], [sflag:$0x1] =	stream.indirect.gather [spmem:s3], $0x28, s4, s21, $0xb8;
	[tilespmem:$0x1AF90] =	vst v63  }
0x28: {  	s6 =	simm.s32 $0x100  }
0x29: {  	[tilespmem:s24], [sflag:$0x2] =	stream.indirect.gather [spmem:s3], $0x28, s6, s21, $0xb8;
	[tilespmem:$0x1AF90] =	vst v63  }
0x2a: {  	_ =	swait.ge [sflag:s17], $0x2710  }
0x2b: {  	[sflag:s17] =	ssyncset.done $0x0  }
0x2c: {  	[sflag:s17] =	ssyncadd.s32 $0xFFFFD8F0  }
0x2d: {  	[spmem:s2] =	stream.indirect.scatter.add.f32 [tilespmem:s22], [sflag:$0x5], $0x28, s13, s21, $0xb8;
	[tilespmem:$0x1AF90] =	vst v63  }
0x2e: {  	s6 =	simm.s32 $0x200  }
0x2f: {  	[tilespmem:s26], [sflag:$0x3] =	stream.indirect.gather [spmem:s3], $0x28, s6, s21, $0xb8;
	[tilespmem:$0x1AF90] =	vst v63  }
0x30: {  	_ =	swait.ge [sflag:s18], $0x2710  }
0x31: {  	[sflag:s18] =	ssyncset.done $0x0  }
0x32: {  	s6 =	simm.s32 $0x2900;
	[sflag:s18] =	ssyncadd.s32 $0xFFFFD8F0  }
0x33: {  	[spmem:s2] =	stream.indirect.scatter.add.f32 [tilespmem:s24], [sflag:$0x6], $0x28, s6, s21, $0xb8;
	[tilespmem:$0x1AF90] =	vst v63  }
0x34: {  	s6 =	simm.s32 $0x300  }
0x35: {  	[tilespmem:s30], [sflag:$0x4] =	stream.indirect.gather [spmem:s3], $0x28, s6, s21, $0xb8;
	[tilespmem:$0x1AF90] =	vst v63  }
0x36: {  	_ =	swait.ge [sflag:s19], $0x2710  }
0x37: {  	[sflag:s19] =	ssyncset.done $0x0  }
0x38: {  	s6 =	simm.s32 $0x2A00;
	[sflag:s19] =	ssyncadd.s32 $0xFFFFD8F0  }
0x39: {  	[spmem:s2] =	stream.indirect.scatter.add.f32 [tilespmem:s26], [sflag:$0x7], $0x28, s6, s21, $0xb8;
	[tilespmem:$0x1AF90] =	vst v63  }
0x3a: {  	_ =	swait.ge [sflag:s31], $0x2710  }
0x3b: {  	[sflag:s31] =	ssyncset.done $0x0  }
0x3c: {  	s6 =	simm.s32 $0x400;
	[sflag:s31] =	ssyncadd.s32 $0xFFFFD8F0  }
0x3d: {  	[tilespmem:s22], [sflag:$0x1] =	stream.indirect.gather [spmem:s3], $0x28, s6, s21, $0xb8;
	[tilespmem:$0x1AF90] =	vst v63  }
0x3e: {  	_ =	swait.ge [sflag:s20], $0x2710  }
0x3f: {  	[sflag:s20] =	ssyncset.done $0x0  }
0x40: {  	s6 =	simm.s32 $0x2B00;
	[sflag:s20] =	ssyncadd.s32 $0xFFFFD8F0  }
0x41: {  	[spmem:s2] =	stream.indirect.scatter.add.f32 [tilespmem:s30], [sflag:$0x8], $0x28, s6, s21, $0xb8;
	[tilespmem:$0x1AF90] =	vst v63  }
0x42: {  	_ =	swait.ge [sflag:s1], $0x2710  }
0x43: {  	[sflag:s1] =	ssyncset.done $0x0  }
0x44: {  	s6 =	simm.s32 $0x500;
	[sflag:s1] =	ssyncadd.s32 $0xFFFFD8F0  }
0x45: {  	[tilespmem:s24], [sflag:$0x2] =	stream.indirect.gather [spmem:s3], $0x28, s6, s21, $0xb8;
	[tilespmem:$0x1AF90] =	vst v63  }
0x46: {  	_ =	swait.ge [sflag:s17], $0x2710  }
0x47: {  	[sflag:s17] =	ssyncset.done $0x0  }
0x48: {  	s6 =	simm.s32 $0x2C00;
	[sflag:s17] =	ssyncadd.s32 $0xFFFFD8F0  }
0x49: {  	[spmem:s2] =	stream.indirect.scatter.add.f32 [tilespmem:s22], [sflag:$0x5], $0x28, s6, s21, $0xb8;
	[tilespmem:$0x1AF90] =	vst v63  }
0x4a: {  	_ =	swait.ge [sflag:s0], $0x2710  }
0x4b: {  	[sflag:s0] =	ssyncset.done $0x0  }
0x4c: {  	s6 =	simm.s32 $0x600;
	[sflag:s0] =	ssyncadd.s32 $0xFFFFD8F0  }
0x4d: {  	[tilespmem:s26], [sflag:$0x3] =	stream.indirect.gather [spmem:s3], $0x28, s6, s21, $0xb8;
	[tilespmem:$0x1AF90] =	vst v63  }
0x4e: {  	_ =	swait.ge [sflag:s18], $0x2710  }
0x4f: {  	[sflag:s18] =	ssyncset.done $0x0  }
0x50: {  	s6 =	simm.s32 $0x2D00;
	[sflag:s18] =	ssyncadd.s32 $0xFFFFD8F0  }
0x51: {  	[spmem:s2] =	stream.indirect.scatter.add.f32 [tilespmem:s24], [sflag:$0x6], $0x28, s6, s21, $0xb8;
	[tilespmem:$0x1AF90] =	vst v63  }
0x52: {  	_ =	swait.ge [sflag:s23], $0x2710  }
0x53: {  	[sflag:s23] =	ssyncset.done $0x0  }
0x54: {  	s28 =	simm.s32 $0x1000;
	s5 =	simm.s32 $0x700;
	[sflag:s23] =	ssyncadd.s32 $0xFFFFD8F0  }
.LBB2_2:
0x55: {  	[tilespmem:s30], [sflag:$0x4] =	stream.indirect.gather [spmem:s3], $0x28, s5, s21, $0xb8;
	[tilespmem:$0x1AF90] =	vst v63  }
0x56: {  	s5 =	smov.u32 s28  }
0x57: {  	p0 =	sne.s32 s28, $0x8000;
	s28 =	sadd.s32 $0x1000, s28;
	_ =	swait.ge [sflag:s19], $0x2710  }
0x58: {  	s5 =	sshra.s32 s5, $0x2;
	[sflag:s19] =	ssyncset.done $0x0  }
0x59: {  	s6 =	sadd.s32 $0x2A00, s5;
	[sflag:s19] =	ssyncadd.s32 $0xFFFFD8F0  }
0x5a: {  	[spmem:s2] =	stream.indirect.scatter.add.f32 [tilespmem:s26], [sflag:$0x7], $0x28, s6, s21, $0xb8;
	[tilespmem:$0x1AF90] =	vst v63  }
0x5b: {  	_ =	swait.ge [sflag:s31], $0x2710  }
0x5c: {  	[sflag:s31] =	ssyncset.done $0x0  }
0x5d: {  	s6 =	sadd.s32 $0x400, s5;
	[sflag:s31] =	ssyncadd.s32 $0xFFFFD8F0  }
0x5e: {  	[tilespmem:s22], [sflag:$0x1] =	stream.indirect.gather [spmem:s3], $0x28, s6, s21, $0xb8;
	[tilespmem:$0x1AF90] =	vst v63  }
0x5f: {  	_ =	swait.ge [sflag:s20], $0x2710  }
0x60: {  	[sflag:s20] =	ssyncset.done $0x0  }
0x61: {  	s6 =	sadd.s32 $0x2B00, s5;
	[sflag:s20] =	ssyncadd.s32 $0xFFFFD8F0  }
0x62: {  	[spmem:s2] =	stream.indirect.scatter.add.f32 [tilespmem:s30], [sflag:$0x8], $0x28, s6, s21, $0xb8;
	[tilespmem:$0x1AF90] =	vst v63  }
0x63: {  	_ =	swait.ge [sflag:s1], $0x2710  }
0x64: {  	[sflag:s1] =	ssyncset.done $0x0  }
0x65: {  	s6 =	sadd.s32 $0x500, s5;
	[sflag:s1] =	ssyncadd.s32 $0xFFFFD8F0  }
0x66: {  	[tilespmem:s24], [sflag:$0x2] =	stream.indirect.gather [spmem:s3], $0x28, s6, s21, $0xb8;
	[tilespmem:$0x1AF90] =	vst v63  }
0x67: {  	_ =	swait.ge [sflag:s17], $0x2710  }
0x68: {  	[sflag:s17] =	ssyncset.done $0x0  }
0x69: {  	s6 =	sadd.s32 $0x2C00, s5;
	[sflag:s17] =	ssyncadd.s32 $0xFFFFD8F0  }
0x6a: {  	[spmem:s2] =	stream.indirect.scatter.add.f32 [tilespmem:s22], [sflag:$0x5], $0x28, s6, s21, $0xb8;
	[tilespmem:$0x1AF90] =	vst v63  }
0x6b: {  	_ =	swait.ge [sflag:s0], $0x2710  }
0x6c: {  	[sflag:s0] =	ssyncset.done $0x0  }
0x6d: {  	s6 =	sadd.s32 $0x600, s5;
	[sflag:s0] =	ssyncadd.s32 $0xFFFFD8F0  }
0x6e: {  	[tilespmem:s26], [sflag:$0x3] =	stream.indirect.gather [spmem:s3], $0x28, s6, s21, $0xb8;
	[tilespmem:$0x1AF90] =	vst v63  }
0x6f: {  	_ =	swait.ge [sflag:s18], $0x2710  }
0x70: {  	[sflag:s18] =	ssyncset.done $0x0  }
.Ltmp0:
0x71: {  	s6 =	sadd.s32 $0x2D00, s5;
	[sflag:s18] =	ssyncadd.s32 $0xFFFFD8F0;
	(pc) =	sbr.rel @p0 .LBB2_2-.Ltmp0, $4  }
0x72: {  	[spmem:s2] =	stream.indirect.scatter.add.f32 [tilespmem:s24], [sflag:$0x6], $0x28, s6, s21, $0xb8;
	[tilespmem:$0x1AF90] =	vst v63  }
0x73: {  	_ =	swait.ge [sflag:s23], $0x2710  }
0x74: {  	[sflag:s23] =	ssyncset.done $0x0  }
0x75: {  	s5 =	sadd.s32 $0x700, s5;
	[sflag:s23] =	ssyncadd.s32 $0xFFFFD8F0  }
0x76: {  	[tilespmem:s30], [sflag:$0x4] =	stream.indirect.gather [spmem:s3], $0x28, s5, s21, $0xb8;
	[tilespmem:$0x1AF90] =	vst v63  }
0x77: {  	_ =	swait.ge [sflag:s19], $0x2710  }
0x78: {  	[sflag:s19] =	ssyncset.done $0x0  }
0x79: {  	s28 =	simm.s32 $0x4E00;
	[sflag:s19] =	ssyncadd.s32 $0xFFFFD8F0  }
0x7a: {  	[spmem:s2] =	stream.indirect.scatter.add.f32 [tilespmem:s26], [sflag:$0x7], $0x28, s28, s21, $0xb8;
	[tilespmem:$0x1AF90] =	vst v63  }
0x7b: {  	_ =	swait.ge [sflag:s31], $0x2710  }
0x7c: {  	[sflag:s31] =	ssyncset.done $0x0  }
0x7d: {  	[sflag:s31] =	ssyncadd.s32 $0xFFFFD8F0  }
0x7e: {  	_ =	swait.ge [sflag:s20], $0x2710  }
0x7f: {  	[sflag:s20] =	ssyncset.done $0x0  }
0x80: {  	s6 =	simm.s32 $0x4F00;
	[sflag:s20] =	ssyncadd.s32 $0xFFFFD8F0  }
0x81: {  	[spmem:s2] =	stream.indirect.scatter.add.f32 [tilespmem:s30], [sflag:$0x8], $0x28, s6, s21, $0xb8;
	[tilespmem:$0x1AF90] =	vst v63  }
0x82: {  	_ =	swait.ge [sflag:s1], $0x2710  }
0x83: {  	[sflag:s1] =	ssyncset.done $0x0  }
0x84: {  	[sflag:s1] =	ssyncadd.s32 $0xFFFFD8F0  }
0x85: {  	_ =	swait.ge [sflag:s0], $0x2710  }
0x86: {  	[sflag:s0] =	ssyncset.done $0x0  }
0x87: {  	[sflag:s0] =	ssyncadd.s32 $0xFFFFD8F0  }
0x88: {  	_ =	swait.ge [sflag:s23], $0x2710  }
0x89: {  	s25 =	sadd.s32 $0x1, s25;
	[sflag:s23] =	ssyncset.done $0x0  }
0x8a: {  	p0 =	sne.s32 s25, s12;
	[sflag:s23] =	ssyncadd.s32 $0xFFFFD8F0  }
.Ltmp1:
0x8b: {  	s28 =	sor.u32 $0x1C09, s8;
	[bflag:$0x0] =	sbarrier.arrive $0xFFFF;
	(pc) =	sbr.rel @p0 .LBB2_1-.Ltmp1, $4  }
0x8c: {  	[hbm:s11], [sflag:s28] =	dma.local [spmem:s14], $0xC35  }
0x8d: {  	_ =	swait.ge [sflag:s29], $0xC35  }
0x8e: {  	[sflag:s29] =	ssyncset.done $0x0  }
0x8f: {  	[sflag:s29] =	ssyncadd.s32 $0xFFFFF3CB  }
0x90: {  	_ =	sfence.sel $0x180000  }
0x91: {  	[bflag:$0x0] =	sbarrier.arrive $0xFFFF  }
0x92: {  	_ =	strace $0x90000050  }
0x93: {  	s0 =	stileid.u32;
	[bflag:$0x2] =	sbarrier.arrive $0xFFFF  }
0x94: {  	p0 =	sne.s32 s0, $0x0;
	s0 =	rddreg [dreg:$0x4]  }
0x95: {  	s0 =	sadd.s32 @!p0 $0x100000, s0  }
0x96: {  	[sflag:s0] =	ssyncadd.tile.s32 @!p0 $0x1;
	_ =	shalt  }
.Lfunc_end2:
_tile_overlayer_lowered:
.L_overlay_start_2:
0x97: {  	(tag) =	ssettag $0x2  }
0x98: {  	s0 =	rddreg [dreg:$0x0];
	s2 =	stileid.u32  }
0x99: {  	s1 =	rddreg [dreg:$0x1];
	p0 =	sne.s32 s2, $0x0  }
0x9a: {  	s3 =	rddreg [dreg:$0x2];
	[bflag:$0x3] =	sbarrier.arrive $0xFFFF;
	s2 =	simm.s32 @!p0 $0x1C09  }
0x9b: {  	[timem:s3], [sflag:s2] =	dma.local @!p0 [hbm:s0], s1  }
0x9c: {  	s0 =	simm.s32 @!p0 $0x9  }
0x9d: {  	_ =	swait.ge @!p0 [sflag:s0], s1  }
0x9e: {  	s1 =	ssub.s32 @!p0 $0x0, s1;
	[sflag:s0] =	ssyncset.done @!p0 $0x0  }
0x9f: {  	[sflag:s0] =	ssyncadd.s32 @!p0 s1  }
0xa0: {  	[bflag:$0x3] =	sbarrier.arrive $0xFFFF  }
0xa1: {  	_ =	shalt  }

</sc_bundles>
